<compile_context>
chip_gen: v7x
topology: tpu7x:2x2x1
jax: 0.10.2.dev20260603
libtpu: 0.0.44.dev20260713+nightly
codegen_flags: <defaults>
</compile_context>

<pallas_src>
import functools

import jax
import jax.numpy as jnp
from jax import lax
from jax.experimental import pallas as pl
from jax.experimental.pallas import tpu as pltpu
from jax.experimental.pallas import tpu_sc as plsc

_B = 16384
_D = 32
_K = 5
_CLIP = 10.0

_NC = 2
_NS = 16
_L = 16
_NW = _NC * _NS
_BW = _B // _NW
_CH = 128


def _sc_scores(center_ids, context_ids, neg_ids_flat, center_emb, context_emb):
  mesh = plsc.VectorSubcoreMesh(core_axis_name="c", subcore_axis_name="s")

  @functools.partial(
      pl.kernel,
      mesh=mesh,
      compiler_params=pltpu.CompilerParams(
          needs_layout_passes=False, use_tc_tiling_on_sc=False),
      out_type=[
          jax.ShapeDtypeStruct((_B,), jnp.float32),
          jax.ShapeDtypeStruct((_B * _K,), jnp.float32),
      ],
      scratch_types=[
          pltpu.VMEM((_BW,), jnp.int32),
          pltpu.VMEM((_BW,), jnp.int32),
          pltpu.VMEM((_BW * _K,), jnp.int32),
          pltpu.VMEM((_BW, _D), jnp.float32),
          pltpu.VMEM((_BW, _D), jnp.float32),
          pltpu.VMEM((_BW * _K, _D), jnp.float32),
          pltpu.VMEM((_BW,), jnp.float32),
          pltpu.VMEM((_BW * _K,), jnp.float32),
          pltpu.SemaphoreType.DMA,
      ],
  )
  def body(cid_hbm, xid_hbm, nid_hbm, cemb_hbm, xemb_hbm,
           pos_hbm, neg_hbm,
           idx_c, idx_x, idx_n, rows_c, rows_x, rows_n, pos_v, neg_v, sem):
    wid = lax.axis_index("s") * _NC + lax.axis_index("c")
    base = wid * _BW
    nbase = wid * (_BW * _K)

    pltpu.sync_copy(cid_hbm.at[pl.ds(base, _BW)], idx_c)
    pltpu.sync_copy(xid_hbm.at[pl.ds(base, _BW)], idx_x)
    pltpu.sync_copy(nid_hbm.at[pl.ds(nbase, _BW * _K)], idx_n)

    copies = []
    for j in range(_BW // _CH):
      sl = pl.ds(j * _CH, _CH)
      copies.append(pltpu.async_copy(cemb_hbm.at[idx_c.at[sl]], rows_c.at[sl], sem))
      copies.append(pltpu.async_copy(xemb_hbm.at[idx_x.at[sl]], rows_x.at[sl], sem))
    for j in range(_BW * _K // _CH):
      sl = pl.ds(j * _CH, _CH)
      copies.append(pltpu.async_copy(xemb_hbm.at[idx_n.at[sl]], rows_n.at[sl], sem))
    for c in copies:
      c.wait()

    iota = lax.iota(jnp.int32, _L)

    def group(g, carry):
      b_vec = g * _L + iota
      b5 = b_vec * _K
      acc_p = jnp.zeros((_L,), jnp.float32)
      accs = [jnp.zeros((_L,), jnp.float32) for _ in range(_K)]
      for d in range(_D):
        dcol = jnp.full((_L,), d, jnp.int32)
        c_col = plsc.load_gather(rows_c, [b_vec, dcol])
        x_col = plsc.load_gather(rows_x, [b_vec, dcol])
        acc_p = acc_p + c_col * x_col
        for k in range(_K):
          n_col = plsc.load_gather(rows_n, [b5 + k, dcol])
          accs[k] = accs[k] + c_col * n_col
      pos_v[pl.ds(g * _L, _L)] = acc_p
      for k in range(_K):
        neg_v[pl.ds(k * _BW + g * _L, _L)] = accs[k]
      return carry

    lax.fori_loop(0, _BW // _L, group, 0)

    pltpu.sync_copy(pos_v, pos_hbm.at[pl.ds(base, _BW)])
    pltpu.sync_copy(neg_v, neg_hbm.at[pl.ds(nbase, _BW * _K)])

  return body(center_ids, context_ids, neg_ids_flat, center_emb, context_emb)


def _finish_body(pos_ref, neg_ref, out_ref):
  p = jnp.clip(pos_ref[...], -_CLIP, _CLIP)
  n = jnp.clip(neg_ref[...], -_CLIP, _CLIP)
  lp = jnp.maximum(-p, 0.0) + jnp.log1p(jnp.exp(-jnp.abs(p)))
  ln = jnp.maximum(n, 0.0) + jnp.log1p(jnp.exp(-jnp.abs(n)))
  total = jnp.sum(lp) + jnp.sum(ln)
  out_ref[...] = jnp.reshape(total * (1.0 / _B), (1, 1))


def kernel(center_ids, context_ids, neg_context_ids, center_emb, context_emb):
  cid = center_ids.astype(jnp.int32)
  xid = context_ids.astype(jnp.int32)
  nid = neg_context_ids.astype(jnp.int32).reshape(-1)
  pos, neg = _sc_scores(cid, xid, nid, center_emb, context_emb)
  out = pl.pallas_call(
      _finish_body,
      out_shape=jax.ShapeDtypeStruct((1, 1), jnp.float32),
  )(pos.reshape(_B // 128, 128), neg.reshape(_B * _K // 128, 128))
  return out[0, 0]

# --- scband reference (transcript-rebuilt; emitter-appended) ---
"""Pipeline reference for scband-skip-gram-negative-sampling-4913442586663 (READ-ONLY COPY).

The authoritative reference and input builder live on the scoring server;
editing this copy changes nothing except your own understanding.
"""

import jax, jax.numpy as jnp
import numpy as np

VOCAB = 1000000
EMBED_DIM = 32
BATCH = 16384
NUM_NEG = 5


def setup_inputs(seed: int = 0) -> dict:
    key = jax.random.key(seed)
    k1, k2, k3, k4, k5 = jax.random.split(key, 5)
    center_ids = jax.random.randint(k1, (BATCH,), 0, VOCAB, dtype=jnp.int64 if jax.config.jax_enable_x64 else jnp.int32)
    context_ids = jax.random.randint(k2, (BATCH,), 0, VOCAB, dtype=jnp.int64 if jax.config.jax_enable_x64 else jnp.int32)
    neg_context_ids = jax.random.randint(k3, (BATCH, NUM_NEG), 0, VOCAB, dtype=jnp.int64 if jax.config.jax_enable_x64 else jnp.int32)
    init_range = 1.0 / EMBED_DIM
    center_emb = jax.random.uniform(k4, (VOCAB, EMBED_DIM), dtype=jnp.float32, minval=-init_range, maxval=init_range)
    # Original torch code initializes context embedding to zeros; we use small random
    # values so the forward output is numerically non-degenerate.
    context_emb = jax.random.normal(k5, (VOCAB, EMBED_DIM), dtype=jnp.float32) * 0.01
    return {
        "center_ids": center_ids,
        "context_ids": context_ids,
        "neg_context_ids": neg_context_ids,
        "center_emb": center_emb,
        "context_emb": context_emb,
    }


def reference(center_ids, context_ids, neg_context_ids, center_emb, context_emb):
    # Positive pairs
    center_vectors = jnp.take(center_emb, center_ids, axis=0)      # [B, D]
    context_vectors = jnp.take(context_emb, context_ids, axis=0)    # [B, D]
    score = jnp.sum(center_vectors * context_vectors, axis=1)       # [B]
    score = jnp.clip(score, -10.0, 10.0)
    score = -jax.nn.log_sigmoid(score)
    # Negative samples (sampled ids passed in as input for determinism)
    neg_context_vectors = jnp.take(context_emb, neg_context_ids, axis=0)  # [B, K, D]
    neg_score = jnp.einsum('bkd,bd->bk', neg_context_vectors, center_vectors)  # bmm squeeze
    neg_score = jnp.clip(neg_score, -10.0, 10.0)
    neg_score = -jnp.sum(jax.nn.log_sigmoid(-neg_score), axis=1)
    return jnp.mean(score + neg_score)

if __name__ == "__main__":
    import jax
    _d = setup_inputs()
    print(jax.jit(kernel)(*tuple(_d.values())))

</pallas_src>

<mosaic_0001>
#map = affine_map<(d0, d1) -> (0)>
#map1 = affine_map<(d0, d1) -> (0, 0)>
module attributes {stable_mosaic.version = 14 : i64} {
  func.func @body(%arg0: i32, %arg1: i32, %arg2: memref<16384xi32, #tpu.memory_space<hbm>>, %arg3: memref<16384xi32, #tpu.memory_space<hbm>>, %arg4: memref<81920xi32, #tpu.memory_space<hbm>>, %arg5: memref<1000000x32xf32, #tpu.memory_space<hbm>>, %arg6: memref<1000000x32xf32, #tpu.memory_space<hbm>>, %arg7: memref<16384xf32, #tpu.memory_space<hbm>>, %arg8: memref<81920xf32, #tpu.memory_space<hbm>>, %arg9: memref<512xi32, #tpu.memory_space<vmem>>, %arg10: memref<512xi32, #tpu.memory_space<vmem>>, %arg11: memref<2560xi32, #tpu.memory_space<vmem>>, %arg12: memref<512x32xf32, #tpu.memory_space<vmem>>, %arg13: memref<512x32xf32, #tpu.memory_space<vmem>>, %arg14: memref<2560x32xf32, #tpu.memory_space<vmem>>, %arg15: memref<512xf32, #tpu.memory_space<vmem>>, %arg16: memref<2560xf32, #tpu.memory_space<vmem>>, %arg17: memref<!tpu.dma_semaphore, #tpu.memory_space<semaphore_mem>>) attributes {dimension_semantics = [#tpu.dimension_semantics<core_parallel>, #tpu.dimension_semantics<subcore_parallel>], iteration_bounds = array<i64: 2, 16>, scalar_prefetch = 0 : i64, scratch_operands = 9 : i64, tpu.core_type = #tpu.core_type<sc_vector_subcore>, window_params = [{transform_indices = #map}, {transform_indices = #map}, {transform_indices = #map}, {transform_indices = #map1}, {transform_indices = #map1}, {transform_indices = #map}, {transform_indices = #map}]} {
    %mul3A = arith.constant 2 : i32
    %mul3A_0 = arith.muli %arg1, %mul3A : i32
    %add3A = arith.addi %mul3A_0, %arg0 : i32
    %mul3A_1 = arith.constant 512 : i32
    %mul3A_2 = arith.muli %add3A, %mul3A_1 : i32
    %mul3A_3 = arith.constant 2560 : i32
    %mul3A_4 = arith.muli %add3A, %mul3A_3 : i32
    "tpu.region"() ({
      %run_scoped3A = tpu.sem_alloc : memref<!tpu.dma_semaphore, #tpu.memory_space<semaphore_mem>>
      %dma_start3A_456 = tpu.memref_slice %arg2[%mul3A_2] : memref<16384xi32, #tpu.memory_space<hbm>> -> memref<512xi32, #tpu.memory_space<hbm>>
      %dma_start3A_457 = tpu.memref_slice %arg2[%mul3A_2] : memref<16384xi32, #tpu.memory_space<hbm>> -> memref<512xi32, #tpu.memory_space<hbm>>
      tpu.enqueue_dma source(%dma_start3A_457 : memref<512xi32, #tpu.memory_space<hbm>>) target(%arg9 : memref<512xi32, #tpu.memory_space<vmem>>) target_semaphore(%run_scoped3A : memref<!tpu.dma_semaphore, #tpu.memory_space<semaphore_mem>>)
      %dma_wait3A_458 = tpu.memref_slice %arg2[%mul3A_2] : memref<16384xi32, #tpu.memory_space<hbm>> -> memref<512xi32, #tpu.memory_space<hbm>>
      %dma_wait3A_459 = tpu.memref_slice %arg2[%mul3A_2] : memref<16384xi32, #tpu.memory_space<hbm>> -> memref<512xi32, #tpu.memory_space<hbm>>
      tpu.wait_dma2 semaphore(%run_scoped3A : memref<!tpu.dma_semaphore, #tpu.memory_space<semaphore_mem>>) src(%dma_wait3A_459 : memref<512xi32, #tpu.memory_space<hbm>>) dst(%arg9 : memref<512xi32, #tpu.memory_space<vmem>>)
      tpu.yield
    }) : () -> ()
    "tpu.region"() ({
      %run_scoped3A = tpu.sem_alloc : memref<!tpu.dma_semaphore, #tpu.memory_space<semaphore_mem>>
      %dma_start3A_456 = tpu.memref_slice %arg3[%mul3A_2] : memref<16384xi32, #tpu.memory_space<hbm>> -> memref<512xi32, #tpu.memory_space<hbm>>
      %dma_start3A_457 = tpu.memref_slice %arg3[%mul3A_2] : memref<16384xi32, #tpu.memory_space<hbm>> -> memref<512xi32, #tpu.memory_space<hbm>>
      tpu.enqueue_dma source(%dma_start3A_457 : memref<512xi32, #tpu.memory_space<hbm>>) target(%arg10 : memref<512xi32, #tpu.memory_space<vmem>>) target_semaphore(%run_scoped3A : memref<!tpu.dma_semaphore, #tpu.memory_space<semaphore_mem>>)
      %dma_wait3A_458 = tpu.memref_slice %arg3[%mul3A_2] : memref<16384xi32, #tpu.memory_space<hbm>> -> memref<512xi32, #tpu.memory_space<hbm>>
      %dma_wait3A_459 = tpu.memref_slice %arg3[%mul3A_2] : memref<16384xi32, #tpu.memory_space<hbm>> -> memref<512xi32, #tpu.memory_space<hbm>>
      tpu.wait_dma2 semaphore(%run_scoped3A : memref<!tpu.dma_semaphore, #tpu.memory_space<semaphore_mem>>) src(%dma_wait3A_459 : memref<512xi32, #tpu.memory_space<hbm>>) dst(%arg10 : memref<512xi32, #tpu.memory_space<vmem>>)
      tpu.yield
    }) : () -> ()
    "tpu.region"() ({
      %run_scoped3A = tpu.sem_alloc : memref<!tpu.dma_semaphore, #tpu.memory_space<semaphore_mem>>
      %dma_start3A_456 = tpu.memref_slice %arg4[%mul3A_4] : memref<81920xi32, #tpu.memory_space<hbm>> -> memref<2560xi32, #tpu.memory_space<hbm>>
      %dma_start3A_457 = tpu.memref_slice %arg4[%mul3A_4] : memref<81920xi32, #tpu.memory_space<hbm>> -> memref<2560xi32, #tpu.memory_space<hbm>>
      tpu.enqueue_dma source(%dma_start3A_457 : memref<2560xi32, #tpu.memory_space<hbm>>) target(%arg11 : memref<2560xi32, #tpu.memory_space<vmem>>) target_semaphore(%run_scoped3A : memref<!tpu.dma_semaphore, #tpu.memory_space<semaphore_mem>>)
      %dma_wait3A_458 = tpu.memref_slice %arg4[%mul3A_4] : memref<81920xi32, #tpu.memory_space<hbm>> -> memref<2560xi32, #tpu.memory_space<hbm>>
      %dma_wait3A_459 = tpu.memref_slice %arg4[%mul3A_4] : memref<81920xi32, #tpu.memory_space<hbm>> -> memref<2560xi32, #tpu.memory_space<hbm>>
      tpu.wait_dma2 semaphore(%run_scoped3A : memref<!tpu.dma_semaphore, #tpu.memory_space<semaphore_mem>>) src(%dma_wait3A_459 : memref<2560xi32, #tpu.memory_space<hbm>>) dst(%arg11 : memref<2560xi32, #tpu.memory_space<vmem>>)
      tpu.yield
    }) : () -> ()
    %dma_start3A = arith.constant 0 : i32
    %dma_start3A_5 = arith.constant 0 : i32
    %dma_start3A_6 = tpu.memref_slice %arg12[%dma_start3A, %dma_start3A_5] : memref<512x32xf32, #tpu.memory_space<vmem>> -> memref<128x32xf32, #tpu.memory_space<vmem>>
    %dma_start3A_7 = arith.constant 0 : i32
    %dma_start3A_8 = tpu.memref_slice %arg9[%dma_start3A_7] : memref<512xi32, #tpu.memory_space<vmem>> -> memref<128xi32, #tpu.memory_space<vmem>>
    %dma_start3A_9 = arith.constant 0 : i32
    %dma_start3A_10 = arith.constant 0 : i32
    %dma_start3A_11 = tpu.memref_slice %arg5[%dma_start3A_9, %dma_start3A_10] : memref<1000000x32xf32, #tpu.memory_space<hbm>> -> memref<1000000x32xf32, #tpu.memory_space<hbm>>
    tpu.enqueue_indirect_dma source(%dma_start3A_11 : memref<1000000x32xf32, #tpu.memory_space<hbm>>) target(%dma_start3A_6 : memref<128x32xf32, #tpu.memory_space<vmem>>) offsets(%dma_start3A_8 : memref<128xi32, #tpu.memory_space<vmem>>) semaphore(%arg17 : memref<!tpu.dma_semaphore, #tpu.memory_space<semaphore_mem>>)
    %dma_start3A_12 = arith.constant 0 : i32
    %dma_start3A_13 = arith.constant 0 : i32
    %dma_start3A_14 = tpu.memref_slice %arg13[%dma_start3A_12, %dma_start3A_13] : memref<512x32xf32, #tpu.memory_space<vmem>> -> memref<128x32xf32, #tpu.memory_space<vmem>>
    %dma_start3A_15 = arith.constant 0 : i32
    %dma_start3A_16 = tpu.memref_slice %arg10[%dma_start3A_15] : memref<512xi32, #tpu.memory_space<vmem>> -> memref<128xi32, #tpu.memory_space<vmem>>
    %dma_start3A_17 = arith.constant 0 : i32
    %dma_start3A_18 = arith.constant 0 : i32
    %dma_start3A_19 = tpu.memref_slice %arg6[%dma_start3A_17, %dma_start3A_18] : memref<1000000x32xf32, #tpu.memory_space<hbm>> -> memref<1000000x32xf32, #tpu.memory_space<hbm>>
    tpu.enqueue_indirect_dma source(%dma_start3A_19 : memref<1000000x32xf32, #tpu.memory_space<hbm>>) target(%dma_start3A_14 : memref<128x32xf32, #tpu.memory_space<vmem>>) offsets(%dma_start3A_16 : memref<128xi32, #tpu.memory_space<vmem>>) semaphore(%arg17 : memref<!tpu.dma_semaphore, #tpu.memory_space<semaphore_mem>>)
    %dma_start3A_20 = arith.constant 128 : i32
    %dma_start3A_21 = arith.constant 0 : i32
    %dma_start3A_22 = tpu.memref_slice %arg12[%dma_start3A_20, %dma_start3A_21] : memref<512x32xf32, #tpu.memory_space<vmem>> -> memref<128x32xf32, #tpu.memory_space<vmem>>
    %dma_start3A_23 = arith.constant 128 : i32
    %dma_start3A_24 = tpu.memref_slice %arg9[%dma_start3A_23] : memref<512xi32, #tpu.memory_space<vmem>> -> memref<128xi32, #tpu.memory_space<vmem>>
    %dma_start3A_25 = arith.constant 0 : i32
    %dma_start3A_26 = arith.constant 0 : i32
    %dma_start3A_27 = tpu.memref_slice %arg5[%dma_start3A_25, %dma_start3A_26] : memref<1000000x32xf32, #tpu.memory_space<hbm>> -> memref<1000000x32xf32, #tpu.memory_space<hbm>>
    tpu.enqueue_indirect_dma source(%dma_start3A_27 : memref<1000000x32xf32, #tpu.memory_space<hbm>>) target(%dma_start3A_22 : memref<128x32xf32, #tpu.memory_space<vmem>>) offsets(%dma_start3A_24 : memref<128xi32, #tpu.memory_space<vmem>>) semaphore(%arg17 : memref<!tpu.dma_semaphore, #tpu.memory_space<semaphore_mem>>)
    %dma_start3A_28 = arith.constant 128 : i32
    %dma_start3A_29 = arith.constant 0 : i32
    %dma_start3A_30 = tpu.memref_slice %arg13[%dma_start3A_28, %dma_start3A_29] : memref<512x32xf32, #tpu.memory_space<vmem>> -> memref<128x32xf32, #tpu.memory_space<vmem>>
    %dma_start3A_31 = arith.constant 128 : i32
    %dma_start3A_32 = tpu.memref_slice %arg10[%dma_start3A_31] : memref<512xi32, #tpu.memory_space<vmem>> -> memref<128xi32, #tpu.memory_space<vmem>>
    %dma_start3A_33 = arith.constant 0 : i32
    %dma_start3A_34 = arith.constant 0 : i32
    %dma_start3A_35 = tpu.memref_slice %arg6[%dma_start3A_33, %dma_start3A_34] : memref<1000000x32xf32, #tpu.memory_space<hbm>> -> memref<1000000x32xf32, #tpu.memory_space<hbm>>
    tpu.enqueue_indirect_dma source(%dma_start3A_35 : memref<1000000x32xf32, #tpu.memory_space<hbm>>) target(%dma_start3A_30 : memref<128x32xf32, #tpu.memory_space<vmem>>) offsets(%dma_start3A_32 : memref<128xi32, #tpu.memory_space<vmem>>) semaphore(%arg17 : memref<!tpu.dma_semaphore, #tpu.memory_space<semaphore_mem>>)
    %dma_start3A_36 = arith.constant 256 : i32
    %dma_start3A_37 = arith.constant 0 : i32
    %dma_start3A_38 = tpu.memref_slice %arg12[%dma_start3A_36, %dma_start3A_37] : memref<512x32xf32, #tpu.memory_space<vmem>> -> memref<128x32xf32, #tpu.memory_space<vmem>>
    %dma_start3A_39 = arith.constant 256 : i32
    %dma_start3A_40 = tpu.memref_slice %arg9[%dma_start3A_39] : memref<512xi32, #tpu.memory_space<vmem>> -> memref<128xi32, #tpu.memory_space<vmem>>
    %dma_start3A_41 = arith.constant 0 : i32
    %dma_start3A_42 = arith.constant 0 : i32
    %dma_start3A_43 = tpu.memref_slice %arg5[%dma_start3A_41, %dma_start3A_42] : memref<1000000x32xf32, #tpu.memory_space<hbm>> -> memref<1000000x32xf32, #tpu.memory_space<hbm>>
    tpu.enqueue_indirect_dma source(%dma_start3A_43 : memref<1000000x32xf32, #tpu.memory_space<hbm>>) target(%dma_start3A_38 : memref<128x32xf32, #tpu.memory_space<vmem>>) offsets(%dma_start3A_40 : memref<128xi32, #tpu.memory_space<vmem>>) semaphore(%arg17 : memref<!tpu.dma_semaphore, #tpu.memory_space<semaphore_mem>>)
    %dma_start3A_44 = arith.constant 256 : i32
    %dma_start3A_45 = arith.constant 0 : i32
    %dma_start3A_46 = tpu.memref_slice %arg13[%dma_start3A_44, %dma_start3A_45] : memref<512x32xf32, #tpu.memory_space<vmem>> -> memref<128x32xf32, #tpu.memory_space<vmem>>
    %dma_start3A_47 = arith.constant 256 : i32
    %dma_start3A_48 = tpu.memref_slice %arg10[%dma_start3A_47] : memref<512xi32, #tpu.memory_space<vmem>> -> memref<128xi32, #tpu.memory_space<vmem>>
    %dma_start3A_49 = arith.constant 0 : i32
    %dma_start3A_50 = arith.constant 0 : i32
    %dma_start3A_51 = tpu.memref_slice %arg6[%dma_start3A_49, %dma_start3A_50] : memref<1000000x32xf32, #tpu.memory_space<hbm>> -> memref<1000000x32xf32, #tpu.memory_space<hbm>>
    tpu.enqueue_indirect_dma source(%dma_start3A_51 : memref<1000000x32xf32, #tpu.memory_space<hbm>>) target(%dma_start3A_46 : memref<128x32xf32, #tpu.memory_space<vmem>>) offsets(%dma_start3A_48 : memref<128xi32, #tpu.memory_space<vmem>>) semaphore(%arg17 : memref<!tpu.dma_semaphore, #tpu.memory_space<semaphore_mem>>)
    %dma_start3A_52 = arith.constant 384 : i32
    %dma_start3A_53 = arith.constant 0 : i32
    %dma_start3A_54 = tpu.memref_slice %arg12[%dma_start3A_52, %dma_start3A_53] : memref<512x32xf32, #tpu.memory_space<vmem>> -> memref<128x32xf32, #tpu.memory_space<vmem>>
    %dma_start3A_55 = arith.constant 384 : i32
    %dma_start3A_56 = tpu.memref_slice %arg9[%dma_start3A_55] : memref<512xi32, #tpu.memory_space<vmem>> -> memref<128xi32, #tpu.memory_space<vmem>>
    %dma_start3A_57 = arith.constant 0 : i32
    %dma_start3A_58 = arith.constant 0 : i32
    %dma_start3A_59 = tpu.memref_slice %arg5[%dma_start3A_57, %dma_start3A_58] : memref<1000000x32xf32, #tpu.memory_space<hbm>> -> memref<1000000x32xf32, #tpu.memory_space<hbm>>
    tpu.enqueue_indirect_dma source(%dma_start3A_59 : memref<1000000x32xf32, #tpu.memory_space<hbm>>) target(%dma_start3A_54 : memref<128x32xf32, #tpu.memory_space<vmem>>) offsets(%dma_start3A_56 : memref<128xi32, #tpu.memory_space<vmem>>) semaphore(%arg17 : memref<!tpu.dma_semaphore, #tpu.memory_space<semaphore_mem>>)
    %dma_start3A_60 = arith.constant 384 : i32
    %dma_start3A_61 = arith.constant 0 : i32
    %dma_start3A_62 = tpu.memref_slice %arg13[%dma_start3A_60, %dma_start3A_61] : memref<512x32xf32, #tpu.memory_space<vmem>> -> memref<128x32xf32, #tpu.memory_space<vmem>>
    %dma_start3A_63 = arith.constant 384 : i32
    %dma_start3A_64 = tpu.memref_slice %arg10[%dma_start3A_63] : memref<512xi32, #tpu.memory_space<vmem>> -> memref<128xi32, #tpu.memory_space<vmem>>
    %dma_start3A_65 = arith.constant 0 : i32
    %dma_start3A_66 = arith.constant 0 : i32
    %dma_start3A_67 = tpu.memref_slice %arg6[%dma_start3A_65, %dma_start3A_66] : memref<1000000x32xf32, #tpu.memory_space<hbm>> -> memref<1000000x32xf32, #tpu.memory_space<hbm>>
    tpu.enqueue_indirect_dma source(%dma_start3A_67 : memref<1000000x32xf32, #tpu.memory_space<hbm>>) target(%dma_start3A_62 : memref<128x32xf32, #tpu.memory_space<vmem>>) offsets(%dma_start3A_64 : memref<128xi32, #tpu.memory_space<vmem>>) semaphore(%arg17 : memref<!tpu.dma_semaphore, #tpu.memory_space<semaphore_mem>>)
    %dma_start3A_68 = arith.constant 0 : i32
    %dma_start3A_69 = arith.constant 0 : i32
    %dma_start3A_70 = tpu.memref_slice %arg14[%dma_start3A_68, %dma_start3A_69] : memref<2560x32xf32, #tpu.memory_space<vmem>> -> memref<128x32xf32, #tpu.memory_space<vmem>>
    %dma_start3A_71 = arith.constant 0 : i32
    %dma_start3A_72 = tpu.memref_slice %arg11[%dma_start3A_71] : memref<2560xi32, #tpu.memory_space<vmem>> -> memref<128xi32, #tpu.memory_space<vmem>>
    %dma_start3A_73 = arith.constant 0 : i32
    %dma_start3A_74 = arith.constant 0 : i32
    %dma_start3A_75 = tpu.memref_slice %arg6[%dma_start3A_73, %dma_start3A_74] : memref<1000000x32xf32, #tpu.memory_space<hbm>> -> memref<1000000x32xf32, #tpu.memory_space<hbm>>
    tpu.enqueue_indirect_dma source(%dma_start3A_75 : memref<1000000x32xf32, #tpu.memory_space<hbm>>) target(%dma_start3A_70 : memref<128x32xf32, #tpu.memory_space<vmem>>) offsets(%dma_start3A_72 : memref<128xi32, #tpu.memory_space<vmem>>) semaphore(%arg17 : memref<!tpu.dma_semaphore, #tpu.memory_space<semaphore_mem>>)
    %dma_start3A_76 = arith.constant 128 : i32
    %dma_start3A_77 = arith.constant 0 : i32
    %dma_start3A_78 = tpu.memref_slice %arg14[%dma_start3A_76, %dma_start3A_77] : memref<2560x32xf32, #tpu.memory_space<vmem>> -> memref<128x32xf32, #tpu.memory_space<vmem>>
    %dma_start3A_79 = arith.constant 128 : i32
    %dma_start3A_80 = tpu.memref_slice %arg11[%dma_start3A_79] : memref<2560xi32, #tpu.memory_space<vmem>> -> memref<128xi32, #tpu.memory_space<vmem>>
    %dma_start3A_81 = arith.constant 0 : i32
    %dma_start3A_82 = arith.constant 0 : i32
    %dma_start3A_83 = tpu.memref_slice %arg6[%dma_start3A_81, %dma_start3A_82] : memref<1000000x32xf32, #tpu.memory_space<hbm>> -> memref<1000000x32xf32, #tpu.memory_space<hbm>>
    tpu.enqueue_indirect_dma source(%dma_start3A_83 : memref<1000000x32xf32, #tpu.memory_space<hbm>>) target(%dma_start3A_78 : memref<128x32xf32, #tpu.memory_space<vmem>>) offsets(%dma_start3A_80 : memref<128xi32, #tpu.memory_space<vmem>>) semaphore(%arg17 : memref<!tpu.dma_semaphore, #tpu.memory_space<semaphore_mem>>)
    %dma_start3A_84 = arith.constant 256 : i32
    %dma_start3A_85 = arith.constant 0 : i32
    %dma_start3A_86 = tpu.memref_slice %arg14[%dma_start3A_84, %dma_start3A_85] : memref<2560x32xf32, #tpu.memory_space<vmem>> -> memref<128x32xf32, #tpu.memory_space<vmem>>
    %dma_start3A_87 = arith.constant 256 : i32
    %dma_start3A_88 = tpu.memref_slice %arg11[%dma_start3A_87] : memref<2560xi32, #tpu.memory_space<vmem>> -> memref<128xi32, #tpu.memory_space<vmem>>
    %dma_start3A_89 = arith.constant 0 : i32
    %dma_start3A_90 = arith.constant 0 : i32
    %dma_start3A_91 = tpu.memref_slice %arg6[%dma_start3A_89, %dma_start3A_90] : memref<1000000x32xf32, #tpu.memory_space<hbm>> -> memref<1000000x32xf32, #tpu.memory_space<hbm>>
    tpu.enqueue_indirect_dma source(%dma_start3A_91 : memref<1000000x32xf32, #tpu.memory_space<hbm>>) target(%dma_start3A_86 : memref<128x32xf32, #tpu.memory_space<vmem>>) offsets(%dma_start3A_88 : memref<128xi32, #tpu.memory_space<vmem>>) semaphore(%arg17 : memref<!tpu.dma_semaphore, #tpu.memory_space<semaphore_mem>>)
    %dma_start3A_92 = arith.constant 384 : i32
    %dma_start3A_93 = arith.constant 0 : i32
    %dma_start3A_94 = tpu.memref_slice %arg14[%dma_start3A_92, %dma_start3A_93] : memref<2560x32xf32, #tpu.memory_space<vmem>> -> memref<128x32xf32, #tpu.memory_space<vmem>>
    %dma_start3A_95 = arith.constant 384 : i32
    %dma_start3A_96 = tpu.memref_slice %arg11[%dma_start3A_95] : memref<2560xi32, #tpu.memory_space<vmem>> -> memref<128xi32, #tpu.memory_space<vmem>>
    %dma_start3A_97 = arith.constant 0 : i32
    %dma_start3A_98 = arith.constant 0 : i32
    %dma_start3A_99 = tpu.memref_slice %arg6[%dma_start3A_97, %dma_start3A_98] : memref<1000000x32xf32, #tpu.memory_space<hbm>> -> memref<1000000x32xf32, #tpu.memory_space<hbm>>
    tpu.enqueue_indirect_dma source(%dma_start3A_99 : memref<1000000x32xf32, #tpu.memory_space<hbm>>) target(%dma_start3A_94 : memref<128x32xf32, #tpu.memory_space<vmem>>) offsets(%dma_start3A_96 : memref<128xi32, #tpu.memory_space<vmem>>) semaphore(%arg17 : memref<!tpu.dma_semaphore, #tpu.memory_space<semaphore_mem>>)
    %dma_start3A_100 = arith.constant 512 : i32
    %dma_start3A_101 = arith.constant 0 : i32
    %dma_start3A_102 = tpu.memref_slice %arg14[%dma_start3A_100, %dma_start3A_101] : memref<2560x32xf32, #tpu.memory_space<vmem>> -> memref<128x32xf32, #tpu.memory_space<vmem>>
    %dma_start3A_103 = arith.constant 512 : i32
    %dma_start3A_104 = tpu.memref_slice %arg11[%dma_start3A_103] : memref<2560xi32, #tpu.memory_space<vmem>> -> memref<128xi32, #tpu.memory_space<vmem>>
    %dma_start3A_105 = arith.constant 0 : i32
    %dma_start3A_106 = arith.constant 0 : i32
    %dma_start3A_107 = tpu.memref_slice %arg6[%dma_start3A_105, %dma_start3A_106] : memref<1000000x32xf32, #tpu.memory_space<hbm>> -> memref<1000000x32xf32, #tpu.memory_space<hbm>>
    tpu.enqueue_indirect_dma source(%dma_start3A_107 : memref<1000000x32xf32, #tpu.memory_space<hbm>>) target(%dma_start3A_102 : memref<128x32xf32, #tpu.memory_space<vmem>>) offsets(%dma_start3A_104 : memref<128xi32, #tpu.memory_space<vmem>>) semaphore(%arg17 : memref<!tpu.dma_semaphore, #tpu.memory_space<semaphore_mem>>)
    %dma_start3A_108 = arith.constant 640 : i32
    %dma_start3A_109 = arith.constant 0 : i32
    %dma_start3A_110 = tpu.memref_slice %arg14[%dma_start3A_108, %dma_start3A_109] : memref<2560x32xf32, #tpu.memory_space<vmem>> -> memref<128x32xf32, #tpu.memory_space<vmem>>
    %dma_start3A_111 = arith.constant 640 : i32
    %dma_start3A_112 = tpu.memref_slice %arg11[%dma_start3A_111] : memref<2560xi32, #tpu.memory_space<vmem>> -> memref<128xi32, #tpu.memory_space<vmem>>
    %dma_start3A_113 = arith.constant 0 : i32
    %dma_start3A_114 = arith.constant 0 : i32
    %dma_start3A_115 = tpu.memref_slice %arg6[%dma_start3A_113, %dma_start3A_114] : memref<1000000x32xf32, #tpu.memory_space<hbm>> -> memref<1000000x32xf32, #tpu.memory_space<hbm>>
    tpu.enqueue_indirect_dma source(%dma_start3A_115 : memref<1000000x32xf32, #tpu.memory_space<hbm>>) target(%dma_start3A_110 : memref<128x32xf32, #tpu.memory_space<vmem>>) offsets(%dma_start3A_112 : memref<128xi32, #tpu.memory_space<vmem>>) semaphore(%arg17 : memref<!tpu.dma_semaphore, #tpu.memory_space<semaphore_mem>>)
    %dma_start3A_116 = arith.constant 768 : i32
    %dma_start3A_117 = arith.constant 0 : i32
    %dma_start3A_118 = tpu.memref_slice %arg14[%dma_start3A_116, %dma_start3A_117] : memref<2560x32xf32, #tpu.memory_space<vmem>> -> memref<128x32xf32, #tpu.memory_space<vmem>>
    %dma_start3A_119 = arith.constant 768 : i32
    %dma_start3A_120 = tpu.memref_slice %arg11[%dma_start3A_119] : memref<2560xi32, #tpu.memory_space<vmem>> -> memref<128xi32, #tpu.memory_space<vmem>>
    %dma_start3A_121 = arith.constant 0 : i32
    %dma_start3A_122 = arith.constant 0 : i32
    %dma_start3A_123 = tpu.memref_slice %arg6[%dma_start3A_121, %dma_start3A_122] : memref<1000000x32xf32, #tpu.memory_space<hbm>> -> memref<1000000x32xf32, #tpu.memory_space<hbm>>
    tpu.enqueue_indirect_dma source(%dma_start3A_123 : memref<1000000x32xf32, #tpu.memory_space<hbm>>) target(%dma_start3A_118 : memref<128x32xf32, #tpu.memory_space<vmem>>) offsets(%dma_start3A_120 : memref<128xi32, #tpu.memory_space<vmem>>) semaphore(%arg17 : memref<!tpu.dma_semaphore, #tpu.memory_space<semaphore_mem>>)
    %dma_start3A_124 = arith.constant 896 : i32
    %dma_start3A_125 = arith.constant 0 : i32
    %dma_start3A_126 = tpu.memref_slice %arg14[%dma_start3A_124, %dma_start3A_125] : memref<2560x32xf32, #tpu.memory_space<vmem>> -> memref<128x32xf32, #tpu.memory_space<vmem>>
    %dma_start3A_127 = arith.constant 896 : i32
    %dma_start3A_128 = tpu.memref_slice %arg11[%dma_start3A_127] : memref<2560xi32, #tpu.memory_space<vmem>> -> memref<128xi32, #tpu.memory_space<vmem>>
    %dma_start3A_129 = arith.constant 0 : i32
    %dma_start3A_130 = arith.constant 0 : i32
    %dma_start3A_131 = tpu.memref_slice %arg6[%dma_start3A_129, %dma_start3A_130] : memref<1000000x32xf32, #tpu.memory_space<hbm>> -> memref<1000000x32xf32, #tpu.memory_space<hbm>>
    tpu.enqueue_indirect_dma source(%dma_start3A_131 : memref<1000000x32xf32, #tpu.memory_space<hbm>>) target(%dma_start3A_126 : memref<128x32xf32, #tpu.memory_space<vmem>>) offsets(%dma_start3A_128 : memref<128xi32, #tpu.memory_space<vmem>>) semaphore(%arg17 : memref<!tpu.dma_semaphore, #tpu.memory_space<semaphore_mem>>)
    %dma_start3A_132 = arith.constant 1024 : i32
    %dma_start3A_133 = arith.constant 0 : i32
    %dma_start3A_134 = tpu.memref_slice %arg14[%dma_start3A_132, %dma_start3A_133] : memref<2560x32xf32, #tpu.memory_space<vmem>> -> memref<128x32xf32, #tpu.memory_space<vmem>>
    %dma_start3A_135 = arith.constant 1024 : i32
    %dma_start3A_136 = tpu.memref_slice %arg11[%dma_start3A_135] : memref<2560xi32, #tpu.memory_space<vmem>> -> memref<128xi32, #tpu.memory_space<vmem>>
    %dma_start3A_137 = arith.constant 0 : i32
    %dma_start3A_138 = arith.constant 0 : i32
    %dma_start3A_139 = tpu.memref_slice %arg6[%dma_start3A_137, %dma_start3A_138] : memref<1000000x32xf32, #tpu.memory_space<hbm>> -> memref<1000000x32xf32, #tpu.memory_space<hbm>>
    tpu.enqueue_indirect_dma source(%dma_start3A_139 : memref<1000000x32xf32, #tpu.memory_space<hbm>>) target(%dma_start3A_134 : memref<128x32xf32, #tpu.memory_space<vmem>>) offsets(%dma_start3A_136 : memref<128xi32, #tpu.memory_space<vmem>>) semaphore(%arg17 : memref<!tpu.dma_semaphore, #tpu.memory_space<semaphore_mem>>)
    %dma_start3A_140 = arith.constant 1152 : i32
    %dma_start3A_141 = arith.constant 0 : i32
    %dma_start3A_142 = tpu.memref_slice %arg14[%dma_start3A_140, %dma_start3A_141] : memref<2560x32xf32, #tpu.memory_space<vmem>> -> memref<128x32xf32, #tpu.memory_space<vmem>>
    %dma_start3A_143 = arith.constant 1152 : i32
    %dma_start3A_144 = tpu.memref_slice %arg11[%dma_start3A_143] : memref<2560xi32, #tpu.memory_space<vmem>> -> memref<128xi32, #tpu.memory_space<vmem>>
    %dma_start3A_145 = arith.constant 0 : i32
    %dma_start3A_146 = arith.constant 0 : i32
    %dma_start3A_147 = tpu.memref_slice %arg6[%dma_start3A_145, %dma_start3A_146] : memref<1000000x32xf32, #tpu.memory_space<hbm>> -> memref<1000000x32xf32, #tpu.memory_space<hbm>>
    tpu.enqueue_indirect_dma source(%dma_start3A_147 : memref<1000000x32xf32, #tpu.memory_space<hbm>>) target(%dma_start3A_142 : memref<128x32xf32, #tpu.memory_space<vmem>>) offsets(%dma_start3A_144 : memref<128xi32, #tpu.memory_space<vmem>>) semaphore(%arg17 : memref<!tpu.dma_semaphore, #tpu.memory_space<semaphore_mem>>)
    %dma_start3A_148 = arith.constant 1280 : i32
    %dma_start3A_149 = arith.constant 0 : i32
    %dma_start3A_150 = tpu.memref_slice %arg14[%dma_start3A_148, %dma_start3A_149] : memref<2560x32xf32, #tpu.memory_space<vmem>> -> memref<128x32xf32, #tpu.memory_space<vmem>>
    %dma_start3A_151 = arith.constant 1280 : i32
    %dma_start3A_152 = tpu.memref_slice %arg11[%dma_start3A_151] : memref<2560xi32, #tpu.memory_space<vmem>> -> memref<128xi32, #tpu.memory_space<vmem>>
    %dma_start3A_153 = arith.constant 0 : i32
    %dma_start3A_154 = arith.constant 0 : i32
    %dma_start3A_155 = tpu.memref_slice %arg6[%dma_start3A_153, %dma_start3A_154] : memref<1000000x32xf32, #tpu.memory_space<hbm>> -> memref<1000000x32xf32, #tpu.memory_space<hbm>>
    tpu.enqueue_indirect_dma source(%dma_start3A_155 : memref<1000000x32xf32, #tpu.memory_space<hbm>>) target(%dma_start3A_150 : memref<128x32xf32, #tpu.memory_space<vmem>>) offsets(%dma_start3A_152 : memref<128xi32, #tpu.memory_space<vmem>>) semaphore(%arg17 : memref<!tpu.dma_semaphore, #tpu.memory_space<semaphore_mem>>)
    %dma_start3A_156 = arith.constant 1408 : i32
    %dma_start3A_157 = arith.constant 0 : i32
    %dma_start3A_158 = tpu.memref_slice %arg14[%dma_start3A_156, %dma_start3A_157] : memref<2560x32xf32, #tpu.memory_space<vmem>> -> memref<128x32xf32, #tpu.memory_space<vmem>>
    %dma_start3A_159 = arith.constant 1408 : i32
    %dma_start3A_160 = tpu.memref_slice %arg11[%dma_start3A_159] : memref<2560xi32, #tpu.memory_space<vmem>> -> memref<128xi32, #tpu.memory_space<vmem>>
    %dma_start3A_161 = arith.constant 0 : i32
    %dma_start3A_162 = arith.constant 0 : i32
    %dma_start3A_163 = tpu.memref_slice %arg6[%dma_start3A_161, %dma_start3A_162] : memref<1000000x32xf32, #tpu.memory_space<hbm>> -> memref<1000000x32xf32, #tpu.memory_space<hbm>>
    tpu.enqueue_indirect_dma source(%dma_start3A_163 : memref<1000000x32xf32, #tpu.memory_space<hbm>>) target(%dma_start3A_158 : memref<128x32xf32, #tpu.memory_space<vmem>>) offsets(%dma_start3A_160 : memref<128xi32, #tpu.memory_space<vmem>>) semaphore(%arg17 : memref<!tpu.dma_semaphore, #tpu.memory_space<semaphore_mem>>)
    %dma_start3A_164 = arith.constant 1536 : i32
    %dma_start3A_165 = arith.constant 0 : i32
    %dma_start3A_166 = tpu.memref_slice %arg14[%dma_start3A_164, %dma_start3A_165] : memref<2560x32xf32, #tpu.memory_space<vmem>> -> memref<128x32xf32, #tpu.memory_space<vmem>>
    %dma_start3A_167 = arith.constant 1536 : i32
    %dma_start3A_168 = tpu.memref_slice %arg11[%dma_start3A_167] : memref<2560xi32, #tpu.memory_space<vmem>> -> memref<128xi32, #tpu.memory_space<vmem>>
    %dma_start3A_169 = arith.constant 0 : i32
    %dma_start3A_170 = arith.constant 0 : i32
    %dma_start3A_171 = tpu.memref_slice %arg6[%dma_start3A_169, %dma_start3A_170] : memref<1000000x32xf32, #tpu.memory_space<hbm>> -> memref<1000000x32xf32, #tpu.memory_space<hbm>>
    tpu.enqueue_indirect_dma source(%dma_start3A_171 : memref<1000000x32xf32, #tpu.memory_space<hbm>>) target(%dma_start3A_166 : memref<128x32xf32, #tpu.memory_space<vmem>>) offsets(%dma_start3A_168 : memref<128xi32, #tpu.memory_space<vmem>>) semaphore(%arg17 : memref<!tpu.dma_semaphore, #tpu.memory_space<semaphore_mem>>)
    %dma_start3A_172 = arith.constant 1664 : i32
    %dma_start3A_173 = arith.constant 0 : i32
    %dma_start3A_174 = tpu.memref_slice %arg14[%dma_start3A_172, %dma_start3A_173] : memref<2560x32xf32, #tpu.memory_space<vmem>> -> memref<128x32xf32, #tpu.memory_space<vmem>>
    %dma_start3A_175 = arith.constant 1664 : i32
    %dma_start3A_176 = tpu.memref_slice %arg11[%dma_start3A_175] : memref<2560xi32, #tpu.memory_space<vmem>> -> memref<128xi32, #tpu.memory_space<vmem>>
    %dma_start3A_177 = arith.constant 0 : i32
    %dma_start3A_178 = arith.constant 0 : i32
    %dma_start3A_179 = tpu.memref_slice %arg6[%dma_start3A_177, %dma_start3A_178] : memref<1000000x32xf32, #tpu.memory_space<hbm>> -> memref<1000000x32xf32, #tpu.memory_space<hbm>>
    tpu.enqueue_indirect_dma source(%dma_start3A_179 : memref<1000000x32xf32, #tpu.memory_space<hbm>>) target(%dma_start3A_174 : memref<128x32xf32, #tpu.memory_space<vmem>>) offsets(%dma_start3A_176 : memref<128xi32, #tpu.memory_space<vmem>>) semaphore(%arg17 : memref<!tpu.dma_semaphore, #tpu.memory_space<semaphore_mem>>)
    %dma_start3A_180 = arith.constant 1792 : i32
    %dma_start3A_181 = arith.constant 0 : i32
    %dma_start3A_182 = tpu.memref_slice %arg14[%dma_start3A_180, %dma_start3A_181] : memref<2560x32xf32, #tpu.memory_space<vmem>> -> memref<128x32xf32, #tpu.memory_space<vmem>>
    %dma_start3A_183 = arith.constant 1792 : i32
    %dma_start3A_184 = tpu.memref_slice %arg11[%dma_start3A_183] : memref<2560xi32, #tpu.memory_space<vmem>> -> memref<128xi32, #tpu.memory_space<vmem>>
    %dma_start3A_185 = arith.constant 0 : i32
    %dma_start3A_186 = arith.constant 0 : i32
    %dma_start3A_187 = tpu.memref_slice %arg6[%dma_start3A_185, %dma_start3A_186] : memref<1000000x32xf32, #tpu.memory_space<hbm>> -> memref<1000000x32xf32, #tpu.memory_space<hbm>>
    tpu.enqueue_indirect_dma source(%dma_start3A_187 : memref<1000000x32xf32, #tpu.memory_space<hbm>>) target(%dma_start3A_182 : memref<128x32xf32, #tpu.memory_space<vmem>>) offsets(%dma_start3A_184 : memref<128xi32, #tpu.memory_space<vmem>>) semaphore(%arg17 : memref<!tpu.dma_semaphore, #tpu.memory_space<semaphore_mem>>)
    %dma_start3A_188 = arith.constant 1920 : i32
    %dma_start3A_189 = arith.constant 0 : i32
    %dma_start3A_190 = tpu.memref_slice %arg14[%dma_start3A_188, %dma_start3A_189] : memref<2560x32xf32, #tpu.memory_space<vmem>> -> memref<128x32xf32, #tpu.memory_space<vmem>>
    %dma_start3A_191 = arith.constant 1920 : i32
    %dma_start3A_192 = tpu.memref_slice %arg11[%dma_start3A_191] : memref<2560xi32, #tpu.memory_space<vmem>> -> memref<128xi32, #tpu.memory_space<vmem>>
    %dma_start3A_193 = arith.constant 0 : i32
    %dma_start3A_194 = arith.constant 0 : i32
    %dma_start3A_195 = tpu.memref_slice %arg6[%dma_start3A_193, %dma_start3A_194] : memref<1000000x32xf32, #tpu.memory_space<hbm>> -> memref<1000000x32xf32, #tpu.memory_space<hbm>>
    tpu.enqueue_indirect_dma source(%dma_start3A_195 : memref<1000000x32xf32, #tpu.memory_space<hbm>>) target(%dma_start3A_190 : memref<128x32xf32, #tpu.memory_space<vmem>>) offsets(%dma_start3A_192 : memref<128xi32, #tpu.memory_space<vmem>>) semaphore(%arg17 : memref<!tpu.dma_semaphore, #tpu.memory_space<semaphore_mem>>)
    %dma_start3A_196 = arith.constant 2048 : i32
    %dma_start3A_197 = arith.constant 0 : i32
    %dma_start3A_198 = tpu.memref_slice %arg14[%dma_start3A_196, %dma_start3A_197] : memref<2560x32xf32, #tpu.memory_space<vmem>> -> memref<128x32xf32, #tpu.memory_space<vmem>>
    %dma_start3A_199 = arith.constant 2048 : i32
    %dma_start3A_200 = tpu.memref_slice %arg11[%dma_start3A_199] : memref<2560xi32, #tpu.memory_space<vmem>> -> memref<128xi32, #tpu.memory_space<vmem>>
    %dma_start3A_201 = arith.constant 0 : i32
    %dma_start3A_202 = arith.constant 0 : i32
    %dma_start3A_203 = tpu.memref_slice %arg6[%dma_start3A_201, %dma_start3A_202] : memref<1000000x32xf32, #tpu.memory_space<hbm>> -> memref<1000000x32xf32, #tpu.memory_space<hbm>>
    tpu.enqueue_indirect_dma source(%dma_start3A_203 : memref<1000000x32xf32, #tpu.memory_space<hbm>>) target(%dma_start3A_198 : memref<128x32xf32, #tpu.memory_space<vmem>>) offsets(%dma_start3A_200 : memref<128xi32, #tpu.memory_space<vmem>>) semaphore(%arg17 : memref<!tpu.dma_semaphore, #tpu.memory_space<semaphore_mem>>)
    %dma_start3A_204 = arith.constant 2176 : i32
    %dma_start3A_205 = arith.constant 0 : i32
    %dma_start3A_206 = tpu.memref_slice %arg14[%dma_start3A_204, %dma_start3A_205] : memref<2560x32xf32, #tpu.memory_space<vmem>> -> memref<128x32xf32, #tpu.memory_space<vmem>>
    %dma_start3A_207 = arith.constant 2176 : i32
    %dma_start3A_208 = tpu.memref_slice %arg11[%dma_start3A_207] : memref<2560xi32, #tpu.memory_space<vmem>> -> memref<128xi32, #tpu.memory_space<vmem>>
    %dma_start3A_209 = arith.constant 0 : i32
    %dma_start3A_210 = arith.constant 0 : i32
    %dma_start3A_211 = tpu.memref_slice %arg6[%dma_start3A_209, %dma_start3A_210] : memref<1000000x32xf32, #tpu.memory_space<hbm>> -> memref<1000000x32xf32, #tpu.memory_space<hbm>>
    tpu.enqueue_indirect_dma source(%dma_start3A_211 : memref<1000000x32xf32, #tpu.memory_space<hbm>>) target(%dma_start3A_206 : memref<128x32xf32, #tpu.memory_space<vmem>>) offsets(%dma_start3A_208 : memref<128xi32, #tpu.memory_space<vmem>>) semaphore(%arg17 : memref<!tpu.dma_semaphore, #tpu.memory_space<semaphore_mem>>)
    %dma_start3A_212 = arith.constant 2304 : i32
    %dma_start3A_213 = arith.constant 0 : i32
    %dma_start3A_214 = tpu.memref_slice %arg14[%dma_start3A_212, %dma_start3A_213] : memref<2560x32xf32, #tpu.memory_space<vmem>> -> memref<128x32xf32, #tpu.memory_space<vmem>>
    %dma_start3A_215 = arith.constant 2304 : i32
    %dma_start3A_216 = tpu.memref_slice %arg11[%dma_start3A_215] : memref<2560xi32, #tpu.memory_space<vmem>> -> memref<128xi32, #tpu.memory_space<vmem>>
    %dma_start3A_217 = arith.constant 0 : i32
    %dma_start3A_218 = arith.constant 0 : i32
    %dma_start3A_219 = tpu.memref_slice %arg6[%dma_start3A_217, %dma_start3A_218] : memref<1000000x32xf32, #tpu.memory_space<hbm>> -> memref<1000000x32xf32, #tpu.memory_space<hbm>>
    tpu.enqueue_indirect_dma source(%dma_start3A_219 : memref<1000000x32xf32, #tpu.memory_space<hbm>>) target(%dma_start3A_214 : memref<128x32xf32, #tpu.memory_space<vmem>>) offsets(%dma_start3A_216 : memref<128xi32, #tpu.memory_space<vmem>>) semaphore(%arg17 : memref<!tpu.dma_semaphore, #tpu.memory_space<semaphore_mem>>)
    %dma_start3A_220 = arith.constant 2432 : i32
    %dma_start3A_221 = arith.constant 0 : i32
    %dma_start3A_222 = tpu.memref_slice %arg14[%dma_start3A_220, %dma_start3A_221] : memref<2560x32xf32, #tpu.memory_space<vmem>> -> memref<128x32xf32, #tpu.memory_space<vmem>>
    %dma_start3A_223 = arith.constant 2432 : i32
    %dma_start3A_224 = tpu.memref_slice %arg11[%dma_start3A_223] : memref<2560xi32, #tpu.memory_space<vmem>> -> memref<128xi32, #tpu.memory_space<vmem>>
    %dma_start3A_225 = arith.constant 0 : i32
    %dma_start3A_226 = arith.constant 0 : i32
    %dma_start3A_227 = tpu.memref_slice %arg6[%dma_start3A_225, %dma_start3A_226] : memref<1000000x32xf32, #tpu.memory_space<hbm>> -> memref<1000000x32xf32, #tpu.memory_space<hbm>>
    tpu.enqueue_indirect_dma source(%dma_start3A_227 : memref<1000000x32xf32, #tpu.memory_space<hbm>>) target(%dma_start3A_222 : memref<128x32xf32, #tpu.memory_space<vmem>>) offsets(%dma_start3A_224 : memref<128xi32, #tpu.memory_space<vmem>>) semaphore(%arg17 : memref<!tpu.dma_semaphore, #tpu.memory_space<semaphore_mem>>)
    %dma_wait3A = arith.constant 0 : i32
    %dma_wait3A_228 = arith.constant 0 : i32
    %dma_wait3A_229 = tpu.memref_slice %arg12[%dma_wait3A, %dma_wait3A_228] : memref<512x32xf32, #tpu.memory_space<vmem>> -> memref<128x32xf32, #tpu.memory_space<vmem>>
    %dma_wait3A_230 = arith.constant 0 : i32
    %dma_wait3A_231 = tpu.memref_slice %arg9[%dma_wait3A_230] : memref<512xi32, #tpu.memory_space<vmem>> -> memref<128xi32, #tpu.memory_space<vmem>>
    %dma_wait3A_232 = arith.constant 0 : i32
    %dma_wait3A_233 = arith.constant 0 : i32
    %dma_wait3A_234 = tpu.memref_slice %arg5[%dma_wait3A_232, %dma_wait3A_233] : memref<1000000x32xf32, #tpu.memory_space<hbm>> -> memref<1000000x32xf32, #tpu.memory_space<hbm>>
    tpu.wait_indirect_dma semaphore(%arg17 : memref<!tpu.dma_semaphore, #tpu.memory_space<semaphore_mem>>) src(%dma_wait3A_234 : memref<1000000x32xf32, #tpu.memory_space<hbm>>) dst(%dma_wait3A_229 : memref<128x32xf32, #tpu.memory_space<vmem>>)
    %dma_wait3A_235 = arith.constant 0 : i32
    %dma_wait3A_236 = arith.constant 0 : i32
    %dma_wait3A_237 = tpu.memref_slice %arg13[%dma_wait3A_235, %dma_wait3A_236] : memref<512x32xf32, #tpu.memory_space<vmem>> -> memref<128x32xf32, #tpu.memory_space<vmem>>
    %dma_wait3A_238 = arith.constant 0 : i32
    %dma_wait3A_239 = tpu.memref_slice %arg10[%dma_wait3A_238] : memref<512xi32, #tpu.memory_space<vmem>> -> memref<128xi32, #tpu.memory_space<vmem>>
    %dma_wait3A_240 = arith.constant 0 : i32
    %dma_wait3A_241 = arith.constant 0 : i32
    %dma_wait3A_242 = tpu.memref_slice %arg6[%dma_wait3A_240, %dma_wait3A_241] : memref<1000000x32xf32, #tpu.memory_space<hbm>> -> memref<1000000x32xf32, #tpu.memory_space<hbm>>
    tpu.wait_indirect_dma semaphore(%arg17 : memref<!tpu.dma_semaphore, #tpu.memory_space<semaphore_mem>>) src(%dma_wait3A_242 : memref<1000000x32xf32, #tpu.memory_space<hbm>>) dst(%dma_wait3A_237 : memref<128x32xf32, #tpu.memory_space<vmem>>)
    %dma_wait3A_243 = arith.constant 128 : i32
    %dma_wait3A_244 = arith.constant 0 : i32
    %dma_wait3A_245 = tpu.memref_slice %arg12[%dma_wait3A_243, %dma_wait3A_244] : memref<512x32xf32, #tpu.memory_space<vmem>> -> memref<128x32xf32, #tpu.memory_space<vmem>>
    %dma_wait3A_246 = arith.constant 128 : i32
    %dma_wait3A_247 = tpu.memref_slice %arg9[%dma_wait3A_246] : memref<512xi32, #tpu.memory_space<vmem>> -> memref<128xi32, #tpu.memory_space<vmem>>
    %dma_wait3A_248 = arith.constant 0 : i32
    %dma_wait3A_249 = arith.constant 0 : i32
    %dma_wait3A_250 = tpu.memref_slice %arg5[%dma_wait3A_248, %dma_wait3A_249] : memref<1000000x32xf32, #tpu.memory_space<hbm>> -> memref<1000000x32xf32, #tpu.memory_space<hbm>>
    tpu.wait_indirect_dma semaphore(%arg17 : memref<!tpu.dma_semaphore, #tpu.memory_space<semaphore_mem>>) src(%dma_wait3A_250 : memref<1000000x32xf32, #tpu.memory_space<hbm>>) dst(%dma_wait3A_245 : memref<128x32xf32, #tpu.memory_space<vmem>>)
    %dma_wait3A_251 = arith.constant 128 : i32
    %dma_wait3A_252 = arith.constant 0 : i32
    %dma_wait3A_253 = tpu.memref_slice %arg13[%dma_wait3A_251, %dma_wait3A_252] : memref<512x32xf32, #tpu.memory_space<vmem>> -> memref<128x32xf32, #tpu.memory_space<vmem>>
    %dma_wait3A_254 = arith.constant 128 : i32
    %dma_wait3A_255 = tpu.memref_slice %arg10[%dma_wait3A_254] : memref<512xi32, #tpu.memory_space<vmem>> -> memref<128xi32, #tpu.memory_space<vmem>>
    %dma_wait3A_256 = arith.constant 0 : i32
    %dma_wait3A_257 = arith.constant 0 : i32
    %dma_wait3A_258 = tpu.memref_slice %arg6[%dma_wait3A_256, %dma_wait3A_257] : memref<1000000x32xf32, #tpu.memory_space<hbm>> -> memref<1000000x32xf32, #tpu.memory_space<hbm>>
    tpu.wait_indirect_dma semaphore(%arg17 : memref<!tpu.dma_semaphore, #tpu.memory_space<semaphore_mem>>) src(%dma_wait3A_258 : memref<1000000x32xf32, #tpu.memory_space<hbm>>) dst(%dma_wait3A_253 : memref<128x32xf32, #tpu.memory_space<vmem>>)
    %dma_wait3A_259 = arith.constant 256 : i32
    %dma_wait3A_260 = arith.constant 0 : i32
    %dma_wait3A_261 = tpu.memref_slice %arg12[%dma_wait3A_259, %dma_wait3A_260] : memref<512x32xf32, #tpu.memory_space<vmem>> -> memref<128x32xf32, #tpu.memory_space<vmem>>
    %dma_wait3A_262 = arith.constant 256 : i32
    %dma_wait3A_263 = tpu.memref_slice %arg9[%dma_wait3A_262] : memref<512xi32, #tpu.memory_space<vmem>> -> memref<128xi32, #tpu.memory_space<vmem>>
    %dma_wait3A_264 = arith.constant 0 : i32
    %dma_wait3A_265 = arith.constant 0 : i32
    %dma_wait3A_266 = tpu.memref_slice %arg5[%dma_wait3A_264, %dma_wait3A_265] : memref<1000000x32xf32, #tpu.memory_space<hbm>> -> memref<1000000x32xf32, #tpu.memory_space<hbm>>
    tpu.wait_indirect_dma semaphore(%arg17 : memref<!tpu.dma_semaphore, #tpu.memory_space<semaphore_mem>>) src(%dma_wait3A_266 : memref<1000000x32xf32, #tpu.memory_space<hbm>>) dst(%dma_wait3A_261 : memref<128x32xf32, #tpu.memory_space<vmem>>)
    %dma_wait3A_267 = arith.constant 256 : i32
    %dma_wait3A_268 = arith.constant 0 : i32
    %dma_wait3A_269 = tpu.memref_slice %arg13[%dma_wait3A_267, %dma_wait3A_268] : memref<512x32xf32, #tpu.memory_space<vmem>> -> memref<128x32xf32, #tpu.memory_space<vmem>>
    %dma_wait3A_270 = arith.constant 256 : i32
    %dma_wait3A_271 = tpu.memref_slice %arg10[%dma_wait3A_270] : memref<512xi32, #tpu.memory_space<vmem>> -> memref<128xi32, #tpu.memory_space<vmem>>
    %dma_wait3A_272 = arith.constant 0 : i32
    %dma_wait3A_273 = arith.constant 0 : i32
    %dma_wait3A_274 = tpu.memref_slice %arg6[%dma_wait3A_272, %dma_wait3A_273] : memref<1000000x32xf32, #tpu.memory_space<hbm>> -> memref<1000000x32xf32, #tpu.memory_space<hbm>>
    tpu.wait_indirect_dma semaphore(%arg17 : memref<!tpu.dma_semaphore, #tpu.memory_space<semaphore_mem>>) src(%dma_wait3A_274 : memref<1000000x32xf32, #tpu.memory_space<hbm>>) dst(%dma_wait3A_269 : memref<128x32xf32, #tpu.memory_space<vmem>>)
    %dma_wait3A_275 = arith.constant 384 : i32
    %dma_wait3A_276 = arith.constant 0 : i32
    %dma_wait3A_277 = tpu.memref_slice %arg12[%dma_wait3A_275, %dma_wait3A_276] : memref<512x32xf32, #tpu.memory_space<vmem>> -> memref<128x32xf32, #tpu.memory_space<vmem>>
    %dma_wait3A_278 = arith.constant 384 : i32
    %dma_wait3A_279 = tpu.memref_slice %arg9[%dma_wait3A_278] : memref<512xi32, #tpu.memory_space<vmem>> -> memref<128xi32, #tpu.memory_space<vmem>>
    %dma_wait3A_280 = arith.constant 0 : i32
    %dma_wait3A_281 = arith.constant 0 : i32
    %dma_wait3A_282 = tpu.memref_slice %arg5[%dma_wait3A_280, %dma_wait3A_281] : memref<1000000x32xf32, #tpu.memory_space<hbm>> -> memref<1000000x32xf32, #tpu.memory_space<hbm>>
    tpu.wait_indirect_dma semaphore(%arg17 : memref<!tpu.dma_semaphore, #tpu.memory_space<semaphore_mem>>) src(%dma_wait3A_282 : memref<1000000x32xf32, #tpu.memory_space<hbm>>) dst(%dma_wait3A_277 : memref<128x32xf32, #tpu.memory_space<vmem>>)
    %dma_wait3A_283 = arith.constant 384 : i32
    %dma_wait3A_284 = arith.constant 0 : i32
    %dma_wait3A_285 = tpu.memref_slice %arg13[%dma_wait3A_283, %dma_wait3A_284] : memref<512x32xf32, #tpu.memory_space<vmem>> -> memref<128x32xf32, #tpu.memory_space<vmem>>
    %dma_wait3A_286 = arith.constant 384 : i32
    %dma_wait3A_287 = tpu.memref_slice %arg10[%dma_wait3A_286] : memref<512xi32, #tpu.memory_space<vmem>> -> memref<128xi32, #tpu.memory_space<vmem>>
    %dma_wait3A_288 = arith.constant 0 : i32
    %dma_wait3A_289 = arith.constant 0 : i32
    %dma_wait3A_290 = tpu.memref_slice %arg6[%dma_wait3A_288, %dma_wait3A_289] : memref<1000000x32xf32, #tpu.memory_space<hbm>> -> memref<1000000x32xf32, #tpu.memory_space<hbm>>
    tpu.wait_indirect_dma semaphore(%arg17 : memref<!tpu.dma_semaphore, #tpu.memory_space<semaphore_mem>>) src(%dma_wait3A_290 : memref<1000000x32xf32, #tpu.memory_space<hbm>>) dst(%dma_wait3A_285 : memref<128x32xf32, #tpu.memory_space<vmem>>)
    %dma_wait3A_291 = arith.constant 0 : i32
    %dma_wait3A_292 = arith.constant 0 : i32
    %dma_wait3A_293 = tpu.memref_slice %arg14[%dma_wait3A_291, %dma_wait3A_292] : memref<2560x32xf32, #tpu.memory_space<vmem>> -> memref<128x32xf32, #tpu.memory_space<vmem>>
    %dma_wait3A_294 = arith.constant 0 : i32
    %dma_wait3A_295 = tpu.memref_slice %arg11[%dma_wait3A_294] : memref<2560xi32, #tpu.memory_space<vmem>> -> memref<128xi32, #tpu.memory_space<vmem>>
    %dma_wait3A_296 = arith.constant 0 : i32
    %dma_wait3A_297 = arith.constant 0 : i32
    %dma_wait3A_298 = tpu.memref_slice %arg6[%dma_wait3A_296, %dma_wait3A_297] : memref<1000000x32xf32, #tpu.memory_space<hbm>> -> memref<1000000x32xf32, #tpu.memory_space<hbm>>
    tpu.wait_indirect_dma semaphore(%arg17 : memref<!tpu.dma_semaphore, #tpu.memory_space<semaphore_mem>>) src(%dma_wait3A_298 : memref<1000000x32xf32, #tpu.memory_space<hbm>>) dst(%dma_wait3A_293 : memref<128x32xf32, #tpu.memory_space<vmem>>)
    %dma_wait3A_299 = arith.constant 128 : i32
    %dma_wait3A_300 = arith.constant 0 : i32
    %dma_wait3A_301 = tpu.memref_slice %arg14[%dma_wait3A_299, %dma_wait3A_300] : memref<2560x32xf32, #tpu.memory_space<vmem>> -> memref<128x32xf32, #tpu.memory_space<vmem>>
    %dma_wait3A_302 = arith.constant 128 : i32
    %dma_wait3A_303 = tpu.memref_slice %arg11[%dma_wait3A_302] : memref<2560xi32, #tpu.memory_space<vmem>> -> memref<128xi32, #tpu.memory_space<vmem>>
    %dma_wait3A_304 = arith.constant 0 : i32
    %dma_wait3A_305 = arith.constant 0 : i32
    %dma_wait3A_306 = tpu.memref_slice %arg6[%dma_wait3A_304, %dma_wait3A_305] : memref<1000000x32xf32, #tpu.memory_space<hbm>> -> memref<1000000x32xf32, #tpu.memory_space<hbm>>
    tpu.wait_indirect_dma semaphore(%arg17 : memref<!tpu.dma_semaphore, #tpu.memory_space<semaphore_mem>>) src(%dma_wait3A_306 : memref<1000000x32xf32, #tpu.memory_space<hbm>>) dst(%dma_wait3A_301 : memref<128x32xf32, #tpu.memory_space<vmem>>)
    %dma_wait3A_307 = arith.constant 256 : i32
    %dma_wait3A_308 = arith.constant 0 : i32
    %dma_wait3A_309 = tpu.memref_slice %arg14[%dma_wait3A_307, %dma_wait3A_308] : memref<2560x32xf32, #tpu.memory_space<vmem>> -> memref<128x32xf32, #tpu.memory_space<vmem>>
    %dma_wait3A_310 = arith.constant 256 : i32
    %dma_wait3A_311 = tpu.memref_slice %arg11[%dma_wait3A_310] : memref<2560xi32, #tpu.memory_space<vmem>> -> memref<128xi32, #tpu.memory_space<vmem>>
    %dma_wait3A_312 = arith.constant 0 : i32
    %dma_wait3A_313 = arith.constant 0 : i32
    %dma_wait3A_314 = tpu.memref_slice %arg6[%dma_wait3A_312, %dma_wait3A_313] : memref<1000000x32xf32, #tpu.memory_space<hbm>> -> memref<1000000x32xf32, #tpu.memory_space<hbm>>
    tpu.wait_indirect_dma semaphore(%arg17 : memref<!tpu.dma_semaphore, #tpu.memory_space<semaphore_mem>>) src(%dma_wait3A_314 : memref<1000000x32xf32, #tpu.memory_space<hbm>>) dst(%dma_wait3A_309 : memref<128x32xf32, #tpu.memory_space<vmem>>)
    %dma_wait3A_315 = arith.constant 384 : i32
    %dma_wait3A_316 = arith.constant 0 : i32
    %dma_wait3A_317 = tpu.memref_slice %arg14[%dma_wait3A_315, %dma_wait3A_316] : memref<2560x32xf32, #tpu.memory_space<vmem>> -> memref<128x32xf32, #tpu.memory_space<vmem>>
    %dma_wait3A_318 = arith.constant 384 : i32
    %dma_wait3A_319 = tpu.memref_slice %arg11[%dma_wait3A_318] : memref<2560xi32, #tpu.memory_space<vmem>> -> memref<128xi32, #tpu.memory_space<vmem>>
    %dma_wait3A_320 = arith.constant 0 : i32
    %dma_wait3A_321 = arith.constant 0 : i32
    %dma_wait3A_322 = tpu.memref_slice %arg6[%dma_wait3A_320, %dma_wait3A_321] : memref<1000000x32xf32, #tpu.memory_space<hbm>> -> memref<1000000x32xf32, #tpu.memory_space<hbm>>
    tpu.wait_indirect_dma semaphore(%arg17 : memref<!tpu.dma_semaphore, #tpu.memory_space<semaphore_mem>>) src(%dma_wait3A_322 : memref<1000000x32xf32, #tpu.memory_space<hbm>>) dst(%dma_wait3A_317 : memref<128x32xf32, #tpu.memory_space<vmem>>)
    %dma_wait3A_323 = arith.constant 512 : i32
    %dma_wait3A_324 = arith.constant 0 : i32
    %dma_wait3A_325 = tpu.memref_slice %arg14[%dma_wait3A_323, %dma_wait3A_324] : memref<2560x32xf32, #tpu.memory_space<vmem>> -> memref<128x32xf32, #tpu.memory_space<vmem>>
    %dma_wait3A_326 = arith.constant 512 : i32
    %dma_wait3A_327 = tpu.memref_slice %arg11[%dma_wait3A_326] : memref<2560xi32, #tpu.memory_space<vmem>> -> memref<128xi32, #tpu.memory_space<vmem>>
    %dma_wait3A_328 = arith.constant 0 : i32
    %dma_wait3A_329 = arith.constant 0 : i32
    %dma_wait3A_330 = tpu.memref_slice %arg6[%dma_wait3A_328, %dma_wait3A_329] : memref<1000000x32xf32, #tpu.memory_space<hbm>> -> memref<1000000x32xf32, #tpu.memory_space<hbm>>
    tpu.wait_indirect_dma semaphore(%arg17 : memref<!tpu.dma_semaphore, #tpu.memory_space<semaphore_mem>>) src(%dma_wait3A_330 : memref<1000000x32xf32, #tpu.memory_space<hbm>>) dst(%dma_wait3A_325 : memref<128x32xf32, #tpu.memory_space<vmem>>)
    %dma_wait3A_331 = arith.constant 640 : i32
    %dma_wait3A_332 = arith.constant 0 : i32
    %dma_wait3A_333 = tpu.memref_slice %arg14[%dma_wait3A_331, %dma_wait3A_332] : memref<2560x32xf32, #tpu.memory_space<vmem>> -> memref<128x32xf32, #tpu.memory_space<vmem>>
    %dma_wait3A_334 = arith.constant 640 : i32
    %dma_wait3A_335 = tpu.memref_slice %arg11[%dma_wait3A_334] : memref<2560xi32, #tpu.memory_space<vmem>> -> memref<128xi32, #tpu.memory_space<vmem>>
    %dma_wait3A_336 = arith.constant 0 : i32
    %dma_wait3A_337 = arith.constant 0 : i32
    %dma_wait3A_338 = tpu.memref_slice %arg6[%dma_wait3A_336, %dma_wait3A_337] : memref<1000000x32xf32, #tpu.memory_space<hbm>> -> memref<1000000x32xf32, #tpu.memory_space<hbm>>
    tpu.wait_indirect_dma semaphore(%arg17 : memref<!tpu.dma_semaphore, #tpu.memory_space<semaphore_mem>>) src(%dma_wait3A_338 : memref<1000000x32xf32, #tpu.memory_space<hbm>>) dst(%dma_wait3A_333 : memref<128x32xf32, #tpu.memory_space<vmem>>)
    %dma_wait3A_339 = arith.constant 768 : i32
    %dma_wait3A_340 = arith.constant 0 : i32
    %dma_wait3A_341 = tpu.memref_slice %arg14[%dma_wait3A_339, %dma_wait3A_340] : memref<2560x32xf32, #tpu.memory_space<vmem>> -> memref<128x32xf32, #tpu.memory_space<vmem>>
    %dma_wait3A_342 = arith.constant 768 : i32
    %dma_wait3A_343 = tpu.memref_slice %arg11[%dma_wait3A_342] : memref<2560xi32, #tpu.memory_space<vmem>> -> memref<128xi32, #tpu.memory_space<vmem>>
    %dma_wait3A_344 = arith.constant 0 : i32
    %dma_wait3A_345 = arith.constant 0 : i32
    %dma_wait3A_346 = tpu.memref_slice %arg6[%dma_wait3A_344, %dma_wait3A_345] : memref<1000000x32xf32, #tpu.memory_space<hbm>> -> memref<1000000x32xf32, #tpu.memory_space<hbm>>
    tpu.wait_indirect_dma semaphore(%arg17 : memref<!tpu.dma_semaphore, #tpu.memory_space<semaphore_mem>>) src(%dma_wait3A_346 : memref<1000000x32xf32, #tpu.memory_space<hbm>>) dst(%dma_wait3A_341 : memref<128x32xf32, #tpu.memory_space<vmem>>)
    %dma_wait3A_347 = arith.constant 896 : i32
    %dma_wait3A_348 = arith.constant 0 : i32
    %dma_wait3A_349 = tpu.memref_slice %arg14[%dma_wait3A_347, %dma_wait3A_348] : memref<2560x32xf32, #tpu.memory_space<vmem>> -> memref<128x32xf32, #tpu.memory_space<vmem>>
    %dma_wait3A_350 = arith.constant 896 : i32
    %dma_wait3A_351 = tpu.memref_slice %arg11[%dma_wait3A_350] : memref<2560xi32, #tpu.memory_space<vmem>> -> memref<128xi32, #tpu.memory_space<vmem>>
    %dma_wait3A_352 = arith.constant 0 : i32
    %dma_wait3A_353 = arith.constant 0 : i32
    %dma_wait3A_354 = tpu.memref_slice %arg6[%dma_wait3A_352, %dma_wait3A_353] : memref<1000000x32xf32, #tpu.memory_space<hbm>> -> memref<1000000x32xf32, #tpu.memory_space<hbm>>
    tpu.wait_indirect_dma semaphore(%arg17 : memref<!tpu.dma_semaphore, #tpu.memory_space<semaphore_mem>>) src(%dma_wait3A_354 : memref<1000000x32xf32, #tpu.memory_space<hbm>>) dst(%dma_wait3A_349 : memref<128x32xf32, #tpu.memory_space<vmem>>)
    %dma_wait3A_355 = arith.constant 1024 : i32
    %dma_wait3A_356 = arith.constant 0 : i32
    %dma_wait3A_357 = tpu.memref_slice %arg14[%dma_wait3A_355, %dma_wait3A_356] : memref<2560x32xf32, #tpu.memory_space<vmem>> -> memref<128x32xf32, #tpu.memory_space<vmem>>
    %dma_wait3A_358 = arith.constant 1024 : i32
    %dma_wait3A_359 = tpu.memref_slice %arg11[%dma_wait3A_358] : memref<2560xi32, #tpu.memory_space<vmem>> -> memref<128xi32, #tpu.memory_space<vmem>>
    %dma_wait3A_360 = arith.constant 0 : i32
    %dma_wait3A_361 = arith.constant 0 : i32
    %dma_wait3A_362 = tpu.memref_slice %arg6[%dma_wait3A_360, %dma_wait3A_361] : memref<1000000x32xf32, #tpu.memory_space<hbm>> -> memref<1000000x32xf32, #tpu.memory_space<hbm>>
    tpu.wait_indirect_dma semaphore(%arg17 : memref<!tpu.dma_semaphore, #tpu.memory_space<semaphore_mem>>) src(%dma_wait3A_362 : memref<1000000x32xf32, #tpu.memory_space<hbm>>) dst(%dma_wait3A_357 : memref<128x32xf32, #tpu.memory_space<vmem>>)
    %dma_wait3A_363 = arith.constant 1152 : i32
    %dma_wait3A_364 = arith.constant 0 : i32
    %dma_wait3A_365 = tpu.memref_slice %arg14[%dma_wait3A_363, %dma_wait3A_364] : memref<2560x32xf32, #tpu.memory_space<vmem>> -> memref<128x32xf32, #tpu.memory_space<vmem>>
    %dma_wait3A_366 = arith.constant 1152 : i32
    %dma_wait3A_367 = tpu.memref_slice %arg11[%dma_wait3A_366] : memref<2560xi32, #tpu.memory_space<vmem>> -> memref<128xi32, #tpu.memory_space<vmem>>
    %dma_wait3A_368 = arith.constant 0 : i32
    %dma_wait3A_369 = arith.constant 0 : i32
    %dma_wait3A_370 = tpu.memref_slice %arg6[%dma_wait3A_368, %dma_wait3A_369] : memref<1000000x32xf32, #tpu.memory_space<hbm>> -> memref<1000000x32xf32, #tpu.memory_space<hbm>>
    tpu.wait_indirect_dma semaphore(%arg17 : memref<!tpu.dma_semaphore, #tpu.memory_space<semaphore_mem>>) src(%dma_wait3A_370 : memref<1000000x32xf32, #tpu.memory_space<hbm>>) dst(%dma_wait3A_365 : memref<128x32xf32, #tpu.memory_space<vmem>>)
    %dma_wait3A_371 = arith.constant 1280 : i32
    %dma_wait3A_372 = arith.constant 0 : i32
    %dma_wait3A_373 = tpu.memref_slice %arg14[%dma_wait3A_371, %dma_wait3A_372] : memref<2560x32xf32, #tpu.memory_space<vmem>> -> memref<128x32xf32, #tpu.memory_space<vmem>>
    %dma_wait3A_374 = arith.constant 1280 : i32
    %dma_wait3A_375 = tpu.memref_slice %arg11[%dma_wait3A_374] : memref<2560xi32, #tpu.memory_space<vmem>> -> memref<128xi32, #tpu.memory_space<vmem>>
    %dma_wait3A_376 = arith.constant 0 : i32
    %dma_wait3A_377 = arith.constant 0 : i32
    %dma_wait3A_378 = tpu.memref_slice %arg6[%dma_wait3A_376, %dma_wait3A_377] : memref<1000000x32xf32, #tpu.memory_space<hbm>> -> memref<1000000x32xf32, #tpu.memory_space<hbm>>
    tpu.wait_indirect_dma semaphore(%arg17 : memref<!tpu.dma_semaphore, #tpu.memory_space<semaphore_mem>>) src(%dma_wait3A_378 : memref<1000000x32xf32, #tpu.memory_space<hbm>>) dst(%dma_wait3A_373 : memref<128x32xf32, #tpu.memory_space<vmem>>)
    %dma_wait3A_379 = arith.constant 1408 : i32
    %dma_wait3A_380 = arith.constant 0 : i32
    %dma_wait3A_381 = tpu.memref_slice %arg14[%dma_wait3A_379, %dma_wait3A_380] : memref<2560x32xf32, #tpu.memory_space<vmem>> -> memref<128x32xf32, #tpu.memory_space<vmem>>
    %dma_wait3A_382 = arith.constant 1408 : i32
    %dma_wait3A_383 = tpu.memref_slice %arg11[%dma_wait3A_382] : memref<2560xi32, #tpu.memory_space<vmem>> -> memref<128xi32, #tpu.memory_space<vmem>>
    %dma_wait3A_384 = arith.constant 0 : i32
    %dma_wait3A_385 = arith.constant 0 : i32
    %dma_wait3A_386 = tpu.memref_slice %arg6[%dma_wait3A_384, %dma_wait3A_385] : memref<1000000x32xf32, #tpu.memory_space<hbm>> -> memref<1000000x32xf32, #tpu.memory_space<hbm>>
    tpu.wait_indirect_dma semaphore(%arg17 : memref<!tpu.dma_semaphore, #tpu.memory_space<semaphore_mem>>) src(%dma_wait3A_386 : memref<1000000x32xf32, #tpu.memory_space<hbm>>) dst(%dma_wait3A_381 : memref<128x32xf32, #tpu.memory_space<vmem>>)
    %dma_wait3A_387 = arith.constant 1536 : i32
    %dma_wait3A_388 = arith.constant 0 : i32
    %dma_wait3A_389 = tpu.memref_slice %arg14[%dma_wait3A_387, %dma_wait3A_388] : memref<2560x32xf32, #tpu.memory_space<vmem>> -> memref<128x32xf32, #tpu.memory_space<vmem>>
    %dma_wait3A_390 = arith.constant 1536 : i32
    %dma_wait3A_391 = tpu.memref_slice %arg11[%dma_wait3A_390] : memref<2560xi32, #tpu.memory_space<vmem>> -> memref<128xi32, #tpu.memory_space<vmem>>
    %dma_wait3A_392 = arith.constant 0 : i32
    %dma_wait3A_393 = arith.constant 0 : i32
    %dma_wait3A_394 = tpu.memref_slice %arg6[%dma_wait3A_392, %dma_wait3A_393] : memref<1000000x32xf32, #tpu.memory_space<hbm>> -> memref<1000000x32xf32, #tpu.memory_space<hbm>>
    tpu.wait_indirect_dma semaphore(%arg17 : memref<!tpu.dma_semaphore, #tpu.memory_space<semaphore_mem>>) src(%dma_wait3A_394 : memref<1000000x32xf32, #tpu.memory_space<hbm>>) dst(%dma_wait3A_389 : memref<128x32xf32, #tpu.memory_space<vmem>>)
    %dma_wait3A_395 = arith.constant 1664 : i32
    %dma_wait3A_396 = arith.constant 0 : i32
    %dma_wait3A_397 = tpu.memref_slice %arg14[%dma_wait3A_395, %dma_wait3A_396] : memref<2560x32xf32, #tpu.memory_space<vmem>> -> memref<128x32xf32, #tpu.memory_space<vmem>>
    %dma_wait3A_398 = arith.constant 1664 : i32
    %dma_wait3A_399 = tpu.memref_slice %arg11[%dma_wait3A_398] : memref<2560xi32, #tpu.memory_space<vmem>> -> memref<128xi32, #tpu.memory_space<vmem>>
    %dma_wait3A_400 = arith.constant 0 : i32
    %dma_wait3A_401 = arith.constant 0 : i32
    %dma_wait3A_402 = tpu.memref_slice %arg6[%dma_wait3A_400, %dma_wait3A_401] : memref<1000000x32xf32, #tpu.memory_space<hbm>> -> memref<1000000x32xf32, #tpu.memory_space<hbm>>
    tpu.wait_indirect_dma semaphore(%arg17 : memref<!tpu.dma_semaphore, #tpu.memory_space<semaphore_mem>>) src(%dma_wait3A_402 : memref<1000000x32xf32, #tpu.memory_space<hbm>>) dst(%dma_wait3A_397 : memref<128x32xf32, #tpu.memory_space<vmem>>)
    %dma_wait3A_403 = arith.constant 1792 : i32
    %dma_wait3A_404 = arith.constant 0 : i32
    %dma_wait3A_405 = tpu.memref_slice %arg14[%dma_wait3A_403, %dma_wait3A_404] : memref<2560x32xf32, #tpu.memory_space<vmem>> -> memref<128x32xf32, #tpu.memory_space<vmem>>
    %dma_wait3A_406 = arith.constant 1792 : i32
    %dma_wait3A_407 = tpu.memref_slice %arg11[%dma_wait3A_406] : memref<2560xi32, #tpu.memory_space<vmem>> -> memref<128xi32, #tpu.memory_space<vmem>>
    %dma_wait3A_408 = arith.constant 0 : i32
    %dma_wait3A_409 = arith.constant 0 : i32
    %dma_wait3A_410 = tpu.memref_slice %arg6[%dma_wait3A_408, %dma_wait3A_409] : memref<1000000x32xf32, #tpu.memory_space<hbm>> -> memref<1000000x32xf32, #tpu.memory_space<hbm>>
    tpu.wait_indirect_dma semaphore(%arg17 : memref<!tpu.dma_semaphore, #tpu.memory_space<semaphore_mem>>) src(%dma_wait3A_410 : memref<1000000x32xf32, #tpu.memory_space<hbm>>) dst(%dma_wait3A_405 : memref<128x32xf32, #tpu.memory_space<vmem>>)
    %dma_wait3A_411 = arith.constant 1920 : i32
    %dma_wait3A_412 = arith.constant 0 : i32
    %dma_wait3A_413 = tpu.memref_slice %arg14[%dma_wait3A_411, %dma_wait3A_412] : memref<2560x32xf32, #tpu.memory_space<vmem>> -> memref<128x32xf32, #tpu.memory_space<vmem>>
    %dma_wait3A_414 = arith.constant 1920 : i32
    %dma_wait3A_415 = tpu.memref_slice %arg11[%dma_wait3A_414] : memref<2560xi32, #tpu.memory_space<vmem>> -> memref<128xi32, #tpu.memory_space<vmem>>
    %dma_wait3A_416 = arith.constant 0 : i32
    %dma_wait3A_417 = arith.constant 0 : i32
    %dma_wait3A_418 = tpu.memref_slice %arg6[%dma_wait3A_416, %dma_wait3A_417] : memref<1000000x32xf32, #tpu.memory_space<hbm>> -> memref<1000000x32xf32, #tpu.memory_space<hbm>>
    tpu.wait_indirect_dma semaphore(%arg17 : memref<!tpu.dma_semaphore, #tpu.memory_space<semaphore_mem>>) src(%dma_wait3A_418 : memref<1000000x32xf32, #tpu.memory_space<hbm>>) dst(%dma_wait3A_413 : memref<128x32xf32, #tpu.memory_space<vmem>>)
    %dma_wait3A_419 = arith.constant 2048 : i32
    %dma_wait3A_420 = arith.constant 0 : i32
    %dma_wait3A_421 = tpu.memref_slice %arg14[%dma_wait3A_419, %dma_wait3A_420] : memref<2560x32xf32, #tpu.memory_space<vmem>> -> memref<128x32xf32, #tpu.memory_space<vmem>>
    %dma_wait3A_422 = arith.constant 2048 : i32
    %dma_wait3A_423 = tpu.memref_slice %arg11[%dma_wait3A_422] : memref<2560xi32, #tpu.memory_space<vmem>> -> memref<128xi32, #tpu.memory_space<vmem>>
    %dma_wait3A_424 = arith.constant 0 : i32
    %dma_wait3A_425 = arith.constant 0 : i32
    %dma_wait3A_426 = tpu.memref_slice %arg6[%dma_wait3A_424, %dma_wait3A_425] : memref<1000000x32xf32, #tpu.memory_space<hbm>> -> memref<1000000x32xf32, #tpu.memory_space<hbm>>
    tpu.wait_indirect_dma semaphore(%arg17 : memref<!tpu.dma_semaphore, #tpu.memory_space<semaphore_mem>>) src(%dma_wait3A_426 : memref<1000000x32xf32, #tpu.memory_space<hbm>>) dst(%dma_wait3A_421 : memref<128x32xf32, #tpu.memory_space<vmem>>)
    %dma_wait3A_427 = arith.constant 2176 : i32
    %dma_wait3A_428 = arith.constant 0 : i32
    %dma_wait3A_429 = tpu.memref_slice %arg14[%dma_wait3A_427, %dma_wait3A_428] : memref<2560x32xf32, #tpu.memory_space<vmem>> -> memref<128x32xf32, #tpu.memory_space<vmem>>
    %dma_wait3A_430 = arith.constant 2176 : i32
    %dma_wait3A_431 = tpu.memref_slice %arg11[%dma_wait3A_430] : memref<2560xi32, #tpu.memory_space<vmem>> -> memref<128xi32, #tpu.memory_space<vmem>>
    %dma_wait3A_432 = arith.constant 0 : i32
    %dma_wait3A_433 = arith.constant 0 : i32
    %dma_wait3A_434 = tpu.memref_slice %arg6[%dma_wait3A_432, %dma_wait3A_433] : memref<1000000x32xf32, #tpu.memory_space<hbm>> -> memref<1000000x32xf32, #tpu.memory_space<hbm>>
    tpu.wait_indirect_dma semaphore(%arg17 : memref<!tpu.dma_semaphore, #tpu.memory_space<semaphore_mem>>) src(%dma_wait3A_434 : memref<1000000x32xf32, #tpu.memory_space<hbm>>) dst(%dma_wait3A_429 : memref<128x32xf32, #tpu.memory_space<vmem>>)
    %dma_wait3A_435 = arith.constant 2304 : i32
    %dma_wait3A_436 = arith.constant 0 : i32
    %dma_wait3A_437 = tpu.memref_slice %arg14[%dma_wait3A_435, %dma_wait3A_436] : memref<2560x32xf32, #tpu.memory_space<vmem>> -> memref<128x32xf32, #tpu.memory_space<vmem>>
    %dma_wait3A_438 = arith.constant 2304 : i32
    %dma_wait3A_439 = tpu.memref_slice %arg11[%dma_wait3A_438] : memref<2560xi32, #tpu.memory_space<vmem>> -> memref<128xi32, #tpu.memory_space<vmem>>
    %dma_wait3A_440 = arith.constant 0 : i32
    %dma_wait3A_441 = arith.constant 0 : i32
    %dma_wait3A_442 = tpu.memref_slice %arg6[%dma_wait3A_440, %dma_wait3A_441] : memref<1000000x32xf32, #tpu.memory_space<hbm>> -> memref<1000000x32xf32, #tpu.memory_space<hbm>>
    tpu.wait_indirect_dma semaphore(%arg17 : memref<!tpu.dma_semaphore, #tpu.memory_space<semaphore_mem>>) src(%dma_wait3A_442 : memref<1000000x32xf32, #tpu.memory_space<hbm>>) dst(%dma_wait3A_437 : memref<128x32xf32, #tpu.memory_space<vmem>>)
    %dma_wait3A_443 = arith.constant 2432 : i32
    %dma_wait3A_444 = arith.constant 0 : i32
    %dma_wait3A_445 = tpu.memref_slice %arg14[%dma_wait3A_443, %dma_wait3A_444] : memref<2560x32xf32, #tpu.memory_space<vmem>> -> memref<128x32xf32, #tpu.memory_space<vmem>>
    %dma_wait3A_446 = arith.constant 2432 : i32
    %dma_wait3A_447 = tpu.memref_slice %arg11[%dma_wait3A_446] : memref<2560xi32, #tpu.memory_space<vmem>> -> memref<128xi32, #tpu.memory_space<vmem>>
    %dma_wait3A_448 = arith.constant 0 : i32
    %dma_wait3A_449 = arith.constant 0 : i32
    %dma_wait3A_450 = tpu.memref_slice %arg6[%dma_wait3A_448, %dma_wait3A_449] : memref<1000000x32xf32, #tpu.memory_space<hbm>> -> memref<1000000x32xf32, #tpu.memory_space<hbm>>
    tpu.wait_indirect_dma semaphore(%arg17 : memref<!tpu.dma_semaphore, #tpu.memory_space<semaphore_mem>>) src(%dma_wait3A_450 : memref<1000000x32xf32, #tpu.memory_space<hbm>>) dst(%dma_wait3A_445 : memref<128x32xf32, #tpu.memory_space<vmem>>)
    %iota3A = tpu.iota {dimensions = array<i32: 0>} : vector<16xi32>
    %scan3A = arith.constant 0 : i32
    %scan3A_451 = arith.constant 0 : i32
    %scan3A_452 = arith.constant 32 : i32
    %scan3A_453 = arith.addi %scan3A_451, %scan3A_452 : i32
    %scan3A_454 = arith.constant 1 : i32
    scf.for %scan3A_456 = %scan3A_451 to %scan3A_453 step %scan3A_454  : i32 {
      %mul3A_457 = arith.constant 16 : i32
      %mul3A_458 = arith.muli %scan3A_456, %mul3A_457 : i32
      %add3A_459 = vector.broadcast %mul3A_458 : i32 to vector<16xi32>
      %add3A_460 = arith.addi %add3A_459, %iota3A : vector<16xi32>
      %mul3A_461 = arith.constant 5 : i32
      %mul3A_462 = vector.broadcast %mul3A_461 : i32 to vector<16xi32>
      %mul3A_463 = arith.muli %add3A_460, %mul3A_462 : vector<16xi32>
      %broadcast_in_dim3A = arith.constant 0.000000e+00 : f32
      %broadcast_in_dim3A_464 = vector.broadcast %broadcast_in_dim3A : f32 to vector<16xf32>
      %broadcast_in_dim3A_465 = arith.constant 0.000000e+00 : f32
      %broadcast_in_dim3A_466 = vector.broadcast %broadcast_in_dim3A_465 : f32 to vector<16xf32>
      %broadcast_in_dim3A_467 = arith.constant 0.000000e+00 : f32
      %broadcast_in_dim3A_468 = vector.broadcast %broadcast_in_dim3A_467 : f32 to vector<16xf32>
      %broadcast_in_dim3A_469 = arith.constant 0.000000e+00 : f32
      %broadcast_in_dim3A_470 = vector.broadcast %broadcast_in_dim3A_469 : f32 to vector<16xf32>
      %broadcast_in_dim3A_471 = arith.constant 0.000000e+00 : f32
      %broadcast_in_dim3A_472 = vector.broadcast %broadcast_in_dim3A_471 : f32 to vector<16xf32>
      %broadcast_in_dim3A_473 = arith.constant 0.000000e+00 : f32
      %broadcast_in_dim3A_474 = vector.broadcast %broadcast_in_dim3A_473 : f32 to vector<16xf32>
      %broadcast_in_dim3A_475 = arith.constant 0 : i32
      %broadcast_in_dim3A_476 = vector.broadcast %broadcast_in_dim3A_475 : i32 to vector<16xi32>
      %gather3A = tpu.vector_load_idx %arg12[%add3A_460, %broadcast_in_dim3A_476] : memref<512x32xf32, #tpu.memory_space<vmem>>[vector<16xi32>, vector<16xi32>], vector<16xf32>,
      %gather3A_477 = tpu.vector_load_idx %arg13[%add3A_460, %broadcast_in_dim3A_476] : memref<512x32xf32, #tpu.memory_space<vmem>>[vector<16xi32>, vector<16xi32>], vector<16xf32>,
      %mul3A_478 = arith.mulf %gather3A, %gather3A_477 : vector<16xf32>
      %add3A_479 = arith.addf %broadcast_in_dim3A_464, %mul3A_478 : vector<16xf32>
      %add3A_480 = arith.constant 0 : i32
      %add3A_481 = vector.broadcast %add3A_480 : i32 to vector<16xi32>
      %add3A_482 = arith.addi %mul3A_463, %add3A_481 : vector<16xi32>
      %gather3A_483 = tpu.vector_load_idx %arg14[%add3A_482, %broadcast_in_dim3A_476] : memref<2560x32xf32, #tpu.memory_space<vmem>>[vector<16xi32>, vector<16xi32>], vector<16xf32>,
      %mul3A_484 = arith.mulf %gather3A, %gather3A_483 : vector<16xf32>
      %add3A_485 = arith.addf %broadcast_in_dim3A_466, %mul3A_484 : vector<16xf32>
      %add3A_486 = arith.constant 1 : i32
      %add3A_487 = vector.broadcast %add3A_486 : i32 to vector<16xi32>
      %add3A_488 = arith.addi %mul3A_463, %add3A_487 : vector<16xi32>
      %gather3A_489 = tpu.vector_load_idx %arg14[%add3A_488, %broadcast_in_dim3A_476] : memref<2560x32xf32, #tpu.memory_space<vmem>>[vector<16xi32>, vector<16xi32>], vector<16xf32>,
      %mul3A_490 = arith.mulf %gather3A, %gather3A_489 : vector<16xf32>
      %add3A_491 = arith.addf %broadcast_in_dim3A_468, %mul3A_490 : vector<16xf32>
      %add3A_492 = arith.constant 2 : i32
      %add3A_493 = vector.broadcast %add3A_492 : i32 to vector<16xi32>
      %add3A_494 = arith.addi %mul3A_463, %add3A_493 : vector<16xi32>
      %gather3A_495 = tpu.vector_load_idx %arg14[%add3A_494, %broadcast_in_dim3A_476] : memref<2560x32xf32, #tpu.memory_space<vmem>>[vector<16xi32>, vector<16xi32>], vector<16xf32>,
      %mul3A_496 = arith.mulf %gather3A, %gather3A_495 : vector<16xf32>
      %add3A_497 = arith.addf %broadcast_in_dim3A_470, %mul3A_496 : vector<16xf32>
      %add3A_498 = arith.constant 3 : i32
      %add3A_499 = vector.broadcast %add3A_498 : i32 to vector<16xi32>
      %add3A_500 = arith.addi %mul3A_463, %add3A_499 : vector<16xi32>
      %gather3A_501 = tpu.vector_load_idx %arg14[%add3A_500, %broadcast_in_dim3A_476] : memref<2560x32xf32, #tpu.memory_space<vmem>>[vector<16xi32>, vector<16xi32>], vector<16xf32>,
      %mul3A_502 = arith.mulf %gather3A, %gather3A_501 : vector<16xf32>
      %add3A_503 = arith.addf %broadcast_in_dim3A_472, %mul3A_502 : vector<16xf32>
      %add3A_504 = arith.constant 4 : i32
      %add3A_505 = vector.broadcast %add3A_504 : i32 to vector<16xi32>
      %add3A_506 = arith.addi %mul3A_463, %add3A_505 : vector<16xi32>
      %gather3A_507 = tpu.vector_load_idx %arg14[%add3A_506, %broadcast_in_dim3A_476] : memref<2560x32xf32, #tpu.memory_space<vmem>>[vector<16xi32>, vector<16xi32>], vector<16xf32>,
      %mul3A_508 = arith.mulf %gather3A, %gather3A_507 : vector<16xf32>
      %add3A_509 = arith.addf %broadcast_in_dim3A_474, %mul3A_508 : vector<16xf32>
      %broadcast_in_dim3A_510 = arith.constant 1 : i32
      %broadcast_in_dim3A_511 = vector.broadcast %broadcast_in_dim3A_510 : i32 to vector<16xi32>
      %gather3A_512 = tpu.vector_load_idx %arg12[%add3A_460, %broadcast_in_dim3A_511] : memref<512x32xf32, #tpu.memory_space<vmem>>[vector<16xi32>, vector<16xi32>], vector<16xf32>,
      %gather3A_513 = tpu.vector_load_idx %arg13[%add3A_460, %broadcast_in_dim3A_511] : memref<512x32xf32, #tpu.memory_space<vmem>>[vector<16xi32>, vector<16xi32>], vector<16xf32>,
      %mul3A_514 = arith.mulf %gather3A_512, %gather3A_513 : vector<16xf32>
      %add3A_515 = arith.addf %add3A_479, %mul3A_514 : vector<16xf32>
      %add3A_516 = arith.constant 0 : i32
      %add3A_517 = vector.broadcast %add3A_516 : i32 to vector<16xi32>
      %add3A_518 = arith.addi %mul3A_463, %add3A_517 : vector<16xi32>
      %gather3A_519 = tpu.vector_load_idx %arg14[%add3A_518, %broadcast_in_dim3A_511] : memref<2560x32xf32, #tpu.memory_space<vmem>>[vector<16xi32>, vector<16xi32>], vector<16xf32>,
      %mul3A_520 = arith.mulf %gather3A_512, %gather3A_519 : vector<16xf32>
      %add3A_521 = arith.addf %add3A_485, %mul3A_520 : vector<16xf32>
      %add3A_522 = arith.constant 1 : i32
      %add3A_523 = vector.broadcast %add3A_522 : i32 to vector<16xi32>
      %add3A_524 = arith.addi %mul3A_463, %add3A_523 : vector<16xi32>
      %gather3A_525 = tpu.vector_load_idx %arg14[%add3A_524, %broadcast_in_dim3A_511] : memref<2560x32xf32, #tpu.memory_space<vmem>>[vector<16xi32>, vector<16xi32>], vector<16xf32>,
      %mul3A_526 = arith.mulf %gather3A_512, %gather3A_525 : vector<16xf32>
      %add3A_527 = arith.addf %add3A_491, %mul3A_526 : vector<16xf32>
      %add3A_528 = arith.constant 2 : i32
      %add3A_529 = vector.broadcast %add3A_528 : i32 to vector<16xi32>
      %add3A_530 = arith.addi %mul3A_463, %add3A_529 : vector<16xi32>
      %gather3A_531 = tpu.vector_load_idx %arg14[%add3A_530, %broadcast_in_dim3A_511] : memref<2560x32xf32, #tpu.memory_space<vmem>>[vector<16xi32>, vector<16xi32>], vector<16xf32>,
      %mul3A_532 = arith.mulf %gather3A_512, %gather3A_531 : vector<16xf32>
      %add3A_533 = arith.addf %add3A_497, %mul3A_532 : vector<16xf32>
      %add3A_534 = arith.constant 3 : i32
      %add3A_535 = vector.broadcast %add3A_534 : i32 to vector<16xi32>
      %add3A_536 = arith.addi %mul3A_463, %add3A_535 : vector<16xi32>
      %gather3A_537 = tpu.vector_load_idx %arg14[%add3A_536, %broadcast_in_dim3A_511] : memref<2560x32xf32, #tpu.memory_space<vmem>>[vector<16xi32>, vector<16xi32>], vector<16xf32>,
      %mul3A_538 = arith.mulf %gather3A_512, %gather3A_537 : vector<16xf32>
      %add3A_539 = arith.addf %add3A_503, %mul3A_538 : vector<16xf32>
      %add3A_540 = arith.constant 4 : i32
      %add3A_541 = vector.broadcast %add3A_540 : i32 to vector<16xi32>
      %add3A_542 = arith.addi %mul3A_463, %add3A_541 : vector<16xi32>
      %gather3A_543 = tpu.vector_load_idx %arg14[%add3A_542, %broadcast_in_dim3A_511] : memref<2560x32xf32, #tpu.memory_space<vmem>>[vector<16xi32>, vector<16xi32>], vector<16xf32>,
      %mul3A_544 = arith.mulf %gather3A_512, %gather3A_543 : vector<16xf32>
      %add3A_545 = arith.addf %add3A_509, %mul3A_544 : vector<16xf32>
      %broadcast_in_dim3A_546 = arith.constant 2 : i32
      %broadcast_in_dim3A_547 = vector.broadcast %broadcast_in_dim3A_546 : i32 to vector<16xi32>
      %gather3A_548 = tpu.vector_load_idx %arg12[%add3A_460, %broadcast_in_dim3A_547] : memref<512x32xf32, #tpu.memory_space<vmem>>[vector<16xi32>, vector<16xi32>], vector<16xf32>,
      %gather3A_549 = tpu.vector_load_idx %arg13[%add3A_460, %broadcast_in_dim3A_547] : memref<512x32xf32, #tpu.memory_space<vmem>>[vector<16xi32>, vector<16xi32>], vector<16xf32>,
      %mul3A_550 = arith.mulf %gather3A_548, %gather3A_549 : vector<16xf32>
      %add3A_551 = arith.addf %add3A_515, %mul3A_550 : vector<16xf32>
      %add3A_552 = arith.constant 0 : i32
      %add3A_553 = vector.broadcast %add3A_552 : i32 to vector<16xi32>
      %add3A_554 = arith.addi %mul3A_463, %add3A_553 : vector<16xi32>
      %gather3A_555 = tpu.vector_load_idx %arg14[%add3A_554, %broadcast_in_dim3A_547] : memref<2560x32xf32, #tpu.memory_space<vmem>>[vector<16xi32>, vector<16xi32>], vector<16xf32>,
      %mul3A_556 = arith.mulf %gather3A_548, %gather3A_555 : vector<16xf32>
      %add3A_557 = arith.addf %add3A_521, %mul3A_556 : vector<16xf32>
      %add3A_558 = arith.constant 1 : i32
      %add3A_559 = vector.broadcast %add3A_558 : i32 to vector<16xi32>
      %add3A_560 = arith.addi %mul3A_463, %add3A_559 : vector<16xi32>
      %gather3A_561 = tpu.vector_load_idx %arg14[%add3A_560, %broadcast_in_dim3A_547] : memref<2560x32xf32, #tpu.memory_space<vmem>>[vector<16xi32>, vector<16xi32>], vector<16xf32>,
      %mul3A_562 = arith.mulf %gather3A_548, %gather3A_561 : vector<16xf32>
      %add3A_563 = arith.addf %add3A_527, %mul3A_562 : vector<16xf32>
      %add3A_564 = arith.constant 2 : i32
      %add3A_565 = vector.broadcast %add3A_564 : i32 to vector<16xi32>
      %add3A_566 = arith.addi %mul3A_463, %add3A_565 : vector<16xi32>
      %gather3A_567 = tpu.vector_load_idx %arg14[%add3A_566, %broadcast_in_dim3A_547] : memref<2560x32xf32, #tpu.memory_space<vmem>>[vector<16xi32>, vector<16xi32>], vector<16xf32>,
      %mul3A_568 = arith.mulf %gather3A_548, %gather3A_567 : vector<16xf32>
      %add3A_569 = arith.addf %add3A_533, %mul3A_568 : vector<16xf32>
      %add3A_570 = arith.constant 3 : i32
      %add3A_571 = vector.broadcast %add3A_570 : i32 to vector<16xi32>
      %add3A_572 = arith.addi %mul3A_463, %add3A_571 : vector<16xi32>
      %gather3A_573 = tpu.vector_load_idx %arg14[%add3A_572, %broadcast_in_dim3A_547] : memref<2560x32xf32, #tpu.memory_space<vmem>>[vector<16xi32>, vector<16xi32>], vector<16xf32>,
      %mul3A_574 = arith.mulf %gather3A_548, %gather3A_573 : vector<16xf32>
      %add3A_575 = arith.addf %add3A_539, %mul3A_574 : vector<16xf32>
      %add3A_576 = arith.constant 4 : i32
      %add3A_577 = vector.broadcast %add3A_576 : i32 to vector<16xi32>
      %add3A_578 = arith.addi %mul3A_463, %add3A_577 : vector<16xi32>
      %gather3A_579 = tpu.vector_load_idx %arg14[%add3A_578, %broadcast_in_dim3A_547] : memref<2560x32xf32, #tpu.memory_space<vmem>>[vector<16xi32>, vector<16xi32>], vector<16xf32>,
      %mul3A_580 = arith.mulf %gather3A_548, %gather3A_579 : vector<16xf32>
      %add3A_581 = arith.addf %add3A_545, %mul3A_580 : vector<16xf32>
      %broadcast_in_dim3A_582 = arith.constant 3 : i32
      %broadcast_in_dim3A_583 = vector.broadcast %broadcast_in_dim3A_582 : i32 to vector<16xi32>
      %gather3A_584 = tpu.vector_load_idx %arg12[%add3A_460, %broadcast_in_dim3A_583] : memref<512x32xf32, #tpu.memory_space<vmem>>[vector<16xi32>, vector<16xi32>], vector<16xf32>,
      %gather3A_585 = tpu.vector_load_idx %arg13[%add3A_460, %broadcast_in_dim3A_583] : memref<512x32xf32, #tpu.memory_space<vmem>>[vector<16xi32>, vector<16xi32>], vector<16xf32>,
      %mul3A_586 = arith.mulf %gather3A_584, %gather3A_585 : vector<16xf32>
      %add3A_587 = arith.addf %add3A_551, %mul3A_586 : vector<16xf32>
      %add3A_588 = arith.constant 0 : i32
      %add3A_589 = vector.broadcast %add3A_588 : i32 to vector<16xi32>
      %add3A_590 = arith.addi %mul3A_463, %add3A_589 : vector<16xi32>
      %gather3A_591 = tpu.vector_load_idx %arg14[%add3A_590, %broadcast_in_dim3A_583] : memref<2560x32xf32, #tpu.memory_space<vmem>>[vector<16xi32>, vector<16xi32>], vector<16xf32>,
      %mul3A_592 = arith.mulf %gather3A_584, %gather3A_591 : vector<16xf32>
      %add3A_593 = arith.addf %add3A_557, %mul3A_592 : vector<16xf32>
      %add3A_594 = arith.constant 1 : i32
      %add3A_595 = vector.broadcast %add3A_594 : i32 to vector<16xi32>
      %add3A_596 = arith.addi %mul3A_463, %add3A_595 : vector<16xi32>
      %gather3A_597 = tpu.vector_load_idx %arg14[%add3A_596, %broadcast_in_dim3A_583] : memref<2560x32xf32, #tpu.memory_space<vmem>>[vector<16xi32>, vector<16xi32>], vector<16xf32>,
      %mul3A_598 = arith.mulf %gather3A_584, %gather3A_597 : vector<16xf32>
      %add3A_599 = arith.addf %add3A_563, %mul3A_598 : vector<16xf32>
      %add3A_600 = arith.constant 2 : i32
      %add3A_601 = vector.broadcast %add3A_600 : i32 to vector<16xi32>
      %add3A_602 = arith.addi %mul3A_463, %add3A_601 : vector<16xi32>
      %gather3A_603 = tpu.vector_load_idx %arg14[%add3A_602, %broadcast_in_dim3A_583] : memref<2560x32xf32, #tpu.memory_space<vmem>>[vector<16xi32>, vector<16xi32>], vector<16xf32>,
      %mul3A_604 = arith.mulf %gather3A_584, %gather3A_603 : vector<16xf32>
      %add3A_605 = arith.addf %add3A_569, %mul3A_604 : vector<16xf32>
      %add3A_606 = arith.constant 3 : i32
      %add3A_607 = vector.broadcast %add3A_606 : i32 to vector<16xi32>
      %add3A_608 = arith.addi %mul3A_463, %add3A_607 : vector<16xi32>
      %gather3A_609 = tpu.vector_load_idx %arg14[%add3A_608, %broadcast_in_dim3A_583] : memref<2560x32xf32, #tpu.memory_space<vmem>>[vector<16xi32>, vector<16xi32>], vector<16xf32>,
      %mul3A_610 = arith.mulf %gather3A_584, %gather3A_609 : vector<16xf32>
      %add3A_611 = arith.addf %add3A_575, %mul3A_610 : vector<16xf32>
      %add3A_612 = arith.constant 4 : i32
      %add3A_613 = vector.broadcast %add3A_612 : i32 to vector<16xi32>
      %add3A_614 = arith.addi %mul3A_463, %add3A_613 : vector<16xi32>
      %gather3A_615 = tpu.vector_load_idx %arg14[%add3A_614, %broadcast_in_dim3A_583] : memref<2560x32xf32, #tpu.memory_space<vmem>>[vector<16xi32>, vector<16xi32>], vector<16xf32>,
      %mul3A_616 = arith.mulf %gather3A_584, %gather3A_615 : vector<16xf32>
      %add3A_617 = arith.addf %add3A_581, %mul3A_616 : vector<16xf32>
      %broadcast_in_dim3A_618 = arith.constant 4 : i32
      %broadcast_in_dim3A_619 = vector.broadcast %broadcast_in_dim3A_618 : i32 to vector<16xi32>
      %gather3A_620 = tpu.vector_load_idx %arg12[%add3A_460, %broadcast_in_dim3A_619] : memref<512x32xf32, #tpu.memory_space<vmem>>[vector<16xi32>, vector<16xi32>], vector<16xf32>,
      %gather3A_621 = tpu.vector_load_idx %arg13[%add3A_460, %broadcast_in_dim3A_619] : memref<512x32xf32, #tpu.memory_space<vmem>>[vector<16xi32>, vector<16xi32>], vector<16xf32>,
      %mul3A_622 = arith.mulf %gather3A_620, %gather3A_621 : vector<16xf32>
      %add3A_623 = arith.addf %add3A_587, %mul3A_622 : vector<16xf32>
      %add3A_624 = arith.constant 0 : i32
      %add3A_625 = vector.broadcast %add3A_624 : i32 to vector<16xi32>
      %add3A_626 = arith.addi %mul3A_463, %add3A_625 : vector<16xi32>
      %gather3A_627 = tpu.vector_load_idx %arg14[%add3A_626, %broadcast_in_dim3A_619] : memref<2560x32xf32, #tpu.memory_space<vmem>>[vector<16xi32>, vector<16xi32>], vector<16xf32>,
      %mul3A_628 = arith.mulf %gather3A_620, %gather3A_627 : vector<16xf32>
      %add3A_629 = arith.addf %add3A_593, %mul3A_628 : vector<16xf32>
      %add3A_630 = arith.constant 1 : i32
      %add3A_631 = vector.broadcast %add3A_630 : i32 to vector<16xi32>
      %add3A_632 = arith.addi %mul3A_463, %add3A_631 : vector<16xi32>
      %gather3A_633 = tpu.vector_load_idx %arg14[%add3A_632, %broadcast_in_dim3A_619] : memref<2560x32xf32, #tpu.memory_space<vmem>>[vector<16xi32>, vector<16xi32>], vector<16xf32>,
      %mul3A_634 = arith.mulf %gather3A_620, %gather3A_633 : vector<16xf32>
      %add3A_635 = arith.addf %add3A_599, %mul3A_634 : vector<16xf32>
      %add3A_636 = arith.constant 2 : i32
      %add3A_637 = vector.broadcast %add3A_636 : i32 to vector<16xi32>
      %add3A_638 = arith.addi %mul3A_463, %add3A_637 : vector<16xi32>
      %gather3A_639 = tpu.vector_load_idx %arg14[%add3A_638, %broadcast_in_dim3A_619] : memref<2560x32xf32, #tpu.memory_space<vmem>>[vector<16xi32>, vector<16xi32>], vector<16xf32>,
      %mul3A_640 = arith.mulf %gather3A_620, %gather3A_639 : vector<16xf32>
      %add3A_641 = arith.addf %add3A_605, %mul3A_640 : vector<16xf32>
      %add3A_642 = arith.constant 3 : i32
      %add3A_643 = vector.broadcast %add3A_642 : i32 to vector<16xi32>
      %add3A_644 = arith.addi %mul3A_463, %add3A_643 : vector<16xi32>
      %gather3A_645 = tpu.vector_load_idx %arg14[%add3A_644, %broadcast_in_dim3A_619] : memref<2560x32xf32, #tpu.memory_space<vmem>>[vector<16xi32>, vector<16xi32>], vector<16xf32>,
      %mul3A_646 = arith.mulf %gather3A_620, %gather3A_645 : vector<16xf32>
      %add3A_647 = arith.addf %add3A_611, %mul3A_646 : vector<16xf32>
      %add3A_648 = arith.constant 4 : i32
      %add3A_649 = vector.broadcast %add3A_648 : i32 to vector<16xi32>
      %add3A_650 = arith.addi %mul3A_463, %add3A_649 : vector<16xi32>
      %gather3A_651 = tpu.vector_load_idx %arg14[%add3A_650, %broadcast_in_dim3A_619] : memref<2560x32xf32, #tpu.memory_space<vmem>>[vector<16xi32>, vector<16xi32>], vector<16xf32>,
      %mul3A_652 = arith.mulf %gather3A_620, %gather3A_651 : vector<16xf32>
      %add3A_653 = arith.addf %add3A_617, %mul3A_652 : vector<16xf32>
      %broadcast_in_dim3A_654 = arith.constant 5 : i32
      %broadcast_in_dim3A_655 = vector.broadcast %broadcast_in_dim3A_654 : i32 to vector<16xi32>
      %gather3A_656 = tpu.vector_load_idx %arg12[%add3A_460, %broadcast_in_dim3A_655] : memref<512x32xf32, #tpu.memory_space<vmem>>[vector<16xi32>, vector<16xi32>], vector<16xf32>,
      %gather3A_657 = tpu.vector_load_idx %arg13[%add3A_460, %broadcast_in_dim3A_655] : memref<512x32xf32, #tpu.memory_space<vmem>>[vector<16xi32>, vector<16xi32>], vector<16xf32>,
      %mul3A_658 = arith.mulf %gather3A_656, %gather3A_657 : vector<16xf32>
      %add3A_659 = arith.addf %add3A_623, %mul3A_658 : vector<16xf32>
      %add3A_660 = arith.constant 0 : i32
      %add3A_661 = vector.broadcast %add3A_660 : i32 to vector<16xi32>
      %add3A_662 = arith.addi %mul3A_463, %add3A_661 : vector<16xi32>
      %gather3A_663 = tpu.vector_load_idx %arg14[%add3A_662, %broadcast_in_dim3A_655] : memref<2560x32xf32, #tpu.memory_space<vmem>>[vector<16xi32>, vector<16xi32>], vector<16xf32>,
      %mul3A_664 = arith.mulf %gather3A_656, %gather3A_663 : vector<16xf32>
      %add3A_665 = arith.addf %add3A_629, %mul3A_664 : vector<16xf32>
      %add3A_666 = arith.constant 1 : i32
      %add3A_667 = vector.broadcast %add3A_666 : i32 to vector<16xi32>
      %add3A_668 = arith.addi %mul3A_463, %add3A_667 : vector<16xi32>
      %gather3A_669 = tpu.vector_load_idx %arg14[%add3A_668, %broadcast_in_dim3A_655] : memref<2560x32xf32, #tpu.memory_space<vmem>>[vector<16xi32>, vector<16xi32>], vector<16xf32>,
      %mul3A_670 = arith.mulf %gather3A_656, %gather3A_669 : vector<16xf32>
      %add3A_671 = arith.addf %add3A_635, %mul3A_670 : vector<16xf32>
      %add3A_672 = arith.constant 2 : i32
      %add3A_673 = vector.broadcast %add3A_672 : i32 to vector<16xi32>
      %add3A_674 = arith.addi %mul3A_463, %add3A_673 : vector<16xi32>
      %gather3A_675 = tpu.vector_load_idx %arg14[%add3A_674, %broadcast_in_dim3A_655] : memref<2560x32xf32, #tpu.memory_space<vmem>>[vector<16xi32>, vector<16xi32>], vector<16xf32>,
      %mul3A_676 = arith.mulf %gather3A_656, %gather3A_675 : vector<16xf32>
      %add3A_677 = arith.addf %add3A_641, %mul3A_676 : vector<16xf32>
      %add3A_678 = arith.constant 3 : i32
      %add3A_679 = vector.broadcast %add3A_678 : i32 to vector<16xi32>
      %add3A_680 = arith.addi %mul3A_463, %add3A_679 : vector<16xi32>
      %gather3A_681 = tpu.vector_load_idx %arg14[%add3A_680, %broadcast_in_dim3A_655] : memref<2560x32xf32, #tpu.memory_space<vmem>>[vector<16xi32>, vector<16xi32>], vector<16xf32>,
      %mul3A_682 = arith.mulf %gather3A_656, %gather3A_681 : vector<16xf32>
      %add3A_683 = arith.addf %add3A_647, %mul3A_682 : vector<16xf32>
      %add3A_684 = arith.constant 4 : i32
      %add3A_685 = vector.broadcast %add3A_684 : i32 to vector<16xi32>
      %add3A_686 = arith.addi %mul3A_463, %add3A_685 : vector<16xi32>
      %gather3A_687 = tpu.vector_load_idx %arg14[%add3A_686, %broadcast_in_dim3A_655] : memref<2560x32xf32, #tpu.memory_space<vmem>>[vector<16xi32>, vector<16xi32>], vector<16xf32>,
      %mul3A_688 = arith.mulf %gather3A_656, %gather3A_687 : vector<16xf32>
      %add3A_689 = arith.addf %add3A_653, %mul3A_688 : vector<16xf32>
      %broadcast_in_dim3A_690 = arith.constant 6 : i32
      %broadcast_in_dim3A_691 = vector.broadcast %broadcast_in_dim3A_690 : i32 to vector<16xi32>
      %gather3A_692 = tpu.vector_load_idx %arg12[%add3A_460, %broadcast_in_dim3A_691] : memref<512x32xf32, #tpu.memory_space<vmem>>[vector<16xi32>, vector<16xi32>], vector<16xf32>,
      %gather3A_693 = tpu.vector_load_idx %arg13[%add3A_460, %broadcast_in_dim3A_691] : memref<512x32xf32, #tpu.memory_space<vmem>>[vector<16xi32>, vector<16xi32>], vector<16xf32>,
      %mul3A_694 = arith.mulf %gather3A_692, %gather3A_693 : vector<16xf32>
      %add3A_695 = arith.addf %add3A_659, %mul3A_694 : vector<16xf32>
      %add3A_696 = arith.constant 0 : i32
      %add3A_697 = vector.broadcast %add3A_696 : i32 to vector<16xi32>
      %add3A_698 = arith.addi %mul3A_463, %add3A_697 : vector<16xi32>
      %gather3A_699 = tpu.vector_load_idx %arg14[%add3A_698, %broadcast_in_dim3A_691] : memref<2560x32xf32, #tpu.memory_space<vmem>>[vector<16xi32>, vector<16xi32>], vector<16xf32>,
      %mul3A_700 = arith.mulf %gather3A_692, %gather3A_699 : vector<16xf32>
      %add3A_701 = arith.addf %add3A_665, %mul3A_700 : vector<16xf32>
      %add3A_702 = arith.constant 1 : i32
      %add3A_703 = vector.broadcast %add3A_702 : i32 to vector<16xi32>
      %add3A_704 = arith.addi %mul3A_463, %add3A_703 : vector<16xi32>
      %gather3A_705 = tpu.vector_load_idx %arg14[%add3A_704, %broadcast_in_dim3A_691] : memref<2560x32xf32, #tpu.memory_space<vmem>>[vector<16xi32>, vector<16xi32>], vector<16xf32>,
      %mul3A_706 = arith.mulf %gather3A_692, %gather3A_705 : vector<16xf32>
      %add3A_707 = arith.addf %add3A_671, %mul3A_706 : vector<16xf32>
      %add3A_708 = arith.constant 2 : i32
      %add3A_709 = vector.broadcast %add3A_708 : i32 to vector<16xi32>
      %add3A_710 = arith.addi %mul3A_463, %add3A_709 : vector<16xi32>
      %gather3A_711 = tpu.vector_load_idx %arg14[%add3A_710, %broadcast_in_dim3A_691] : memref<2560x32xf32, #tpu.memory_space<vmem>>[vector<16xi32>, vector<16xi32>], vector<16xf32>,
      %mul3A_712 = arith.mulf %gather3A_692, %gather3A_711 : vector<16xf32>
      %add3A_713 = arith.addf %add3A_677, %mul3A_712 : vector<16xf32>
      %add3A_714 = arith.constant 3 : i32
      %add3A_715 = vector.broadcast %add3A_714 : i32 to vector<16xi32>
      %add3A_716 = arith.addi %mul3A_463, %add3A_715 : vector<16xi32>
      %gather3A_717 = tpu.vector_load_idx %arg14[%add3A_716, %broadcast_in_dim3A_691] : memref<2560x32xf32, #tpu.memory_space<vmem>>[vector<16xi32>, vector<16xi32>], vector<16xf32>,
      %mul3A_718 = arith.mulf %gather3A_692, %gather3A_717 : vector<16xf32>
      %add3A_719 = arith.addf %add3A_683, %mul3A_718 : vector<16xf32>
      %add3A_720 = arith.constant 4 : i32
      %add3A_721 = vector.broadcast %add3A_720 : i32 to vector<16xi32>
      %add3A_722 = arith.addi %mul3A_463, %add3A_721 : vector<16xi32>
      %gather3A_723 = tpu.vector_load_idx %arg14[%add3A_722, %broadcast_in_dim3A_691] : memref<2560x32xf32, #tpu.memory_space<vmem>>[vector<16xi32>, vector<16xi32>], vector<16xf32>,
      %mul3A_724 = arith.mulf %gather3A_692, %gather3A_723 : vector<16xf32>
      %add3A_725 = arith.addf %add3A_689, %mul3A_724 : vector<16xf32>
      %broadcast_in_dim3A_726 = arith.constant 7 : i32
      %broadcast_in_dim3A_727 = vector.broadcast %broadcast_in_dim3A_726 : i32 to vector<16xi32>
      %gather3A_728 = tpu.vector_load_idx %arg12[%add3A_460, %broadcast_in_dim3A_727] : memref<512x32xf32, #tpu.memory_space<vmem>>[vector<16xi32>, vector<16xi32>], vector<16xf32>,
      %gather3A_729 = tpu.vector_load_idx %arg13[%add3A_460, %broadcast_in_dim3A_727] : memref<512x32xf32, #tpu.memory_space<vmem>>[vector<16xi32>, vector<16xi32>], vector<16xf32>,
      %mul3A_730 = arith.mulf %gather3A_728, %gather3A_729 : vector<16xf32>
      %add3A_731 = arith.addf %add3A_695, %mul3A_730 : vector<16xf32>
      %add3A_732 = arith.constant 0 : i32
      %add3A_733 = vector.broadcast %add3A_732 : i32 to vector<16xi32>
      %add3A_734 = arith.addi %mul3A_463, %add3A_733 : vector<16xi32>
      %gather3A_735 = tpu.vector_load_idx %arg14[%add3A_734, %broadcast_in_dim3A_727] : memref<2560x32xf32, #tpu.memory_space<vmem>>[vector<16xi32>, vector<16xi32>], vector<16xf32>,
      %mul3A_736 = arith.mulf %gather3A_728, %gather3A_735 : vector<16xf32>
      %add3A_737 = arith.addf %add3A_701, %mul3A_736 : vector<16xf32>
      %add3A_738 = arith.constant 1 : i32
      %add3A_739 = vector.broadcast %add3A_738 : i32 to vector<16xi32>
      %add3A_740 = arith.addi %mul3A_463, %add3A_739 : vector<16xi32>
      %gather3A_741 = tpu.vector_load_idx %arg14[%add3A_740, %broadcast_in_dim3A_727] : memref<2560x32xf32, #tpu.memory_space<vmem>>[vector<16xi32>, vector<16xi32>], vector<16xf32>,
      %mul3A_742 = arith.mulf %gather3A_728, %gather3A_741 : vector<16xf32>
      %add3A_743 = arith.addf %add3A_707, %mul3A_742 : vector<16xf32>
      %add3A_744 = arith.constant 2 : i32
      %add3A_745 = vector.broadcast %add3A_744 : i32 to vector<16xi32>
      %add3A_746 = arith.addi %mul3A_463, %add3A_745 : vector<16xi32>
      %gather3A_747 = tpu.vector_load_idx %arg14[%add3A_746, %broadcast_in_dim3A_727] : memref<2560x32xf32, #tpu.memory_space<vmem>>[vector<16xi32>, vector<16xi32>], vector<16xf32>,
      %mul3A_748 = arith.mulf %gather3A_728, %gather3A_747 : vector<16xf32>
      %add3A_749 = arith.addf %add3A_713, %mul3A_748 : vector<16xf32>
      %add3A_750 = arith.constant 3 : i32
      %add3A_751 = vector.broadcast %add3A_750 : i32 to vector<16xi32>
      %add3A_752 = arith.addi %mul3A_463, %add3A_751 : vector<16xi32>
      %gather3A_753 = tpu.vector_load_idx %arg14[%add3A_752, %broadcast_in_dim3A_727] : memref<2560x32xf32, #tpu.memory_space<vmem>>[vector<16xi32>, vector<16xi32>], vector<16xf32>,
      %mul3A_754 = arith.mulf %gather3A_728, %gather3A_753 : vector<16xf32>
      %add3A_755 = arith.addf %add3A_719, %mul3A_754 : vector<16xf32>
      %add3A_756 = arith.constant 4 : i32
      %add3A_757 = vector.broadcast %add3A_756 : i32 to vector<16xi32>
      %add3A_758 = arith.addi %mul3A_463, %add3A_757 : vector<16xi32>
      %gather3A_759 = tpu.vector_load_idx %arg14[%add3A_758, %broadcast_in_dim3A_727] : memref<2560x32xf32, #tpu.memory_space<vmem>>[vector<16xi32>, vector<16xi32>], vector<16xf32>,
      %mul3A_760 = arith.mulf %gather3A_728, %gather3A_759 : vector<16xf32>
      %add3A_761 = arith.addf %add3A_725, %mul3A_760 : vector<16xf32>
      %broadcast_in_dim3A_762 = arith.constant 8 : i32
      %broadcast_in_dim3A_763 = vector.broadcast %broadcast_in_dim3A_762 : i32 to vector<16xi32>
      %gather3A_764 = tpu.vector_load_idx %arg12[%add3A_460, %broadcast_in_dim3A_763] : memref<512x32xf32, #tpu.memory_space<vmem>>[vector<16xi32>, vector<16xi32>], vector<16xf32>,
      %gather3A_765 = tpu.vector_load_idx %arg13[%add3A_460, %broadcast_in_dim3A_763] : memref<512x32xf32, #tpu.memory_space<vmem>>[vector<16xi32>, vector<16xi32>], vector<16xf32>,
      %mul3A_766 = arith.mulf %gather3A_764, %gather3A_765 : vector<16xf32>
      %add3A_767 = arith.addf %add3A_731, %mul3A_766 : vector<16xf32>
      %add3A_768 = arith.constant 0 : i32
      %add3A_769 = vector.broadcast %add3A_768 : i32 to vector<16xi32>
      %add3A_770 = arith.addi %mul3A_463, %add3A_769 : vector<16xi32>
      %gather3A_771 = tpu.vector_load_idx %arg14[%add3A_770, %broadcast_in_dim3A_763] : memref<2560x32xf32, #tpu.memory_space<vmem>>[vector<16xi32>, vector<16xi32>], vector<16xf32>,
      %mul3A_772 = arith.mulf %gather3A_764, %gather3A_771 : vector<16xf32>
      %add3A_773 = arith.addf %add3A_737, %mul3A_772 : vector<16xf32>
      %add3A_774 = arith.constant 1 : i32
      %add3A_775 = vector.broadcast %add3A_774 : i32 to vector<16xi32>
      %add3A_776 = arith.addi %mul3A_463, %add3A_775 : vector<16xi32>
      %gather3A_777 = tpu.vector_load_idx %arg14[%add3A_776, %broadcast_in_dim3A_763] : memref<2560x32xf32, #tpu.memory_space<vmem>>[vector<16xi32>, vector<16xi32>], vector<16xf32>,
      %mul3A_778 = arith.mulf %gather3A_764, %gather3A_777 : vector<16xf32>
      %add3A_779 = arith.addf %add3A_743, %mul3A_778 : vector<16xf32>
      %add3A_780 = arith.constant 2 : i32
      %add3A_781 = vector.broadcast %add3A_780 : i32 to vector<16xi32>
      %add3A_782 = arith.addi %mul3A_463, %add3A_781 : vector<16xi32>
      %gather3A_783 = tpu.vector_load_idx %arg14[%add3A_782, %broadcast_in_dim3A_763] : memref<2560x32xf32, #tpu.memory_space<vmem>>[vector<16xi32>, vector<16xi32>], vector<16xf32>,
      %mul3A_784 = arith.mulf %gather3A_764, %gather3A_783 : vector<16xf32>
      %add3A_785 = arith.addf %add3A_749, %mul3A_784 : vector<16xf32>
      %add3A_786 = arith.constant 3 : i32
      %add3A_787 = vector.broadcast %add3A_786 : i32 to vector<16xi32>
      %add3A_788 = arith.addi %mul3A_463, %add3A_787 : vector<16xi32>
      %gather3A_789 = tpu.vector_load_idx %arg14[%add3A_788, %broadcast_in_dim3A_763] : memref<2560x32xf32, #tpu.memory_space<vmem>>[vector<16xi32>, vector<16xi32>], vector<16xf32>,
      %mul3A_790 = arith.mulf %gather3A_764, %gather3A_789 : vector<16xf32>
      %add3A_791 = arith.addf %add3A_755, %mul3A_790 : vector<16xf32>
      %add3A_792 = arith.constant 4 : i32
      %add3A_793 = vector.broadcast %add3A_792 : i32 to vector<16xi32>
      %add3A_794 = arith.addi %mul3A_463, %add3A_793 : vector<16xi32>
      %gather3A_795 = tpu.vector_load_idx %arg14[%add3A_794, %broadcast_in_dim3A_763] : memref<2560x32xf32, #tpu.memory_space<vmem>>[vector<16xi32>, vector<16xi32>], vector<16xf32>,
      %mul3A_796 = arith.mulf %gather3A_764, %gather3A_795 : vector<16xf32>
      %add3A_797 = arith.addf %add3A_761, %mul3A_796 : vector<16xf32>
      %broadcast_in_dim3A_798 = arith.constant 9 : i32
      %broadcast_in_dim3A_799 = vector.broadcast %broadcast_in_dim3A_798 : i32 to vector<16xi32>
      %gather3A_800 = tpu.vector_load_idx %arg12[%add3A_460, %broadcast_in_dim3A_799] : memref<512x32xf32, #tpu.memory_space<vmem>>[vector<16xi32>, vector<16xi32>], vector<16xf32>,
      %gather3A_801 = tpu.vector_load_idx %arg13[%add3A_460, %broadcast_in_dim3A_799] : memref<512x32xf32, #tpu.memory_space<vmem>>[vector<16xi32>, vector<16xi32>], vector<16xf32>,
      %mul3A_802 = arith.mulf %gather3A_800, %gather3A_801 : vector<16xf32>
      %add3A_803 = arith.addf %add3A_767, %mul3A_802 : vector<16xf32>
      %add3A_804 = arith.constant 0 : i32
      %add3A_805 = vector.broadcast %add3A_804 : i32 to vector<16xi32>
      %add3A_806 = arith.addi %mul3A_463, %add3A_805 : vector<16xi32>
      %gather3A_807 = tpu.vector_load_idx %arg14[%add3A_806, %broadcast_in_dim3A_799] : memref<2560x32xf32, #tpu.memory_space<vmem>>[vector<16xi32>, vector<16xi32>], vector<16xf32>,
      %mul3A_808 = arith.mulf %gather3A_800, %gather3A_807 : vector<16xf32>
      %add3A_809 = arith.addf %add3A_773, %mul3A_808 : vector<16xf32>
      %add3A_810 = arith.constant 1 : i32
      %add3A_811 = vector.broadcast %add3A_810 : i32 to vector<16xi32>
      %add3A_812 = arith.addi %mul3A_463, %add3A_811 : vector<16xi32>
      %gather3A_813 = tpu.vector_load_idx %arg14[%add3A_812, %broadcast_in_dim3A_799] : memref<2560x32xf32, #tpu.memory_space<vmem>>[vector<16xi32>, vector<16xi32>], vector<16xf32>,
      %mul3A_814 = arith.mulf %gather3A_800, %gather3A_813 : vector<16xf32>
      %add3A_815 = arith.addf %add3A_779, %mul3A_814 : vector<16xf32>
      %add3A_816 = arith.constant 2 : i32
      %add3A_817 = vector.broadcast %add3A_816 : i32 to vector<16xi32>
      %add3A_818 = arith.addi %mul3A_463, %add3A_817 : vector<16xi32>
      %gather3A_819 = tpu.vector_load_idx %arg14[%add3A_818, %broadcast_in_dim3A_799] : memref<2560x32xf32, #tpu.memory_space<vmem>>[vector<16xi32>, vector<16xi32>], vector<16xf32>,
      %mul3A_820 = arith.mulf %gather3A_800, %gather3A_819 : vector<16xf32>
      %add3A_821 = arith.addf %add3A_785, %mul3A_820 : vector<16xf32>
      %add3A_822 = arith.constant 3 : i32
      %add3A_823 = vector.broadcast %add3A_822 : i32 to vector<16xi32>
      %add3A_824 = arith.addi %mul3A_463, %add3A_823 : vector<16xi32>
      %gather3A_825 = tpu.vector_load_idx %arg14[%add3A_824, %broadcast_in_dim3A_799] : memref<2560x32xf32, #tpu.memory_space<vmem>>[vector<16xi32>, vector<16xi32>], vector<16xf32>,
      %mul3A_826 = arith.mulf %gather3A_800, %gather3A_825 : vector<16xf32>
      %add3A_827 = arith.addf %add3A_791, %mul3A_826 : vector<16xf32>
      %add3A_828 = arith.constant 4 : i32
      %add3A_829 = vector.broadcast %add3A_828 : i32 to vector<16xi32>
      %add3A_830 = arith.addi %mul3A_463, %add3A_829 : vector<16xi32>
      %gather3A_831 = tpu.vector_load_idx %arg14[%add3A_830, %broadcast_in_dim3A_799] : memref<2560x32xf32, #tpu.memory_space<vmem>>[vector<16xi32>, vector<16xi32>], vector<16xf32>,
      %mul3A_832 = arith.mulf %gather3A_800, %gather3A_831 : vector<16xf32>
      %add3A_833 = arith.addf %add3A_797, %mul3A_832 : vector<16xf32>
      %broadcast_in_dim3A_834 = arith.constant 10 : i32
      %broadcast_in_dim3A_835 = vector.broadcast %broadcast_in_dim3A_834 : i32 to vector<16xi32>
      %gather3A_836 = tpu.vector_load_idx %arg12[%add3A_460, %broadcast_in_dim3A_835] : memref<512x32xf32, #tpu.memory_space<vmem>>[vector<16xi32>, vector<16xi32>], vector<16xf32>,
      %gather3A_837 = tpu.vector_load_idx %arg13[%add3A_460, %broadcast_in_dim3A_835] : memref<512x32xf32, #tpu.memory_space<vmem>>[vector<16xi32>, vector<16xi32>], vector<16xf32>,
      %mul3A_838 = arith.mulf %gather3A_836, %gather3A_837 : vector<16xf32>
      %add3A_839 = arith.addf %add3A_803, %mul3A_838 : vector<16xf32>
      %add3A_840 = arith.constant 0 : i32
      %add3A_841 = vector.broadcast %add3A_840 : i32 to vector<16xi32>
      %add3A_842 = arith.addi %mul3A_463, %add3A_841 : vector<16xi32>
      %gather3A_843 = tpu.vector_load_idx %arg14[%add3A_842, %broadcast_in_dim3A_835] : memref<2560x32xf32, #tpu.memory_space<vmem>>[vector<16xi32>, vector<16xi32>], vector<16xf32>,
      %mul3A_844 = arith.mulf %gather3A_836, %gather3A_843 : vector<16xf32>
      %add3A_845 = arith.addf %add3A_809, %mul3A_844 : vector<16xf32>
      %add3A_846 = arith.constant 1 : i32
      %add3A_847 = vector.broadcast %add3A_846 : i32 to vector<16xi32>
      %add3A_848 = arith.addi %mul3A_463, %add3A_847 : vector<16xi32>
      %gather3A_849 = tpu.vector_load_idx %arg14[%add3A_848, %broadcast_in_dim3A_835] : memref<2560x32xf32, #tpu.memory_space<vmem>>[vector<16xi32>, vector<16xi32>], vector<16xf32>,
      %mul3A_850 = arith.mulf %gather3A_836, %gather3A_849 : vector<16xf32>
      %add3A_851 = arith.addf %add3A_815, %mul3A_850 : vector<16xf32>
      %add3A_852 = arith.constant 2 : i32
      %add3A_853 = vector.broadcast %add3A_852 : i32 to vector<16xi32>
      %add3A_854 = arith.addi %mul3A_463, %add3A_853 : vector<16xi32>
      %gather3A_855 = tpu.vector_load_idx %arg14[%add3A_854, %broadcast_in_dim3A_835] : memref<2560x32xf32, #tpu.memory_space<vmem>>[vector<16xi32>, vector<16xi32>], vector<16xf32>,
      %mul3A_856 = arith.mulf %gather3A_836, %gather3A_855 : vector<16xf32>
      %add3A_857 = arith.addf %add3A_821, %mul3A_856 : vector<16xf32>
      %add3A_858 = arith.constant 3 : i32
      %add3A_859 = vector.broadcast %add3A_858 : i32 to vector<16xi32>
      %add3A_860 = arith.addi %mul3A_463, %add3A_859 : vector<16xi32>
      %gather3A_861 = tpu.vector_load_idx %arg14[%add3A_860, %broadcast_in_dim3A_835] : memref<2560x32xf32, #tpu.memory_space<vmem>>[vector<16xi32>, vector<16xi32>], vector<16xf32>,
      %mul3A_862 = arith.mulf %gather3A_836, %gather3A_861 : vector<16xf32>
      %add3A_863 = arith.addf %add3A_827, %mul3A_862 : vector<16xf32>
      %add3A_864 = arith.constant 4 : i32
      %add3A_865 = vector.broadcast %add3A_864 : i32 to vector<16xi32>
      %add3A_866 = arith.addi %mul3A_463, %add3A_865 : vector<16xi32>
      %gather3A_867 = tpu.vector_load_idx %arg14[%add3A_866, %broadcast_in_dim3A_835] : memref<2560x32xf32, #tpu.memory_space<vmem>>[vector<16xi32>, vector<16xi32>], vector<16xf32>,
      %mul3A_868 = arith.mulf %gather3A_836, %gather3A_867 : vector<16xf32>
      %add3A_869 = arith.addf %add3A_833, %mul3A_868 : vector<16xf32>
      %broadcast_in_dim3A_870 = arith.constant 11 : i32
      %broadcast_in_dim3A_871 = vector.broadcast %broadcast_in_dim3A_870 : i32 to vector<16xi32>
      %gather3A_872 = tpu.vector_load_idx %arg12[%add3A_460, %broadcast_in_dim3A_871] : memref<512x32xf32, #tpu.memory_space<vmem>>[vector<16xi32>, vector<16xi32>], vector<16xf32>,
      %gather3A_873 = tpu.vector_load_idx %arg13[%add3A_460, %broadcast_in_dim3A_871] : memref<512x32xf32, #tpu.memory_space<vmem>>[vector<16xi32>, vector<16xi32>], vector<16xf32>,
      %mul3A_874 = arith.mulf %gather3A_872, %gather3A_873 : vector<16xf32>
      %add3A_875 = arith.addf %add3A_839, %mul3A_874 : vector<16xf32>
      %add3A_876 = arith.constant 0 : i32
      %add3A_877 = vector.broadcast %add3A_876 : i32 to vector<16xi32>
      %add3A_878 = arith.addi %mul3A_463, %add3A_877 : vector<16xi32>
      %gather3A_879 = tpu.vector_load_idx %arg14[%add3A_878, %broadcast_in_dim3A_871] : memref<2560x32xf32, #tpu.memory_space<vmem>>[vector<16xi32>, vector<16xi32>], vector<16xf32>,
      %mul3A_880 = arith.mulf %gather3A_872, %gather3A_879 : vector<16xf32>
      %add3A_881 = arith.addf %add3A_845, %mul3A_880 : vector<16xf32>
      %add3A_882 = arith.constant 1 : i32
      %add3A_883 = vector.broadcast %add3A_882 : i32 to vector<16xi32>
      %add3A_884 = arith.addi %mul3A_463, %add3A_883 : vector<16xi32>
      %gather3A_885 = tpu.vector_load_idx %arg14[%add3A_884, %broadcast_in_dim3A_871] : memref<2560x32xf32, #tpu.memory_space<vmem>>[vector<16xi32>, vector<16xi32>], vector<16xf32>,
      %mul3A_886 = arith.mulf %gather3A_872, %gather3A_885 : vector<16xf32>
      %add3A_887 = arith.addf %add3A_851, %mul3A_886 : vector<16xf32>
      %add3A_888 = arith.constant 2 : i32
      %add3A_889 = vector.broadcast %add3A_888 : i32 to vector<16xi32>
      %add3A_890 = arith.addi %mul3A_463, %add3A_889 : vector<16xi32>
      %gather3A_891 = tpu.vector_load_idx %arg14[%add3A_890, %broadcast_in_dim3A_871] : memref<2560x32xf32, #tpu.memory_space<vmem>>[vector<16xi32>, vector<16xi32>], vector<16xf32>,
      %mul3A_892 = arith.mulf %gather3A_872, %gather3A_891 : vector<16xf32>
      %add3A_893 = arith.addf %add3A_857, %mul3A_892 : vector<16xf32>
      %add3A_894 = arith.constant 3 : i32
      %add3A_895 = vector.broadcast %add3A_894 : i32 to vector<16xi32>
      %add3A_896 = arith.addi %mul3A_463, %add3A_895 : vector<16xi32>
      %gather3A_897 = tpu.vector_load_idx %arg14[%add3A_896, %broadcast_in_dim3A_871] : memref<2560x32xf32, #tpu.memory_space<vmem>>[vector<16xi32>, vector<16xi32>], vector<16xf32>,
      %mul3A_898 = arith.mulf %gather3A_872, %gather3A_897 : vector<16xf32>
      %add3A_899 = arith.addf %add3A_863, %mul3A_898 : vector<16xf32>
      %add3A_900 = arith.constant 4 : i32
      %add3A_901 = vector.broadcast %add3A_900 : i32 to vector<16xi32>
      %add3A_902 = arith.addi %mul3A_463, %add3A_901 : vector<16xi32>
      %gather3A_903 = tpu.vector_load_idx %arg14[%add3A_902, %broadcast_in_dim3A_871] : memref<2560x32xf32, #tpu.memory_space<vmem>>[vector<16xi32>, vector<16xi32>], vector<16xf32>,
      %mul3A_904 = arith.mulf %gather3A_872, %gather3A_903 : vector<16xf32>
      %add3A_905 = arith.addf %add3A_869, %mul3A_904 : vector<16xf32>
      %broadcast_in_dim3A_906 = arith.constant 12 : i32
      %broadcast_in_dim3A_907 = vector.broadcast %broadcast_in_dim3A_906 : i32 to vector<16xi32>
      %gather3A_908 = tpu.vector_load_idx %arg12[%add3A_460, %broadcast_in_dim3A_907] : memref<512x32xf32, #tpu.memory_space<vmem>>[vector<16xi32>, vector<16xi32>], vector<16xf32>,
      %gather3A_909 = tpu.vector_load_idx %arg13[%add3A_460, %broadcast_in_dim3A_907] : memref<512x32xf32, #tpu.memory_space<vmem>>[vector<16xi32>, vector<16xi32>], vector<16xf32>,
      %mul3A_910 = arith.mulf %gather3A_908, %gather3A_909 : vector<16xf32>
      %add3A_911 = arith.addf %add3A_875, %mul3A_910 : vector<16xf32>
      %add3A_912 = arith.constant 0 : i32
      %add3A_913 = vector.broadcast %add3A_912 : i32 to vector<16xi32>
      %add3A_914 = arith.addi %mul3A_463, %add3A_913 : vector<16xi32>
      %gather3A_915 = tpu.vector_load_idx %arg14[%add3A_914, %broadcast_in_dim3A_907] : memref<2560x32xf32, #tpu.memory_space<vmem>>[vector<16xi32>, vector<16xi32>], vector<16xf32>,
      %mul3A_916 = arith.mulf %gather3A_908, %gather3A_915 : vector<16xf32>
      %add3A_917 = arith.addf %add3A_881, %mul3A_916 : vector<16xf32>
      %add3A_918 = arith.constant 1 : i32
      %add3A_919 = vector.broadcast %add3A_918 : i32 to vector<16xi32>
      %add3A_920 = arith.addi %mul3A_463, %add3A_919 : vector<16xi32>
      %gather3A_921 = tpu.vector_load_idx %arg14[%add3A_920, %broadcast_in_dim3A_907] : memref<2560x32xf32, #tpu.memory_space<vmem>>[vector<16xi32>, vector<16xi32>], vector<16xf32>,
      %mul3A_922 = arith.mulf %gather3A_908, %gather3A_921 : vector<16xf32>
      %add3A_923 = arith.addf %add3A_887, %mul3A_922 : vector<16xf32>
      %add3A_924 = arith.constant 2 : i32
      %add3A_925 = vector.broadcast %add3A_924 : i32 to vector<16xi32>
      %add3A_926 = arith.addi %mul3A_463, %add3A_925 : vector<16xi32>
      %gather3A_927 = tpu.vector_load_idx %arg14[%add3A_926, %broadcast_in_dim3A_907] : memref<2560x32xf32, #tpu.memory_space<vmem>>[vector<16xi32>, vector<16xi32>], vector<16xf32>,
      %mul3A_928 = arith.mulf %gather3A_908, %gather3A_927 : vector<16xf32>
      %add3A_929 = arith.addf %add3A_893, %mul3A_928 : vector<16xf32>
      %add3A_930 = arith.constant 3 : i32
      %add3A_931 = vector.broadcast %add3A_930 : i32 to vector<16xi32>
      %add3A_932 = arith.addi %mul3A_463, %add3A_931 : vector<16xi32>
      %gather3A_933 = tpu.vector_load_idx %arg14[%add3A_932, %broadcast_in_dim3A_907] : memref<2560x32xf32, #tpu.memory_space<vmem>>[vector<16xi32>, vector<16xi32>], vector<16xf32>,
      %mul3A_934 = arith.mulf %gather3A_908, %gather3A_933 : vector<16xf32>
      %add3A_935 = arith.addf %add3A_899, %mul3A_934 : vector<16xf32>
      %add3A_936 = arith.constant 4 : i32
      %add3A_937 = vector.broadcast %add3A_936 : i32 to vector<16xi32>
      %add3A_938 = arith.addi %mul3A_463, %add3A_937 : vector<16xi32>
      %gather3A_939 = tpu.vector_load_idx %arg14[%add3A_938, %broadcast_in_dim3A_907] : memref<2560x32xf32, #tpu.memory_space<vmem>>[vector<16xi32>, vector<16xi32>], vector<16xf32>,
      %mul3A_940 = arith.mulf %gather3A_908, %gather3A_939 : vector<16xf32>
      %add3A_941 = arith.addf %add3A_905, %mul3A_940 : vector<16xf32>
      %broadcast_in_dim3A_942 = arith.constant 13 : i32
      %broadcast_in_dim3A_943 = vector.broadcast %broadcast_in_dim3A_942 : i32 to vector<16xi32>
      %gather3A_944 = tpu.vector_load_idx %arg12[%add3A_460, %broadcast_in_dim3A_943] : memref<512x32xf32, #tpu.memory_space<vmem>>[vector<16xi32>, vector<16xi32>], vector<16xf32>,
      %gather3A_945 = tpu.vector_load_idx %arg13[%add3A_460, %broadcast_in_dim3A_943] : memref<512x32xf32, #tpu.memory_space<vmem>>[vector<16xi32>, vector<16xi32>], vector<16xf32>,
      %mul3A_946 = arith.mulf %gather3A_944, %gather3A_945 : vector<16xf32>
      %add3A_947 = arith.addf %add3A_911, %mul3A_946 : vector<16xf32>
      %add3A_948 = arith.constant 0 : i32
      %add3A_949 = vector.broadcast %add3A_948 : i32 to vector<16xi32>
      %add3A_950 = arith.addi %mul3A_463, %add3A_949 : vector<16xi32>
      %gather3A_951 = tpu.vector_load_idx %arg14[%add3A_950, %broadcast_in_dim3A_943] : memref<2560x32xf32, #tpu.memory_space<vmem>>[vector<16xi32>, vector<16xi32>], vector<16xf32>,
      %mul3A_952 = arith.mulf %gather3A_944, %gather3A_951 : vector<16xf32>
      %add3A_953 = arith.addf %add3A_917, %mul3A_952 : vector<16xf32>
      %add3A_954 = arith.constant 1 : i32
      %add3A_955 = vector.broadcast %add3A_954 : i32 to vector<16xi32>
      %add3A_956 = arith.addi %mul3A_463, %add3A_955 : vector<16xi32>
      %gather3A_957 = tpu.vector_load_idx %arg14[%add3A_956, %broadcast_in_dim3A_943] : memref<2560x32xf32, #tpu.memory_space<vmem>>[vector<16xi32>, vector<16xi32>], vector<16xf32>,
      %mul3A_958 = arith.mulf %gather3A_944, %gather3A_957 : vector<16xf32>
      %add3A_959 = arith.addf %add3A_923, %mul3A_958 : vector<16xf32>
      %add3A_960 = arith.constant 2 : i32
      %add3A_961 = vector.broadcast %add3A_960 : i32 to vector<16xi32>
      %add3A_962 = arith.addi %mul3A_463, %add3A_961 : vector<16xi32>
      %gather3A_963 = tpu.vector_load_idx %arg14[%add3A_962, %broadcast_in_dim3A_943] : memref<2560x32xf32, #tpu.memory_space<vmem>>[vector<16xi32>, vector<16xi32>], vector<16xf32>,
      %mul3A_964 = arith.mulf %gather3A_944, %gather3A_963 : vector<16xf32>
      %add3A_965 = arith.addf %add3A_929, %mul3A_964 : vector<16xf32>
      %add3A_966 = arith.constant 3 : i32
      %add3A_967 = vector.broadcast %add3A_966 : i32 to vector<16xi32>
      %add3A_968 = arith.addi %mul3A_463, %add3A_967 : vector<16xi32>
      %gather3A_969 = tpu.vector_load_idx %arg14[%add3A_968, %broadcast_in_dim3A_943] : memref<2560x32xf32, #tpu.memory_space<vmem>>[vector<16xi32>, vector<16xi32>], vector<16xf32>,
      %mul3A_970 = arith.mulf %gather3A_944, %gather3A_969 : vector<16xf32>
      %add3A_971 = arith.addf %add3A_935, %mul3A_970 : vector<16xf32>
      %add3A_972 = arith.constant 4 : i32
      %add3A_973 = vector.broadcast %add3A_972 : i32 to vector<16xi32>
      %add3A_974 = arith.addi %mul3A_463, %add3A_973 : vector<16xi32>
      %gather3A_975 = tpu.vector_load_idx %arg14[%add3A_974, %broadcast_in_dim3A_943] : memref<2560x32xf32, #tpu.memory_space<vmem>>[vector<16xi32>, vector<16xi32>], vector<16xf32>,
      %mul3A_976 = arith.mulf %gather3A_944, %gather3A_975 : vector<16xf32>
      %add3A_977 = arith.addf %add3A_941, %mul3A_976 : vector<16xf32>
      %broadcast_in_dim3A_978 = arith.constant 14 : i32
      %broadcast_in_dim3A_979 = vector.broadcast %broadcast_in_dim3A_978 : i32 to vector<16xi32>
      %gather3A_980 = tpu.vector_load_idx %arg12[%add3A_460, %broadcast_in_dim3A_979] : memref<512x32xf32, #tpu.memory_space<vmem>>[vector<16xi32>, vector<16xi32>], vector<16xf32>,
      %gather3A_981 = tpu.vector_load_idx %arg13[%add3A_460, %broadcast_in_dim3A_979] : memref<512x32xf32, #tpu.memory_space<vmem>>[vector<16xi32>, vector<16xi32>], vector<16xf32>,
      %mul3A_982 = arith.mulf %gather3A_980, %gather3A_981 : vector<16xf32>
      %add3A_983 = arith.addf %add3A_947, %mul3A_982 : vector<16xf32>
      %add3A_984 = arith.constant 0 : i32
      %add3A_985 = vector.broadcast %add3A_984 : i32 to vector<16xi32>
      %add3A_986 = arith.addi %mul3A_463, %add3A_985 : vector<16xi32>
      %gather3A_987 = tpu.vector_load_idx %arg14[%add3A_986, %broadcast_in_dim3A_979] : memref<2560x32xf32, #tpu.memory_space<vmem>>[vector<16xi32>, vector<16xi32>], vector<16xf32>,
      %mul3A_988 = arith.mulf %gather3A_980, %gather3A_987 : vector<16xf32>
      %add3A_989 = arith.addf %add3A_953, %mul3A_988 : vector<16xf32>
      %add3A_990 = arith.constant 1 : i32
      %add3A_991 = vector.broadcast %add3A_990 : i32 to vector<16xi32>
      %add3A_992 = arith.addi %mul3A_463, %add3A_991 : vector<16xi32>
      %gather3A_993 = tpu.vector_load_idx %arg14[%add3A_992, %broadcast_in_dim3A_979] : memref<2560x32xf32, #tpu.memory_space<vmem>>[vector<16xi32>, vector<16xi32>], vector<16xf32>,
      %mul3A_994 = arith.mulf %gather3A_980, %gather3A_993 : vector<16xf32>
      %add3A_995 = arith.addf %add3A_959, %mul3A_994 : vector<16xf32>
      %add3A_996 = arith.constant 2 : i32
      %add3A_997 = vector.broadcast %add3A_996 : i32 to vector<16xi32>
      %add3A_998 = arith.addi %mul3A_463, %add3A_997 : vector<16xi32>
      %gather3A_999 = tpu.vector_load_idx %arg14[%add3A_998, %broadcast_in_dim3A_979] : memref<2560x32xf32, #tpu.memory_space<vmem>>[vector<16xi32>, vector<16xi32>], vector<16xf32>,
      %mul3A_1000 = arith.mulf %gather3A_980, %gather3A_999 : vector<16xf32>
      %add3A_1001 = arith.addf %add3A_965, %mul3A_1000 : vector<16xf32>
      %add3A_1002 = arith.constant 3 : i32
      %add3A_1003 = vector.broadcast %add3A_1002 : i32 to vector<16xi32>
      %add3A_1004 = arith.addi %mul3A_463, %add3A_1003 : vector<16xi32>
      %gather3A_1005 = tpu.vector_load_idx %arg14[%add3A_1004, %broadcast_in_dim3A_979] : memref<2560x32xf32, #tpu.memory_space<vmem>>[vector<16xi32>, vector<16xi32>], vector<16xf32>,
      %mul3A_1006 = arith.mulf %gather3A_980, %gather3A_1005 : vector<16xf32>
      %add3A_1007 = arith.addf %add3A_971, %mul3A_1006 : vector<16xf32>
      %add3A_1008 = arith.constant 4 : i32
      %add3A_1009 = vector.broadcast %add3A_1008 : i32 to vector<16xi32>
      %add3A_1010 = arith.addi %mul3A_463, %add3A_1009 : vector<16xi32>
      %gather3A_1011 = tpu.vector_load_idx %arg14[%add3A_1010, %broadcast_in_dim3A_979] : memref<2560x32xf32, #tpu.memory_space<vmem>>[vector<16xi32>, vector<16xi32>], vector<16xf32>,
      %mul3A_1012 = arith.mulf %gather3A_980, %gather3A_1011 : vector<16xf32>
      %add3A_1013 = arith.addf %add3A_977, %mul3A_1012 : vector<16xf32>
      %broadcast_in_dim3A_1014 = arith.constant 15 : i32
      %broadcast_in_dim3A_1015 = vector.broadcast %broadcast_in_dim3A_1014 : i32 to vector<16xi32>
      %gather3A_1016 = tpu.vector_load_idx %arg12[%add3A_460, %broadcast_in_dim3A_1015] : memref<512x32xf32, #tpu.memory_space<vmem>>[vector<16xi32>, vector<16xi32>], vector<16xf32>,
      %gather3A_1017 = tpu.vector_load_idx %arg13[%add3A_460, %broadcast_in_dim3A_1015] : memref<512x32xf32, #tpu.memory_space<vmem>>[vector<16xi32>, vector<16xi32>], vector<16xf32>,
      %mul3A_1018 = arith.mulf %gather3A_1016, %gather3A_1017 : vector<16xf32>
      %add3A_1019 = arith.addf %add3A_983, %mul3A_1018 : vector<16xf32>
      %add3A_1020 = arith.constant 0 : i32
      %add3A_1021 = vector.broadcast %add3A_1020 : i32 to vector<16xi32>
      %add3A_1022 = arith.addi %mul3A_463, %add3A_1021 : vector<16xi32>
      %gather3A_1023 = tpu.vector_load_idx %arg14[%add3A_1022, %broadcast_in_dim3A_1015] : memref<2560x32xf32, #tpu.memory_space<vmem>>[vector<16xi32>, vector<16xi32>], vector<16xf32>,
      %mul3A_1024 = arith.mulf %gather3A_1016, %gather3A_1023 : vector<16xf32>
      %add3A_1025 = arith.addf %add3A_989, %mul3A_1024 : vector<16xf32>
      %add3A_1026 = arith.constant 1 : i32
      %add3A_1027 = vector.broadcast %add3A_1026 : i32 to vector<16xi32>
      %add3A_1028 = arith.addi %mul3A_463, %add3A_1027 : vector<16xi32>
      %gather3A_1029 = tpu.vector_load_idx %arg14[%add3A_1028, %broadcast_in_dim3A_1015] : memref<2560x32xf32, #tpu.memory_space<vmem>>[vector<16xi32>, vector<16xi32>], vector<16xf32>,
      %mul3A_1030 = arith.mulf %gather3A_1016, %gather3A_1029 : vector<16xf32>
      %add3A_1031 = arith.addf %add3A_995, %mul3A_1030 : vector<16xf32>
      %add3A_1032 = arith.constant 2 : i32
      %add3A_1033 = vector.broadcast %add3A_1032 : i32 to vector<16xi32>
      %add3A_1034 = arith.addi %mul3A_463, %add3A_1033 : vector<16xi32>
      %gather3A_1035 = tpu.vector_load_idx %arg14[%add3A_1034, %broadcast_in_dim3A_1015] : memref<2560x32xf32, #tpu.memory_space<vmem>>[vector<16xi32>, vector<16xi32>], vector<16xf32>,
      %mul3A_1036 = arith.mulf %gather3A_1016, %gather3A_1035 : vector<16xf32>
      %add3A_1037 = arith.addf %add3A_1001, %mul3A_1036 : vector<16xf32>
      %add3A_1038 = arith.constant 3 : i32
      %add3A_1039 = vector.broadcast %add3A_1038 : i32 to vector<16xi32>
      %add3A_1040 = arith.addi %mul3A_463, %add3A_1039 : vector<16xi32>
      %gather3A_1041 = tpu.vector_load_idx %arg14[%add3A_1040, %broadcast_in_dim3A_1015] : memref<2560x32xf32, #tpu.memory_space<vmem>>[vector<16xi32>, vector<16xi32>], vector<16xf32>,
      %mul3A_1042 = arith.mulf %gather3A_1016, %gather3A_1041 : vector<16xf32>
      %add3A_1043 = arith.addf %add3A_1007, %mul3A_1042 : vector<16xf32>
      %add3A_1044 = arith.constant 4 : i32
      %add3A_1045 = vector.broadcast %add3A_1044 : i32 to vector<16xi32>
      %add3A_1046 = arith.addi %mul3A_463, %add3A_1045 : vector<16xi32>
      %gather3A_1047 = tpu.vector_load_idx %arg14[%add3A_1046, %broadcast_in_dim3A_1015] : memref<2560x32xf32, #tpu.memory_space<vmem>>[vector<16xi32>, vector<16xi32>], vector<16xf32>,
      %mul3A_1048 = arith.mulf %gather3A_1016, %gather3A_1047 : vector<16xf32>
      %add3A_1049 = arith.addf %add3A_1013, %mul3A_1048 : vector<16xf32>
      %broadcast_in_dim3A_1050 = arith.constant 16 : i32
      %broadcast_in_dim3A_1051 = vector.broadcast %broadcast_in_dim3A_1050 : i32 to vector<16xi32>
      %gather3A_1052 = tpu.vector_load_idx %arg12[%add3A_460, %broadcast_in_dim3A_1051] : memref<512x32xf32, #tpu.memory_space<vmem>>[vector<16xi32>, vector<16xi32>], vector<16xf32>,
      %gather3A_1053 = tpu.vector_load_idx %arg13[%add3A_460, %broadcast_in_dim3A_1051] : memref<512x32xf32, #tpu.memory_space<vmem>>[vector<16xi32>, vector<16xi32>], vector<16xf32>,
      %mul3A_1054 = arith.mulf %gather3A_1052, %gather3A_1053 : vector<16xf32>
      %add3A_1055 = arith.addf %add3A_1019, %mul3A_1054 : vector<16xf32>
      %add3A_1056 = arith.constant 0 : i32
      %add3A_1057 = vector.broadcast %add3A_1056 : i32 to vector<16xi32>
      %add3A_1058 = arith.addi %mul3A_463, %add3A_1057 : vector<16xi32>
      %gather3A_1059 = tpu.vector_load_idx %arg14[%add3A_1058, %broadcast_in_dim3A_1051] : memref<2560x32xf32, #tpu.memory_space<vmem>>[vector<16xi32>, vector<16xi32>], vector<16xf32>,
      %mul3A_1060 = arith.mulf %gather3A_1052, %gather3A_1059 : vector<16xf32>
      %add3A_1061 = arith.addf %add3A_1025, %mul3A_1060 : vector<16xf32>
      %add3A_1062 = arith.constant 1 : i32
      %add3A_1063 = vector.broadcast %add3A_1062 : i32 to vector<16xi32>
      %add3A_1064 = arith.addi %mul3A_463, %add3A_1063 : vector<16xi32>
      %gather3A_1065 = tpu.vector_load_idx %arg14[%add3A_1064, %broadcast_in_dim3A_1051] : memref<2560x32xf32, #tpu.memory_space<vmem>>[vector<16xi32>, vector<16xi32>], vector<16xf32>,
      %mul3A_1066 = arith.mulf %gather3A_1052, %gather3A_1065 : vector<16xf32>
      %add3A_1067 = arith.addf %add3A_1031, %mul3A_1066 : vector<16xf32>
      %add3A_1068 = arith.constant 2 : i32
      %add3A_1069 = vector.broadcast %add3A_1068 : i32 to vector<16xi32>
      %add3A_1070 = arith.addi %mul3A_463, %add3A_1069 : vector<16xi32>
      %gather3A_1071 = tpu.vector_load_idx %arg14[%add3A_1070, %broadcast_in_dim3A_1051] : memref<2560x32xf32, #tpu.memory_space<vmem>>[vector<16xi32>, vector<16xi32>], vector<16xf32>,
      %mul3A_1072 = arith.mulf %gather3A_1052, %gather3A_1071 : vector<16xf32>
      %add3A_1073 = arith.addf %add3A_1037, %mul3A_1072 : vector<16xf32>
      %add3A_1074 = arith.constant 3 : i32
      %add3A_1075 = vector.broadcast %add3A_1074 : i32 to vector<16xi32>
      %add3A_1076 = arith.addi %mul3A_463, %add3A_1075 : vector<16xi32>
      %gather3A_1077 = tpu.vector_load_idx %arg14[%add3A_1076, %broadcast_in_dim3A_1051] : memref<2560x32xf32, #tpu.memory_space<vmem>>[vector<16xi32>, vector<16xi32>], vector<16xf32>,
      %mul3A_1078 = arith.mulf %gather3A_1052, %gather3A_1077 : vector<16xf32>
      %add3A_1079 = arith.addf %add3A_1043, %mul3A_1078 : vector<16xf32>
      %add3A_1080 = arith.constant 4 : i32
      %add3A_1081 = vector.broadcast %add3A_1080 : i32 to vector<16xi32>
      %add3A_1082 = arith.addi %mul3A_463, %add3A_1081 : vector<16xi32>
      %gather3A_1083 = tpu.vector_load_idx %arg14[%add3A_1082, %broadcast_in_dim3A_1051] : memref<2560x32xf32, #tpu.memory_space<vmem>>[vector<16xi32>, vector<16xi32>], vector<16xf32>,
      %mul3A_1084 = arith.mulf %gather3A_1052, %gather3A_1083 : vector<16xf32>
      %add3A_1085 = arith.addf %add3A_1049, %mul3A_1084 : vector<16xf32>
      %broadcast_in_dim3A_1086 = arith.constant 17 : i32
      %broadcast_in_dim3A_1087 = vector.broadcast %broadcast_in_dim3A_1086 : i32 to vector<16xi32>
      %gather3A_1088 = tpu.vector_load_idx %arg12[%add3A_460, %broadcast_in_dim3A_1087] : memref<512x32xf32, #tpu.memory_space<vmem>>[vector<16xi32>, vector<16xi32>], vector<16xf32>,
      %gather3A_1089 = tpu.vector_load_idx %arg13[%add3A_460, %broadcast_in_dim3A_1087] : memref<512x32xf32, #tpu.memory_space<vmem>>[vector<16xi32>, vector<16xi32>], vector<16xf32>,
      %mul3A_1090 = arith.mulf %gather3A_1088, %gather3A_1089 : vector<16xf32>
      %add3A_1091 = arith.addf %add3A_1055, %mul3A_1090 : vector<16xf32>
      %add3A_1092 = arith.constant 0 : i32
      %add3A_1093 = vector.broadcast %add3A_1092 : i32 to vector<16xi32>
      %add3A_1094 = arith.addi %mul3A_463, %add3A_1093 : vector<16xi32>
      %gather3A_1095 = tpu.vector_load_idx %arg14[%add3A_1094, %broadcast_in_dim3A_1087] : memref<2560x32xf32, #tpu.memory_space<vmem>>[vector<16xi32>, vector<16xi32>], vector<16xf32>,
      %mul3A_1096 = arith.mulf %gather3A_1088, %gather3A_1095 : vector<16xf32>
      %add3A_1097 = arith.addf %add3A_1061, %mul3A_1096 : vector<16xf32>
      %add3A_1098 = arith.constant 1 : i32
      %add3A_1099 = vector.broadcast %add3A_1098 : i32 to vector<16xi32>
      %add3A_1100 = arith.addi %mul3A_463, %add3A_1099 : vector<16xi32>
      %gather3A_1101 = tpu.vector_load_idx %arg14[%add3A_1100, %broadcast_in_dim3A_1087] : memref<2560x32xf32, #tpu.memory_space<vmem>>[vector<16xi32>, vector<16xi32>], vector<16xf32>,
      %mul3A_1102 = arith.mulf %gather3A_1088, %gather3A_1101 : vector<16xf32>
      %add3A_1103 = arith.addf %add3A_1067, %mul3A_1102 : vector<16xf32>
      %add3A_1104 = arith.constant 2 : i32
      %add3A_1105 = vector.broadcast %add3A_1104 : i32 to vector<16xi32>
      %add3A_1106 = arith.addi %mul3A_463, %add3A_1105 : vector<16xi32>
      %gather3A_1107 = tpu.vector_load_idx %arg14[%add3A_1106, %broadcast_in_dim3A_1087] : memref<2560x32xf32, #tpu.memory_space<vmem>>[vector<16xi32>, vector<16xi32>], vector<16xf32>,
      %mul3A_1108 = arith.mulf %gather3A_1088, %gather3A_1107 : vector<16xf32>
      %add3A_1109 = arith.addf %add3A_1073, %mul3A_1108 : vector<16xf32>
      %add3A_1110 = arith.constant 3 : i32
      %add3A_1111 = vector.broadcast %add3A_1110 : i32 to vector<16xi32>
      %add3A_1112 = arith.addi %mul3A_463, %add3A_1111 : vector<16xi32>
      %gather3A_1113 = tpu.vector_load_idx %arg14[%add3A_1112, %broadcast_in_dim3A_1087] : memref<2560x32xf32, #tpu.memory_space<vmem>>[vector<16xi32>, vector<16xi32>], vector<16xf32>,
      %mul3A_1114 = arith.mulf %gather3A_1088, %gather3A_1113 : vector<16xf32>
      %add3A_1115 = arith.addf %add3A_1079, %mul3A_1114 : vector<16xf32>
      %add3A_1116 = arith.constant 4 : i32
      %add3A_1117 = vector.broadcast %add3A_1116 : i32 to vector<16xi32>
      %add3A_1118 = arith.addi %mul3A_463, %add3A_1117 : vector<16xi32>
      %gather3A_1119 = tpu.vector_load_idx %arg14[%add3A_1118, %broadcast_in_dim3A_1087] : memref<2560x32xf32, #tpu.memory_space<vmem>>[vector<16xi32>, vector<16xi32>], vector<16xf32>,
      %mul3A_1120 = arith.mulf %gather3A_1088, %gather3A_1119 : vector<16xf32>
      %add3A_1121 = arith.addf %add3A_1085, %mul3A_1120 : vector<16xf32>
      %broadcast_in_dim3A_1122 = arith.constant 18 : i32
      %broadcast_in_dim3A_1123 = vector.broadcast %broadcast_in_dim3A_1122 : i32 to vector<16xi32>
      %gather3A_1124 = tpu.vector_load_idx %arg12[%add3A_460, %broadcast_in_dim3A_1123] : memref<512x32xf32, #tpu.memory_space<vmem>>[vector<16xi32>, vector<16xi32>], vector<16xf32>,
      %gather3A_1125 = tpu.vector_load_idx %arg13[%add3A_460, %broadcast_in_dim3A_1123] : memref<512x32xf32, #tpu.memory_space<vmem>>[vector<16xi32>, vector<16xi32>], vector<16xf32>,
      %mul3A_1126 = arith.mulf %gather3A_1124, %gather3A_1125 : vector<16xf32>
      %add3A_1127 = arith.addf %add3A_1091, %mul3A_1126 : vector<16xf32>
      %add3A_1128 = arith.constant 0 : i32
      %add3A_1129 = vector.broadcast %add3A_1128 : i32 to vector<16xi32>
      %add3A_1130 = arith.addi %mul3A_463, %add3A_1129 : vector<16xi32>
      %gather3A_1131 = tpu.vector_load_idx %arg14[%add3A_1130, %broadcast_in_dim3A_1123] : memref<2560x32xf32, #tpu.memory_space<vmem>>[vector<16xi32>, vector<16xi32>], vector<16xf32>,
      %mul3A_1132 = arith.mulf %gather3A_1124, %gather3A_1131 : vector<16xf32>
      %add3A_1133 = arith.addf %add3A_1097, %mul3A_1132 : vector<16xf32>
      %add3A_1134 = arith.constant 1 : i32
      %add3A_1135 = vector.broadcast %add3A_1134 : i32 to vector<16xi32>
      %add3A_1136 = arith.addi %mul3A_463, %add3A_1135 : vector<16xi32>
      %gather3A_1137 = tpu.vector_load_idx %arg14[%add3A_1136, %broadcast_in_dim3A_1123] : memref<2560x32xf32, #tpu.memory_space<vmem>>[vector<16xi32>, vector<16xi32>], vector<16xf32>,
      %mul3A_1138 = arith.mulf %gather3A_1124, %gather3A_1137 : vector<16xf32>
      %add3A_1139 = arith.addf %add3A_1103, %mul3A_1138 : vector<16xf32>
      %add3A_1140 = arith.constant 2 : i32
      %add3A_1141 = vector.broadcast %add3A_1140 : i32 to vector<16xi32>
      %add3A_1142 = arith.addi %mul3A_463, %add3A_1141 : vector<16xi32>
      %gather3A_1143 = tpu.vector_load_idx %arg14[%add3A_1142, %broadcast_in_dim3A_1123] : memref<2560x32xf32, #tpu.memory_space<vmem>>[vector<16xi32>, vector<16xi32>], vector<16xf32>,
      %mul3A_1144 = arith.mulf %gather3A_1124, %gather3A_1143 : vector<16xf32>
      %add3A_1145 = arith.addf %add3A_1109, %mul3A_1144 : vector<16xf32>
      %add3A_1146 = arith.constant 3 : i32
      %add3A_1147 = vector.broadcast %add3A_1146 : i32 to vector<16xi32>
      %add3A_1148 = arith.addi %mul3A_463, %add3A_1147 : vector<16xi32>
      %gather3A_1149 = tpu.vector_load_idx %arg14[%add3A_1148, %broadcast_in_dim3A_1123] : memref<2560x32xf32, #tpu.memory_space<vmem>>[vector<16xi32>, vector<16xi32>], vector<16xf32>,
      %mul3A_1150 = arith.mulf %gather3A_1124, %gather3A_1149 : vector<16xf32>
      %add3A_1151 = arith.addf %add3A_1115, %mul3A_1150 : vector<16xf32>
      %add3A_1152 = arith.constant 4 : i32
      %add3A_1153 = vector.broadcast %add3A_1152 : i32 to vector<16xi32>
      %add3A_1154 = arith.addi %mul3A_463, %add3A_1153 : vector<16xi32>
      %gather3A_1155 = tpu.vector_load_idx %arg14[%add3A_1154, %broadcast_in_dim3A_1123] : memref<2560x32xf32, #tpu.memory_space<vmem>>[vector<16xi32>, vector<16xi32>], vector<16xf32>,
      %mul3A_1156 = arith.mulf %gather3A_1124, %gather3A_1155 : vector<16xf32>
      %add3A_1157 = arith.addf %add3A_1121, %mul3A_1156 : vector<16xf32>
      %broadcast_in_dim3A_1158 = arith.constant 19 : i32
      %broadcast_in_dim3A_1159 = vector.broadcast %broadcast_in_dim3A_1158 : i32 to vector<16xi32>
      %gather3A_1160 = tpu.vector_load_idx %arg12[%add3A_460, %broadcast_in_dim3A_1159] : memref<512x32xf32, #tpu.memory_space<vmem>>[vector<16xi32>, vector<16xi32>], vector<16xf32>,
      %gather3A_1161 = tpu.vector_load_idx %arg13[%add3A_460, %broadcast_in_dim3A_1159] : memref<512x32xf32, #tpu.memory_space<vmem>>[vector<16xi32>, vector<16xi32>], vector<16xf32>,
      %mul3A_1162 = arith.mulf %gather3A_1160, %gather3A_1161 : vector<16xf32>
      %add3A_1163 = arith.addf %add3A_1127, %mul3A_1162 : vector<16xf32>
      %add3A_1164 = arith.constant 0 : i32
      %add3A_1165 = vector.broadcast %add3A_1164 : i32 to vector<16xi32>
      %add3A_1166 = arith.addi %mul3A_463, %add3A_1165 : vector<16xi32>
      %gather3A_1167 = tpu.vector_load_idx %arg14[%add3A_1166, %broadcast_in_dim3A_1159] : memref<2560x32xf32, #tpu.memory_space<vmem>>[vector<16xi32>, vector<16xi32>], vector<16xf32>,
      %mul3A_1168 = arith.mulf %gather3A_1160, %gather3A_1167 : vector<16xf32>
      %add3A_1169 = arith.addf %add3A_1133, %mul3A_1168 : vector<16xf32>
      %add3A_1170 = arith.constant 1 : i32
      %add3A_1171 = vector.broadcast %add3A_1170 : i32 to vector<16xi32>
      %add3A_1172 = arith.addi %mul3A_463, %add3A_1171 : vector<16xi32>
      %gather3A_1173 = tpu.vector_load_idx %arg14[%add3A_1172, %broadcast_in_dim3A_1159] : memref<2560x32xf32, #tpu.memory_space<vmem>>[vector<16xi32>, vector<16xi32>], vector<16xf32>,
      %mul3A_1174 = arith.mulf %gather3A_1160, %gather3A_1173 : vector<16xf32>
      %add3A_1175 = arith.addf %add3A_1139, %mul3A_1174 : vector<16xf32>
      %add3A_1176 = arith.constant 2 : i32
      %add3A_1177 = vector.broadcast %add3A_1176 : i32 to vector<16xi32>
      %add3A_1178 = arith.addi %mul3A_463, %add3A_1177 : vector<16xi32>
      %gather3A_1179 = tpu.vector_load_idx %arg14[%add3A_1178, %broadcast_in_dim3A_1159] : memref<2560x32xf32, #tpu.memory_space<vmem>>[vector<16xi32>, vector<16xi32>], vector<16xf32>,
      %mul3A_1180 = arith.mulf %gather3A_1160, %gather3A_1179 : vector<16xf32>
      %add3A_1181 = arith.addf %add3A_1145, %mul3A_1180 : vector<16xf32>
      %add3A_1182 = arith.constant 3 : i32
      %add3A_1183 = vector.broadcast %add3A_1182 : i32 to vector<16xi32>
      %add3A_1184 = arith.addi %mul3A_463, %add3A_1183 : vector<16xi32>
      %gather3A_1185 = tpu.vector_load_idx %arg14[%add3A_1184, %broadcast_in_dim3A_1159] : memref<2560x32xf32, #tpu.memory_space<vmem>>[vector<16xi32>, vector<16xi32>], vector<16xf32>,
      %mul3A_1186 = arith.mulf %gather3A_1160, %gather3A_1185 : vector<16xf32>
      %add3A_1187 = arith.addf %add3A_1151, %mul3A_1186 : vector<16xf32>
      %add3A_1188 = arith.constant 4 : i32
      %add3A_1189 = vector.broadcast %add3A_1188 : i32 to vector<16xi32>
      %add3A_1190 = arith.addi %mul3A_463, %add3A_1189 : vector<16xi32>
      %gather3A_1191 = tpu.vector_load_idx %arg14[%add3A_1190, %broadcast_in_dim3A_1159] : memref<2560x32xf32, #tpu.memory_space<vmem>>[vector<16xi32>, vector<16xi32>], vector<16xf32>,
      %mul3A_1192 = arith.mulf %gather3A_1160, %gather3A_1191 : vector<16xf32>
      %add3A_1193 = arith.addf %add3A_1157, %mul3A_1192 : vector<16xf32>
      %broadcast_in_dim3A_1194 = arith.constant 20 : i32
      %broadcast_in_dim3A_1195 = vector.broadcast %broadcast_in_dim3A_1194 : i32 to vector<16xi32>
      %gather3A_1196 = tpu.vector_load_idx %arg12[%add3A_460, %broadcast_in_dim3A_1195] : memref<512x32xf32, #tpu.memory_space<vmem>>[vector<16xi32>, vector<16xi32>], vector<16xf32>,
      %gather3A_1197 = tpu.vector_load_idx %arg13[%add3A_460, %broadcast_in_dim3A_1195] : memref<512x32xf32, #tpu.memory_space<vmem>>[vector<16xi32>, vector<16xi32>], vector<16xf32>,
      %mul3A_1198 = arith.mulf %gather3A_1196, %gather3A_1197 : vector<16xf32>
      %add3A_1199 = arith.addf %add3A_1163, %mul3A_1198 : vector<16xf32>
      %add3A_1200 = arith.constant 0 : i32
      %add3A_1201 = vector.broadcast %add3A_1200 : i32 to vector<16xi32>
      %add3A_1202 = arith.addi %mul3A_463, %add3A_1201 : vector<16xi32>
      %gather3A_1203 = tpu.vector_load_idx %arg14[%add3A_1202, %broadcast_in_dim3A_1195] : memref<2560x32xf32, #tpu.memory_space<vmem>>[vector<16xi32>, vector<16xi32>], vector<16xf32>,
      %mul3A_1204 = arith.mulf %gather3A_1196, %gather3A_1203 : vector<16xf32>
      %add3A_1205 = arith.addf %add3A_1169, %mul3A_1204 : vector<16xf32>
      %add3A_1206 = arith.constant 1 : i32
      %add3A_1207 = vector.broadcast %add3A_1206 : i32 to vector<16xi32>
      %add3A_1208 = arith.addi %mul3A_463, %add3A_1207 : vector<16xi32>
      %gather3A_1209 = tpu.vector_load_idx %arg14[%add3A_1208, %broadcast_in_dim3A_1195] : memref<2560x32xf32, #tpu.memory_space<vmem>>[vector<16xi32>, vector<16xi32>], vector<16xf32>,
      %mul3A_1210 = arith.mulf %gather3A_1196, %gather3A_1209 : vector<16xf32>
      %add3A_1211 = arith.addf %add3A_1175, %mul3A_1210 : vector<16xf32>
      %add3A_1212 = arith.constant 2 : i32
      %add3A_1213 = vector.broadcast %add3A_1212 : i32 to vector<16xi32>
      %add3A_1214 = arith.addi %mul3A_463, %add3A_1213 : vector<16xi32>
      %gather3A_1215 = tpu.vector_load_idx %arg14[%add3A_1214, %broadcast_in_dim3A_1195] : memref<2560x32xf32, #tpu.memory_space<vmem>>[vector<16xi32>, vector<16xi32>], vector<16xf32>,
      %mul3A_1216 = arith.mulf %gather3A_1196, %gather3A_1215 : vector<16xf32>
      %add3A_1217 = arith.addf %add3A_1181, %mul3A_1216 : vector<16xf32>
      %add3A_1218 = arith.constant 3 : i32
      %add3A_1219 = vector.broadcast %add3A_1218 : i32 to vector<16xi32>
      %add3A_1220 = arith.addi %mul3A_463, %add3A_1219 : vector<16xi32>
      %gather3A_1221 = tpu.vector_load_idx %arg14[%add3A_1220, %broadcast_in_dim3A_1195] : memref<2560x32xf32, #tpu.memory_space<vmem>>[vector<16xi32>, vector<16xi32>], vector<16xf32>,
      %mul3A_1222 = arith.mulf %gather3A_1196, %gather3A_1221 : vector<16xf32>
      %add3A_1223 = arith.addf %add3A_1187, %mul3A_1222 : vector<16xf32>
      %add3A_1224 = arith.constant 4 : i32
      %add3A_1225 = vector.broadcast %add3A_1224 : i32 to vector<16xi32>
      %add3A_1226 = arith.addi %mul3A_463, %add3A_1225 : vector<16xi32>
      %gather3A_1227 = tpu.vector_load_idx %arg14[%add3A_1226, %broadcast_in_dim3A_1195] : memref<2560x32xf32, #tpu.memory_space<vmem>>[vector<16xi32>, vector<16xi32>], vector<16xf32>,
      %mul3A_1228 = arith.mulf %gather3A_1196, %gather3A_1227 : vector<16xf32>
      %add3A_1229 = arith.addf %add3A_1193, %mul3A_1228 : vector<16xf32>
      %broadcast_in_dim3A_1230 = arith.constant 21 : i32
      %broadcast_in_dim3A_1231 = vector.broadcast %broadcast_in_dim3A_1230 : i32 to vector<16xi32>
      %gather3A_1232 = tpu.vector_load_idx %arg12[%add3A_460, %broadcast_in_dim3A_1231] : memref<512x32xf32, #tpu.memory_space<vmem>>[vector<16xi32>, vector<16xi32>], vector<16xf32>,
      %gather3A_1233 = tpu.vector_load_idx %arg13[%add3A_460, %broadcast_in_dim3A_1231] : memref<512x32xf32, #tpu.memory_space<vmem>>[vector<16xi32>, vector<16xi32>], vector<16xf32>,
      %mul3A_1234 = arith.mulf %gather3A_1232, %gather3A_1233 : vector<16xf32>
      %add3A_1235 = arith.addf %add3A_1199, %mul3A_1234 : vector<16xf32>
      %add3A_1236 = arith.constant 0 : i32
      %add3A_1237 = vector.broadcast %add3A_1236 : i32 to vector<16xi32>
      %add3A_1238 = arith.addi %mul3A_463, %add3A_1237 : vector<16xi32>
      %gather3A_1239 = tpu.vector_load_idx %arg14[%add3A_1238, %broadcast_in_dim3A_1231] : memref<2560x32xf32, #tpu.memory_space<vmem>>[vector<16xi32>, vector<16xi32>], vector<16xf32>,
      %mul3A_1240 = arith.mulf %gather3A_1232, %gather3A_1239 : vector<16xf32>
      %add3A_1241 = arith.addf %add3A_1205, %mul3A_1240 : vector<16xf32>
      %add3A_1242 = arith.constant 1 : i32
      %add3A_1243 = vector.broadcast %add3A_1242 : i32 to vector<16xi32>
      %add3A_1244 = arith.addi %mul3A_463, %add3A_1243 : vector<16xi32>
      %gather3A_1245 = tpu.vector_load_idx %arg14[%add3A_1244, %broadcast_in_dim3A_1231] : memref<2560x32xf32, #tpu.memory_space<vmem>>[vector<16xi32>, vector<16xi32>], vector<16xf32>,
      %mul3A_1246 = arith.mulf %gather3A_1232, %gather3A_1245 : vector<16xf32>
      %add3A_1247 = arith.addf %add3A_1211, %mul3A_1246 : vector<16xf32>
      %add3A_1248 = arith.constant 2 : i32
      %add3A_1249 = vector.broadcast %add3A_1248 : i32 to vector<16xi32>
      %add3A_1250 = arith.addi %mul3A_463, %add3A_1249 : vector<16xi32>
      %gather3A_1251 = tpu.vector_load_idx %arg14[%add3A_1250, %broadcast_in_dim3A_1231] : memref<2560x32xf32, #tpu.memory_space<vmem>>[vector<16xi32>, vector<16xi32>], vector<16xf32>,
      %mul3A_1252 = arith.mulf %gather3A_1232, %gather3A_1251 : vector<16xf32>
      %add3A_1253 = arith.addf %add3A_1217, %mul3A_1252 : vector<16xf32>
      %add3A_1254 = arith.constant 3 : i32
      %add3A_1255 = vector.broadcast %add3A_1254 : i32 to vector<16xi32>
      %add3A_1256 = arith.addi %mul3A_463, %add3A_1255 : vector<16xi32>
      %gather3A_1257 = tpu.vector_load_idx %arg14[%add3A_1256, %broadcast_in_dim3A_1231] : memref<2560x32xf32, #tpu.memory_space<vmem>>[vector<16xi32>, vector<16xi32>], vector<16xf32>,
      %mul3A_1258 = arith.mulf %gather3A_1232, %gather3A_1257 : vector<16xf32>
      %add3A_1259 = arith.addf %add3A_1223, %mul3A_1258 : vector<16xf32>
      %add3A_1260 = arith.constant 4 : i32
      %add3A_1261 = vector.broadcast %add3A_1260 : i32 to vector<16xi32>
      %add3A_1262 = arith.addi %mul3A_463, %add3A_1261 : vector<16xi32>
      %gather3A_1263 = tpu.vector_load_idx %arg14[%add3A_1262, %broadcast_in_dim3A_1231] : memref<2560x32xf32, #tpu.memory_space<vmem>>[vector<16xi32>, vector<16xi32>], vector<16xf32>,
      %mul3A_1264 = arith.mulf %gather3A_1232, %gather3A_1263 : vector<16xf32>
      %add3A_1265 = arith.addf %add3A_1229, %mul3A_1264 : vector<16xf32>
      %broadcast_in_dim3A_1266 = arith.constant 22 : i32
      %broadcast_in_dim3A_1267 = vector.broadcast %broadcast_in_dim3A_1266 : i32 to vector<16xi32>
      %gather3A_1268 = tpu.vector_load_idx %arg12[%add3A_460, %broadcast_in_dim3A_1267] : memref<512x32xf32, #tpu.memory_space<vmem>>[vector<16xi32>, vector<16xi32>], vector<16xf32>,
      %gather3A_1269 = tpu.vector_load_idx %arg13[%add3A_460, %broadcast_in_dim3A_1267] : memref<512x32xf32, #tpu.memory_space<vmem>>[vector<16xi32>, vector<16xi32>], vector<16xf32>,
      %mul3A_1270 = arith.mulf %gather3A_1268, %gather3A_1269 : vector<16xf32>
      %add3A_1271 = arith.addf %add3A_1235, %mul3A_1270 : vector<16xf32>
      %add3A_1272 = arith.constant 0 : i32
      %add3A_1273 = vector.broadcast %add3A_1272 : i32 to vector<16xi32>
      %add3A_1274 = arith.addi %mul3A_463, %add3A_1273 : vector<16xi32>
      %gather3A_1275 = tpu.vector_load_idx %arg14[%add3A_1274, %broadcast_in_dim3A_1267] : memref<2560x32xf32, #tpu.memory_space<vmem>>[vector<16xi32>, vector<16xi32>], vector<16xf32>,
      %mul3A_1276 = arith.mulf %gather3A_1268, %gather3A_1275 : vector<16xf32>
      %add3A_1277 = arith.addf %add3A_1241, %mul3A_1276 : vector<16xf32>
      %add3A_1278 = arith.constant 1 : i32
      %add3A_1279 = vector.broadcast %add3A_1278 : i32 to vector<16xi32>
      %add3A_1280 = arith.addi %mul3A_463, %add3A_1279 : vector<16xi32>
      %gather3A_1281 = tpu.vector_load_idx %arg14[%add3A_1280, %broadcast_in_dim3A_1267] : memref<2560x32xf32, #tpu.memory_space<vmem>>[vector<16xi32>, vector<16xi32>], vector<16xf32>,
      %mul3A_1282 = arith.mulf %gather3A_1268, %gather3A_1281 : vector<16xf32>
      %add3A_1283 = arith.addf %add3A_1247, %mul3A_1282 : vector<16xf32>
      %add3A_1284 = arith.constant 2 : i32
      %add3A_1285 = vector.broadcast %add3A_1284 : i32 to vector<16xi32>
      %add3A_1286 = arith.addi %mul3A_463, %add3A_1285 : vector<16xi32>
      %gather3A_1287 = tpu.vector_load_idx %arg14[%add3A_1286, %broadcast_in_dim3A_1267] : memref<2560x32xf32, #tpu.memory_space<vmem>>[vector<16xi32>, vector<16xi32>], vector<16xf32>,
      %mul3A_1288 = arith.mulf %gather3A_1268, %gather3A_1287 : vector<16xf32>
      %add3A_1289 = arith.addf %add3A_1253, %mul3A_1288 : vector<16xf32>
      %add3A_1290 = arith.constant 3 : i32
      %add3A_1291 = vector.broadcast %add3A_1290 : i32 to vector<16xi32>
      %add3A_1292 = arith.addi %mul3A_463, %add3A_1291 : vector<16xi32>
      %gather3A_1293 = tpu.vector_load_idx %arg14[%add3A_1292, %broadcast_in_dim3A_1267] : memref<2560x32xf32, #tpu.memory_space<vmem>>[vector<16xi32>, vector<16xi32>], vector<16xf32>,
      %mul3A_1294 = arith.mulf %gather3A_1268, %gather3A_1293 : vector<16xf32>
      %add3A_1295 = arith.addf %add3A_1259, %mul3A_1294 : vector<16xf32>
      %add3A_1296 = arith.constant 4 : i32
      %add3A_1297 = vector.broadcast %add3A_1296 : i32 to vector<16xi32>
      %add3A_1298 = arith.addi %mul3A_463, %add3A_1297 : vector<16xi32>
      %gather3A_1299 = tpu.vector_load_idx %arg14[%add3A_1298, %broadcast_in_dim3A_1267] : memref<2560x32xf32, #tpu.memory_space<vmem>>[vector<16xi32>, vector<16xi32>], vector<16xf32>,
      %mul3A_1300 = arith.mulf %gather3A_1268, %gather3A_1299 : vector<16xf32>
      %add3A_1301 = arith.addf %add3A_1265, %mul3A_1300 : vector<16xf32>
      %broadcast_in_dim3A_1302 = arith.constant 23 : i32
      %broadcast_in_dim3A_1303 = vector.broadcast %broadcast_in_dim3A_1302 : i32 to vector<16xi32>
      %gather3A_1304 = tpu.vector_load_idx %arg12[%add3A_460, %broadcast_in_dim3A_1303] : memref<512x32xf32, #tpu.memory_space<vmem>>[vector<16xi32>, vector<16xi32>], vector<16xf32>,
      %gather3A_1305 = tpu.vector_load_idx %arg13[%add3A_460, %broadcast_in_dim3A_1303] : memref<512x32xf32, #tpu.memory_space<vmem>>[vector<16xi32>, vector<16xi32>], vector<16xf32>,
      %mul3A_1306 = arith.mulf %gather3A_1304, %gather3A_1305 : vector<16xf32>
      %add3A_1307 = arith.addf %add3A_1271, %mul3A_1306 : vector<16xf32>
      %add3A_1308 = arith.constant 0 : i32
      %add3A_1309 = vector.broadcast %add3A_1308 : i32 to vector<16xi32>
      %add3A_1310 = arith.addi %mul3A_463, %add3A_1309 : vector<16xi32>
      %gather3A_1311 = tpu.vector_load_idx %arg14[%add3A_1310, %broadcast_in_dim3A_1303] : memref<2560x32xf32, #tpu.memory_space<vmem>>[vector<16xi32>, vector<16xi32>], vector<16xf32>,
      %mul3A_1312 = arith.mulf %gather3A_1304, %gather3A_1311 : vector<16xf32>
      %add3A_1313 = arith.addf %add3A_1277, %mul3A_1312 : vector<16xf32>
      %add3A_1314 = arith.constant 1 : i32
      %add3A_1315 = vector.broadcast %add3A_1314 : i32 to vector<16xi32>
      %add3A_1316 = arith.addi %mul3A_463, %add3A_1315 : vector<16xi32>
      %gather3A_1317 = tpu.vector_load_idx %arg14[%add3A_1316, %broadcast_in_dim3A_1303] : memref<2560x32xf32, #tpu.memory_space<vmem>>[vector<16xi32>, vector<16xi32>], vector<16xf32>,
      %mul3A_1318 = arith.mulf %gather3A_1304, %gather3A_1317 : vector<16xf32>
      %add3A_1319 = arith.addf %add3A_1283, %mul3A_1318 : vector<16xf32>
      %add3A_1320 = arith.constant 2 : i32
      %add3A_1321 = vector.broadcast %add3A_1320 : i32 to vector<16xi32>
      %add3A_1322 = arith.addi %mul3A_463, %add3A_1321 : vector<16xi32>
      %gather3A_1323 = tpu.vector_load_idx %arg14[%add3A_1322, %broadcast_in_dim3A_1303] : memref<2560x32xf32, #tpu.memory_space<vmem>>[vector<16xi32>, vector<16xi32>], vector<16xf32>,
      %mul3A_1324 = arith.mulf %gather3A_1304, %gather3A_1323 : vector<16xf32>
      %add3A_1325 = arith.addf %add3A_1289, %mul3A_1324 : vector<16xf32>
      %add3A_1326 = arith.constant 3 : i32
      %add3A_1327 = vector.broadcast %add3A_1326 : i32 to vector<16xi32>
      %add3A_1328 = arith.addi %mul3A_463, %add3A_1327 : vector<16xi32>
      %gather3A_1329 = tpu.vector_load_idx %arg14[%add3A_1328, %broadcast_in_dim3A_1303] : memref<2560x32xf32, #tpu.memory_space<vmem>>[vector<16xi32>, vector<16xi32>], vector<16xf32>,
      %mul3A_1330 = arith.mulf %gather3A_1304, %gather3A_1329 : vector<16xf32>
      %add3A_1331 = arith.addf %add3A_1295, %mul3A_1330 : vector<16xf32>
      %add3A_1332 = arith.constant 4 : i32
      %add3A_1333 = vector.broadcast %add3A_1332 : i32 to vector<16xi32>
      %add3A_1334 = arith.addi %mul3A_463, %add3A_1333 : vector<16xi32>
      %gather3A_1335 = tpu.vector_load_idx %arg14[%add3A_1334, %broadcast_in_dim3A_1303] : memref<2560x32xf32, #tpu.memory_space<vmem>>[vector<16xi32>, vector<16xi32>], vector<16xf32>,
      %mul3A_1336 = arith.mulf %gather3A_1304, %gather3A_1335 : vector<16xf32>
      %add3A_1337 = arith.addf %add3A_1301, %mul3A_1336 : vector<16xf32>
      %broadcast_in_dim3A_1338 = arith.constant 24 : i32
      %broadcast_in_dim3A_1339 = vector.broadcast %broadcast_in_dim3A_1338 : i32 to vector<16xi32>
      %gather3A_1340 = tpu.vector_load_idx %arg12[%add3A_460, %broadcast_in_dim3A_1339] : memref<512x32xf32, #tpu.memory_space<vmem>>[vector<16xi32>, vector<16xi32>], vector<16xf32>,
      %gather3A_1341 = tpu.vector_load_idx %arg13[%add3A_460, %broadcast_in_dim3A_1339] : memref<512x32xf32, #tpu.memory_space<vmem>>[vector<16xi32>, vector<16xi32>], vector<16xf32>,
      %mul3A_1342 = arith.mulf %gather3A_1340, %gather3A_1341 : vector<16xf32>
      %add3A_1343 = arith.addf %add3A_1307, %mul3A_1342 : vector<16xf32>
      %add3A_1344 = arith.constant 0 : i32
      %add3A_1345 = vector.broadcast %add3A_1344 : i32 to vector<16xi32>
      %add3A_1346 = arith.addi %mul3A_463, %add3A_1345 : vector<16xi32>
      %gather3A_1347 = tpu.vector_load_idx %arg14[%add3A_1346, %broadcast_in_dim3A_1339] : memref<2560x32xf32, #tpu.memory_space<vmem>>[vector<16xi32>, vector<16xi32>], vector<16xf32>,
      %mul3A_1348 = arith.mulf %gather3A_1340, %gather3A_1347 : vector<16xf32>
      %add3A_1349 = arith.addf %add3A_1313, %mul3A_1348 : vector<16xf32>
      %add3A_1350 = arith.constant 1 : i32
      %add3A_1351 = vector.broadcast %add3A_1350 : i32 to vector<16xi32>
      %add3A_1352 = arith.addi %mul3A_463, %add3A_1351 : vector<16xi32>
      %gather3A_1353 = tpu.vector_load_idx %arg14[%add3A_1352, %broadcast_in_dim3A_1339] : memref<2560x32xf32, #tpu.memory_space<vmem>>[vector<16xi32>, vector<16xi32>], vector<16xf32>,
      %mul3A_1354 = arith.mulf %gather3A_1340, %gather3A_1353 : vector<16xf32>
      %add3A_1355 = arith.addf %add3A_1319, %mul3A_1354 : vector<16xf32>
      %add3A_1356 = arith.constant 2 : i32
      %add3A_1357 = vector.broadcast %add3A_1356 : i32 to vector<16xi32>
      %add3A_1358 = arith.addi %mul3A_463, %add3A_1357 : vector<16xi32>
      %gather3A_1359 = tpu.vector_load_idx %arg14[%add3A_1358, %broadcast_in_dim3A_1339] : memref<2560x32xf32, #tpu.memory_space<vmem>>[vector<16xi32>, vector<16xi32>], vector<16xf32>,
      %mul3A_1360 = arith.mulf %gather3A_1340, %gather3A_1359 : vector<16xf32>
      %add3A_1361 = arith.addf %add3A_1325, %mul3A_1360 : vector<16xf32>
      %add3A_1362 = arith.constant 3 : i32
      %add3A_1363 = vector.broadcast %add3A_1362 : i32 to vector<16xi32>
      %add3A_1364 = arith.addi %mul3A_463, %add3A_1363 : vector<16xi32>
      %gather3A_1365 = tpu.vector_load_idx %arg14[%add3A_1364, %broadcast_in_dim3A_1339] : memref<2560x32xf32, #tpu.memory_space<vmem>>[vector<16xi32>, vector<16xi32>], vector<16xf32>,
      %mul3A_1366 = arith.mulf %gather3A_1340, %gather3A_1365 : vector<16xf32>
      %add3A_1367 = arith.addf %add3A_1331, %mul3A_1366 : vector<16xf32>
      %add3A_1368 = arith.constant 4 : i32
      %add3A_1369 = vector.broadcast %add3A_1368 : i32 to vector<16xi32>
      %add3A_1370 = arith.addi %mul3A_463, %add3A_1369 : vector<16xi32>
      %gather3A_1371 = tpu.vector_load_idx %arg14[%add3A_1370, %broadcast_in_dim3A_1339] : memref<2560x32xf32, #tpu.memory_space<vmem>>[vector<16xi32>, vector<16xi32>], vector<16xf32>,
      %mul3A_1372 = arith.mulf %gather3A_1340, %gather3A_1371 : vector<16xf32>
      %add3A_1373 = arith.addf %add3A_1337, %mul3A_1372 : vector<16xf32>
      %broadcast_in_dim3A_1374 = arith.constant 25 : i32
      %broadcast_in_dim3A_1375 = vector.broadcast %broadcast_in_dim3A_1374 : i32 to vector<16xi32>
      %gather3A_1376 = tpu.vector_load_idx %arg12[%add3A_460, %broadcast_in_dim3A_1375] : memref<512x32xf32, #tpu.memory_space<vmem>>[vector<16xi32>, vector<16xi32>], vector<16xf32>,
      %gather3A_1377 = tpu.vector_load_idx %arg13[%add3A_460, %broadcast_in_dim3A_1375] : memref<512x32xf32, #tpu.memory_space<vmem>>[vector<16xi32>, vector<16xi32>], vector<16xf32>,
      %mul3A_1378 = arith.mulf %gather3A_1376, %gather3A_1377 : vector<16xf32>
      %add3A_1379 = arith.addf %add3A_1343, %mul3A_1378 : vector<16xf32>
      %add3A_1380 = arith.constant 0 : i32
      %add3A_1381 = vector.broadcast %add3A_1380 : i32 to vector<16xi32>
      %add3A_1382 = arith.addi %mul3A_463, %add3A_1381 : vector<16xi32>
      %gather3A_1383 = tpu.vector_load_idx %arg14[%add3A_1382, %broadcast_in_dim3A_1375] : memref<2560x32xf32, #tpu.memory_space<vmem>>[vector<16xi32>, vector<16xi32>], vector<16xf32>,
      %mul3A_1384 = arith.mulf %gather3A_1376, %gather3A_1383 : vector<16xf32>
      %add3A_1385 = arith.addf %add3A_1349, %mul3A_1384 : vector<16xf32>
      %add3A_1386 = arith.constant 1 : i32
      %add3A_1387 = vector.broadcast %add3A_1386 : i32 to vector<16xi32>
      %add3A_1388 = arith.addi %mul3A_463, %add3A_1387 : vector<16xi32>
      %gather3A_1389 = tpu.vector_load_idx %arg14[%add3A_1388, %broadcast_in_dim3A_1375] : memref<2560x32xf32, #tpu.memory_space<vmem>>[vector<16xi32>, vector<16xi32>], vector<16xf32>,
      %mul3A_1390 = arith.mulf %gather3A_1376, %gather3A_1389 : vector<16xf32>
      %add3A_1391 = arith.addf %add3A_1355, %mul3A_1390 : vector<16xf32>
      %add3A_1392 = arith.constant 2 : i32
      %add3A_1393 = vector.broadcast %add3A_1392 : i32 to vector<16xi32>
      %add3A_1394 = arith.addi %mul3A_463, %add3A_1393 : vector<16xi32>
      %gather3A_1395 = tpu.vector_load_idx %arg14[%add3A_1394, %broadcast_in_dim3A_1375] : memref<2560x32xf32, #tpu.memory_space<vmem>>[vector<16xi32>, vector<16xi32>], vector<16xf32>,
      %mul3A_1396 = arith.mulf %gather3A_1376, %gather3A_1395 : vector<16xf32>
      %add3A_1397 = arith.addf %add3A_1361, %mul3A_1396 : vector<16xf32>
      %add3A_1398 = arith.constant 3 : i32
      %add3A_1399 = vector.broadcast %add3A_1398 : i32 to vector<16xi32>
      %add3A_1400 = arith.addi %mul3A_463, %add3A_1399 : vector<16xi32>
      %gather3A_1401 = tpu.vector_load_idx %arg14[%add3A_1400, %broadcast_in_dim3A_1375] : memref<2560x32xf32, #tpu.memory_space<vmem>>[vector<16xi32>, vector<16xi32>], vector<16xf32>,
      %mul3A_1402 = arith.mulf %gather3A_1376, %gather3A_1401 : vector<16xf32>
      %add3A_1403 = arith.addf %add3A_1367, %mul3A_1402 : vector<16xf32>
      %add3A_1404 = arith.constant 4 : i32
      %add3A_1405 = vector.broadcast %add3A_1404 : i32 to vector<16xi32>
      %add3A_1406 = arith.addi %mul3A_463, %add3A_1405 : vector<16xi32>
      %gather3A_1407 = tpu.vector_load_idx %arg14[%add3A_1406, %broadcast_in_dim3A_1375] : memref<2560x32xf32, #tpu.memory_space<vmem>>[vector<16xi32>, vector<16xi32>], vector<16xf32>,
      %mul3A_1408 = arith.mulf %gather3A_1376, %gather3A_1407 : vector<16xf32>
      %add3A_1409 = arith.addf %add3A_1373, %mul3A_1408 : vector<16xf32>
      %broadcast_in_dim3A_1410 = arith.constant 26 : i32
      %broadcast_in_dim3A_1411 = vector.broadcast %broadcast_in_dim3A_1410 : i32 to vector<16xi32>
      %gather3A_1412 = tpu.vector_load_idx %arg12[%add3A_460, %broadcast_in_dim3A_1411] : memref<512x32xf32, #tpu.memory_space<vmem>>[vector<16xi32>, vector<16xi32>], vector<16xf32>,
      %gather3A_1413 = tpu.vector_load_idx %arg13[%add3A_460, %broadcast_in_dim3A_1411] : memref<512x32xf32, #tpu.memory_space<vmem>>[vector<16xi32>, vector<16xi32>], vector<16xf32>,
      %mul3A_1414 = arith.mulf %gather3A_1412, %gather3A_1413 : vector<16xf32>
      %add3A_1415 = arith.addf %add3A_1379, %mul3A_1414 : vector<16xf32>
      %add3A_1416 = arith.constant 0 : i32
      %add3A_1417 = vector.broadcast %add3A_1416 : i32 to vector<16xi32>
      %add3A_1418 = arith.addi %mul3A_463, %add3A_1417 : vector<16xi32>
      %gather3A_1419 = tpu.vector_load_idx %arg14[%add3A_1418, %broadcast_in_dim3A_1411] : memref<2560x32xf32, #tpu.memory_space<vmem>>[vector<16xi32>, vector<16xi32>], vector<16xf32>,
      %mul3A_1420 = arith.mulf %gather3A_1412, %gather3A_1419 : vector<16xf32>
      %add3A_1421 = arith.addf %add3A_1385, %mul3A_1420 : vector<16xf32>
      %add3A_1422 = arith.constant 1 : i32
      %add3A_1423 = vector.broadcast %add3A_1422 : i32 to vector<16xi32>
      %add3A_1424 = arith.addi %mul3A_463, %add3A_1423 : vector<16xi32>
      %gather3A_1425 = tpu.vector_load_idx %arg14[%add3A_1424, %broadcast_in_dim3A_1411] : memref<2560x32xf32, #tpu.memory_space<vmem>>[vector<16xi32>, vector<16xi32>], vector<16xf32>,
      %mul3A_1426 = arith.mulf %gather3A_1412, %gather3A_1425 : vector<16xf32>
      %add3A_1427 = arith.addf %add3A_1391, %mul3A_1426 : vector<16xf32>
      %add3A_1428 = arith.constant 2 : i32
      %add3A_1429 = vector.broadcast %add3A_1428 : i32 to vector<16xi32>
      %add3A_1430 = arith.addi %mul3A_463, %add3A_1429 : vector<16xi32>
      %gather3A_1431 = tpu.vector_load_idx %arg14[%add3A_1430, %broadcast_in_dim3A_1411] : memref<2560x32xf32, #tpu.memory_space<vmem>>[vector<16xi32>, vector<16xi32>], vector<16xf32>,
      %mul3A_1432 = arith.mulf %gather3A_1412, %gather3A_1431 : vector<16xf32>
      %add3A_1433 = arith.addf %add3A_1397, %mul3A_1432 : vector<16xf32>
      %add3A_1434 = arith.constant 3 : i32
      %add3A_1435 = vector.broadcast %add3A_1434 : i32 to vector<16xi32>
      %add3A_1436 = arith.addi %mul3A_463, %add3A_1435 : vector<16xi32>
      %gather3A_1437 = tpu.vector_load_idx %arg14[%add3A_1436, %broadcast_in_dim3A_1411] : memref<2560x32xf32, #tpu.memory_space<vmem>>[vector<16xi32>, vector<16xi32>], vector<16xf32>,
      %mul3A_1438 = arith.mulf %gather3A_1412, %gather3A_1437 : vector<16xf32>
      %add3A_1439 = arith.addf %add3A_1403, %mul3A_1438 : vector<16xf32>
      %add3A_1440 = arith.constant 4 : i32
      %add3A_1441 = vector.broadcast %add3A_1440 : i32 to vector<16xi32>
      %add3A_1442 = arith.addi %mul3A_463, %add3A_1441 : vector<16xi32>
      %gather3A_1443 = tpu.vector_load_idx %arg14[%add3A_1442, %broadcast_in_dim3A_1411] : memref<2560x32xf32, #tpu.memory_space<vmem>>[vector<16xi32>, vector<16xi32>], vector<16xf32>,
      %mul3A_1444 = arith.mulf %gather3A_1412, %gather3A_1443 : vector<16xf32>
      %add3A_1445 = arith.addf %add3A_1409, %mul3A_1444 : vector<16xf32>
      %broadcast_in_dim3A_1446 = arith.constant 27 : i32
      %broadcast_in_dim3A_1447 = vector.broadcast %broadcast_in_dim3A_1446 : i32 to vector<16xi32>
      %gather3A_1448 = tpu.vector_load_idx %arg12[%add3A_460, %broadcast_in_dim3A_1447] : memref<512x32xf32, #tpu.memory_space<vmem>>[vector<16xi32>, vector<16xi32>], vector<16xf32>,
      %gather3A_1449 = tpu.vector_load_idx %arg13[%add3A_460, %broadcast_in_dim3A_1447] : memref<512x32xf32, #tpu.memory_space<vmem>>[vector<16xi32>, vector<16xi32>], vector<16xf32>,
      %mul3A_1450 = arith.mulf %gather3A_1448, %gather3A_1449 : vector<16xf32>
      %add3A_1451 = arith.addf %add3A_1415, %mul3A_1450 : vector<16xf32>
      %add3A_1452 = arith.constant 0 : i32
      %add3A_1453 = vector.broadcast %add3A_1452 : i32 to vector<16xi32>
      %add3A_1454 = arith.addi %mul3A_463, %add3A_1453 : vector<16xi32>
      %gather3A_1455 = tpu.vector_load_idx %arg14[%add3A_1454, %broadcast_in_dim3A_1447] : memref<2560x32xf32, #tpu.memory_space<vmem>>[vector<16xi32>, vector<16xi32>], vector<16xf32>,
      %mul3A_1456 = arith.mulf %gather3A_1448, %gather3A_1455 : vector<16xf32>
      %add3A_1457 = arith.addf %add3A_1421, %mul3A_1456 : vector<16xf32>
      %add3A_1458 = arith.constant 1 : i32
      %add3A_1459 = vector.broadcast %add3A_1458 : i32 to vector<16xi32>
      %add3A_1460 = arith.addi %mul3A_463, %add3A_1459 : vector<16xi32>
      %gather3A_1461 = tpu.vector_load_idx %arg14[%add3A_1460, %broadcast_in_dim3A_1447] : memref<2560x32xf32, #tpu.memory_space<vmem>>[vector<16xi32>, vector<16xi32>], vector<16xf32>,
      %mul3A_1462 = arith.mulf %gather3A_1448, %gather3A_1461 : vector<16xf32>
      %add3A_1463 = arith.addf %add3A_1427, %mul3A_1462 : vector<16xf32>
      %add3A_1464 = arith.constant 2 : i32
      %add3A_1465 = vector.broadcast %add3A_1464 : i32 to vector<16xi32>
      %add3A_1466 = arith.addi %mul3A_463, %add3A_1465 : vector<16xi32>
      %gather3A_1467 = tpu.vector_load_idx %arg14[%add3A_1466, %broadcast_in_dim3A_1447] : memref<2560x32xf32, #tpu.memory_space<vmem>>[vector<16xi32>, vector<16xi32>], vector<16xf32>,
      %mul3A_1468 = arith.mulf %gather3A_1448, %gather3A_1467 : vector<16xf32>
      %add3A_1469 = arith.addf %add3A_1433, %mul3A_1468 : vector<16xf32>
      %add3A_1470 = arith.constant 3 : i32
      %add3A_1471 = vector.broadcast %add3A_1470 : i32 to vector<16xi32>
      %add3A_1472 = arith.addi %mul3A_463, %add3A_1471 : vector<16xi32>
      %gather3A_1473 = tpu.vector_load_idx %arg14[%add3A_1472, %broadcast_in_dim3A_1447] : memref<2560x32xf32, #tpu.memory_space<vmem>>[vector<16xi32>, vector<16xi32>], vector<16xf32>,
      %mul3A_1474 = arith.mulf %gather3A_1448, %gather3A_1473 : vector<16xf32>
      %add3A_1475 = arith.addf %add3A_1439, %mul3A_1474 : vector<16xf32>
      %add3A_1476 = arith.constant 4 : i32
      %add3A_1477 = vector.broadcast %add3A_1476 : i32 to vector<16xi32>
      %add3A_1478 = arith.addi %mul3A_463, %add3A_1477 : vector<16xi32>
      %gather3A_1479 = tpu.vector_load_idx %arg14[%add3A_1478, %broadcast_in_dim3A_1447] : memref<2560x32xf32, #tpu.memory_space<vmem>>[vector<16xi32>, vector<16xi32>], vector<16xf32>,
      %mul3A_1480 = arith.mulf %gather3A_1448, %gather3A_1479 : vector<16xf32>
      %add3A_1481 = arith.addf %add3A_1445, %mul3A_1480 : vector<16xf32>
      %broadcast_in_dim3A_1482 = arith.constant 28 : i32
      %broadcast_in_dim3A_1483 = vector.broadcast %broadcast_in_dim3A_1482 : i32 to vector<16xi32>
      %gather3A_1484 = tpu.vector_load_idx %arg12[%add3A_460, %broadcast_in_dim3A_1483] : memref<512x32xf32, #tpu.memory_space<vmem>>[vector<16xi32>, vector<16xi32>], vector<16xf32>,
      %gather3A_1485 = tpu.vector_load_idx %arg13[%add3A_460, %broadcast_in_dim3A_1483] : memref<512x32xf32, #tpu.memory_space<vmem>>[vector<16xi32>, vector<16xi32>], vector<16xf32>,
      %mul3A_1486 = arith.mulf %gather3A_1484, %gather3A_1485 : vector<16xf32>
      %add3A_1487 = arith.addf %add3A_1451, %mul3A_1486 : vector<16xf32>
      %add3A_1488 = arith.constant 0 : i32
      %add3A_1489 = vector.broadcast %add3A_1488 : i32 to vector<16xi32>
      %add3A_1490 = arith.addi %mul3A_463, %add3A_1489 : vector<16xi32>
      %gather3A_1491 = tpu.vector_load_idx %arg14[%add3A_1490, %broadcast_in_dim3A_1483] : memref<2560x32xf32, #tpu.memory_space<vmem>>[vector<16xi32>, vector<16xi32>], vector<16xf32>,
      %mul3A_1492 = arith.mulf %gather3A_1484, %gather3A_1491 : vector<16xf32>
      %add3A_1493 = arith.addf %add3A_1457, %mul3A_1492 : vector<16xf32>
      %add3A_1494 = arith.constant 1 : i32
      %add3A_1495 = vector.broadcast %add3A_1494 : i32 to vector<16xi32>
      %add3A_1496 = arith.addi %mul3A_463, %add3A_1495 : vector<16xi32>
      %gather3A_1497 = tpu.vector_load_idx %arg14[%add3A_1496, %broadcast_in_dim3A_1483] : memref<2560x32xf32, #tpu.memory_space<vmem>>[vector<16xi32>, vector<16xi32>], vector<16xf32>,
      %mul3A_1498 = arith.mulf %gather3A_1484, %gather3A_1497 : vector<16xf32>
      %add3A_1499 = arith.addf %add3A_1463, %mul3A_1498 : vector<16xf32>
      %add3A_1500 = arith.constant 2 : i32
      %add3A_1501 = vector.broadcast %add3A_1500 : i32 to vector<16xi32>
      %add3A_1502 = arith.addi %mul3A_463, %add3A_1501 : vector<16xi32>
      %gather3A_1503 = tpu.vector_load_idx %arg14[%add3A_1502, %broadcast_in_dim3A_1483] : memref<2560x32xf32, #tpu.memory_space<vmem>>[vector<16xi32>, vector<16xi32>], vector<16xf32>,
      %mul3A_1504 = arith.mulf %gather3A_1484, %gather3A_1503 : vector<16xf32>
      %add3A_1505 = arith.addf %add3A_1469, %mul3A_1504 : vector<16xf32>
      %add3A_1506 = arith.constant 3 : i32
      %add3A_1507 = vector.broadcast %add3A_1506 : i32 to vector<16xi32>
      %add3A_1508 = arith.addi %mul3A_463, %add3A_1507 : vector<16xi32>
      %gather3A_1509 = tpu.vector_load_idx %arg14[%add3A_1508, %broadcast_in_dim3A_1483] : memref<2560x32xf32, #tpu.memory_space<vmem>>[vector<16xi32>, vector<16xi32>], vector<16xf32>,
      %mul3A_1510 = arith.mulf %gather3A_1484, %gather3A_1509 : vector<16xf32>
      %add3A_1511 = arith.addf %add3A_1475, %mul3A_1510 : vector<16xf32>
      %add3A_1512 = arith.constant 4 : i32
      %add3A_1513 = vector.broadcast %add3A_1512 : i32 to vector<16xi32>
      %add3A_1514 = arith.addi %mul3A_463, %add3A_1513 : vector<16xi32>
      %gather3A_1515 = tpu.vector_load_idx %arg14[%add3A_1514, %broadcast_in_dim3A_1483] : memref<2560x32xf32, #tpu.memory_space<vmem>>[vector<16xi32>, vector<16xi32>], vector<16xf32>,
      %mul3A_1516 = arith.mulf %gather3A_1484, %gather3A_1515 : vector<16xf32>
      %add3A_1517 = arith.addf %add3A_1481, %mul3A_1516 : vector<16xf32>
      %broadcast_in_dim3A_1518 = arith.constant 29 : i32
      %broadcast_in_dim3A_1519 = vector.broadcast %broadcast_in_dim3A_1518 : i32 to vector<16xi32>
      %gather3A_1520 = tpu.vector_load_idx %arg12[%add3A_460, %broadcast_in_dim3A_1519] : memref<512x32xf32, #tpu.memory_space<vmem>>[vector<16xi32>, vector<16xi32>], vector<16xf32>,
      %gather3A_1521 = tpu.vector_load_idx %arg13[%add3A_460, %broadcast_in_dim3A_1519] : memref<512x32xf32, #tpu.memory_space<vmem>>[vector<16xi32>, vector<16xi32>], vector<16xf32>,
      %mul3A_1522 = arith.mulf %gather3A_1520, %gather3A_1521 : vector<16xf32>
      %add3A_1523 = arith.addf %add3A_1487, %mul3A_1522 : vector<16xf32>
      %add3A_1524 = arith.constant 0 : i32
      %add3A_1525 = vector.broadcast %add3A_1524 : i32 to vector<16xi32>
      %add3A_1526 = arith.addi %mul3A_463, %add3A_1525 : vector<16xi32>
      %gather3A_1527 = tpu.vector_load_idx %arg14[%add3A_1526, %broadcast_in_dim3A_1519] : memref<2560x32xf32, #tpu.memory_space<vmem>>[vector<16xi32>, vector<16xi32>], vector<16xf32>,
      %mul3A_1528 = arith.mulf %gather3A_1520, %gather3A_1527 : vector<16xf32>
      %add3A_1529 = arith.addf %add3A_1493, %mul3A_1528 : vector<16xf32>
      %add3A_1530 = arith.constant 1 : i32
      %add3A_1531 = vector.broadcast %add3A_1530 : i32 to vector<16xi32>
      %add3A_1532 = arith.addi %mul3A_463, %add3A_1531 : vector<16xi32>
      %gather3A_1533 = tpu.vector_load_idx %arg14[%add3A_1532, %broadcast_in_dim3A_1519] : memref<2560x32xf32, #tpu.memory_space<vmem>>[vector<16xi32>, vector<16xi32>], vector<16xf32>,
      %mul3A_1534 = arith.mulf %gather3A_1520, %gather3A_1533 : vector<16xf32>
      %add3A_1535 = arith.addf %add3A_1499, %mul3A_1534 : vector<16xf32>
      %add3A_1536 = arith.constant 2 : i32
      %add3A_1537 = vector.broadcast %add3A_1536 : i32 to vector<16xi32>
      %add3A_1538 = arith.addi %mul3A_463, %add3A_1537 : vector<16xi32>
      %gather3A_1539 = tpu.vector_load_idx %arg14[%add3A_1538, %broadcast_in_dim3A_1519] : memref<2560x32xf32, #tpu.memory_space<vmem>>[vector<16xi32>, vector<16xi32>], vector<16xf32>,
      %mul3A_1540 = arith.mulf %gather3A_1520, %gather3A_1539 : vector<16xf32>
      %add3A_1541 = arith.addf %add3A_1505, %mul3A_1540 : vector<16xf32>
      %add3A_1542 = arith.constant 3 : i32
      %add3A_1543 = vector.broadcast %add3A_1542 : i32 to vector<16xi32>
      %add3A_1544 = arith.addi %mul3A_463, %add3A_1543 : vector<16xi32>
      %gather3A_1545 = tpu.vector_load_idx %arg14[%add3A_1544, %broadcast_in_dim3A_1519] : memref<2560x32xf32, #tpu.memory_space<vmem>>[vector<16xi32>, vector<16xi32>], vector<16xf32>,
      %mul3A_1546 = arith.mulf %gather3A_1520, %gather3A_1545 : vector<16xf32>
      %add3A_1547 = arith.addf %add3A_1511, %mul3A_1546 : vector<16xf32>
      %add3A_1548 = arith.constant 4 : i32
      %add3A_1549 = vector.broadcast %add3A_1548 : i32 to vector<16xi32>
      %add3A_1550 = arith.addi %mul3A_463, %add3A_1549 : vector<16xi32>
      %gather3A_1551 = tpu.vector_load_idx %arg14[%add3A_1550, %broadcast_in_dim3A_1519] : memref<2560x32xf32, #tpu.memory_space<vmem>>[vector<16xi32>, vector<16xi32>], vector<16xf32>,
      %mul3A_1552 = arith.mulf %gather3A_1520, %gather3A_1551 : vector<16xf32>
      %add3A_1553 = arith.addf %add3A_1517, %mul3A_1552 : vector<16xf32>
      %broadcast_in_dim3A_1554 = arith.constant 30 : i32
      %broadcast_in_dim3A_1555 = vector.broadcast %broadcast_in_dim3A_1554 : i32 to vector<16xi32>
      %gather3A_1556 = tpu.vector_load_idx %arg12[%add3A_460, %broadcast_in_dim3A_1555] : memref<512x32xf32, #tpu.memory_space<vmem>>[vector<16xi32>, vector<16xi32>], vector<16xf32>,
      %gather3A_1557 = tpu.vector_load_idx %arg13[%add3A_460, %broadcast_in_dim3A_1555] : memref<512x32xf32, #tpu.memory_space<vmem>>[vector<16xi32>, vector<16xi32>], vector<16xf32>,
      %mul3A_1558 = arith.mulf %gather3A_1556, %gather3A_1557 : vector<16xf32>
      %add3A_1559 = arith.addf %add3A_1523, %mul3A_1558 : vector<16xf32>
      %add3A_1560 = arith.constant 0 : i32
      %add3A_1561 = vector.broadcast %add3A_1560 : i32 to vector<16xi32>
      %add3A_1562 = arith.addi %mul3A_463, %add3A_1561 : vector<16xi32>
      %gather3A_1563 = tpu.vector_load_idx %arg14[%add3A_1562, %broadcast_in_dim3A_1555] : memref<2560x32xf32, #tpu.memory_space<vmem>>[vector<16xi32>, vector<16xi32>], vector<16xf32>,
      %mul3A_1564 = arith.mulf %gather3A_1556, %gather3A_1563 : vector<16xf32>
      %add3A_1565 = arith.addf %add3A_1529, %mul3A_1564 : vector<16xf32>
      %add3A_1566 = arith.constant 1 : i32
      %add3A_1567 = vector.broadcast %add3A_1566 : i32 to vector<16xi32>
      %add3A_1568 = arith.addi %mul3A_463, %add3A_1567 : vector<16xi32>
      %gather3A_1569 = tpu.vector_load_idx %arg14[%add3A_1568, %broadcast_in_dim3A_1555] : memref<2560x32xf32, #tpu.memory_space<vmem>>[vector<16xi32>, vector<16xi32>], vector<16xf32>,
      %mul3A_1570 = arith.mulf %gather3A_1556, %gather3A_1569 : vector<16xf32>
      %add3A_1571 = arith.addf %add3A_1535, %mul3A_1570 : vector<16xf32>
      %add3A_1572 = arith.constant 2 : i32
      %add3A_1573 = vector.broadcast %add3A_1572 : i32 to vector<16xi32>
      %add3A_1574 = arith.addi %mul3A_463, %add3A_1573 : vector<16xi32>
      %gather3A_1575 = tpu.vector_load_idx %arg14[%add3A_1574, %broadcast_in_dim3A_1555] : memref<2560x32xf32, #tpu.memory_space<vmem>>[vector<16xi32>, vector<16xi32>], vector<16xf32>,
      %mul3A_1576 = arith.mulf %gather3A_1556, %gather3A_1575 : vector<16xf32>
      %add3A_1577 = arith.addf %add3A_1541, %mul3A_1576 : vector<16xf32>
      %add3A_1578 = arith.constant 3 : i32
      %add3A_1579 = vector.broadcast %add3A_1578 : i32 to vector<16xi32>
      %add3A_1580 = arith.addi %mul3A_463, %add3A_1579 : vector<16xi32>
      %gather3A_1581 = tpu.vector_load_idx %arg14[%add3A_1580, %broadcast_in_dim3A_1555] : memref<2560x32xf32, #tpu.memory_space<vmem>>[vector<16xi32>, vector<16xi32>], vector<16xf32>,
      %mul3A_1582 = arith.mulf %gather3A_1556, %gather3A_1581 : vector<16xf32>
      %add3A_1583 = arith.addf %add3A_1547, %mul3A_1582 : vector<16xf32>
      %add3A_1584 = arith.constant 4 : i32
      %add3A_1585 = vector.broadcast %add3A_1584 : i32 to vector<16xi32>
      %add3A_1586 = arith.addi %mul3A_463, %add3A_1585 : vector<16xi32>
      %gather3A_1587 = tpu.vector_load_idx %arg14[%add3A_1586, %broadcast_in_dim3A_1555] : memref<2560x32xf32, #tpu.memory_space<vmem>>[vector<16xi32>, vector<16xi32>], vector<16xf32>,
      %mul3A_1588 = arith.mulf %gather3A_1556, %gather3A_1587 : vector<16xf32>
      %add3A_1589 = arith.addf %add3A_1553, %mul3A_1588 : vector<16xf32>
      %broadcast_in_dim3A_1590 = arith.constant 31 : i32
      %broadcast_in_dim3A_1591 = vector.broadcast %broadcast_in_dim3A_1590 : i32 to vector<16xi32>
      %gather3A_1592 = tpu.vector_load_idx %arg12[%add3A_460, %broadcast_in_dim3A_1591] : memref<512x32xf32, #tpu.memory_space<vmem>>[vector<16xi32>, vector<16xi32>], vector<16xf32>,
      %gather3A_1593 = tpu.vector_load_idx %arg13[%add3A_460, %broadcast_in_dim3A_1591] : memref<512x32xf32, #tpu.memory_space<vmem>>[vector<16xi32>, vector<16xi32>], vector<16xf32>,
      %mul3A_1594 = arith.mulf %gather3A_1592, %gather3A_1593 : vector<16xf32>
      %add3A_1595 = arith.addf %add3A_1559, %mul3A_1594 : vector<16xf32>
      %add3A_1596 = arith.constant 0 : i32
      %add3A_1597 = vector.broadcast %add3A_1596 : i32 to vector<16xi32>
      %add3A_1598 = arith.addi %mul3A_463, %add3A_1597 : vector<16xi32>
      %gather3A_1599 = tpu.vector_load_idx %arg14[%add3A_1598, %broadcast_in_dim3A_1591] : memref<2560x32xf32, #tpu.memory_space<vmem>>[vector<16xi32>, vector<16xi32>], vector<16xf32>,
      %mul3A_1600 = arith.mulf %gather3A_1592, %gather3A_1599 : vector<16xf32>
      %add3A_1601 = arith.addf %add3A_1565, %mul3A_1600 : vector<16xf32>
      %add3A_1602 = arith.constant 1 : i32
      %add3A_1603 = vector.broadcast %add3A_1602 : i32 to vector<16xi32>
      %add3A_1604 = arith.addi %mul3A_463, %add3A_1603 : vector<16xi32>
      %gather3A_1605 = tpu.vector_load_idx %arg14[%add3A_1604, %broadcast_in_dim3A_1591] : memref<2560x32xf32, #tpu.memory_space<vmem>>[vector<16xi32>, vector<16xi32>], vector<16xf32>,
      %mul3A_1606 = arith.mulf %gather3A_1592, %gather3A_1605 : vector<16xf32>
      %add3A_1607 = arith.addf %add3A_1571, %mul3A_1606 : vector<16xf32>
      %add3A_1608 = arith.constant 2 : i32
      %add3A_1609 = vector.broadcast %add3A_1608 : i32 to vector<16xi32>
      %add3A_1610 = arith.addi %mul3A_463, %add3A_1609 : vector<16xi32>
      %gather3A_1611 = tpu.vector_load_idx %arg14[%add3A_1610, %broadcast_in_dim3A_1591] : memref<2560x32xf32, #tpu.memory_space<vmem>>[vector<16xi32>, vector<16xi32>], vector<16xf32>,
      %mul3A_1612 = arith.mulf %gather3A_1592, %gather3A_1611 : vector<16xf32>
      %add3A_1613 = arith.addf %add3A_1577, %mul3A_1612 : vector<16xf32>
      %add3A_1614 = arith.constant 3 : i32
      %add3A_1615 = vector.broadcast %add3A_1614 : i32 to vector<16xi32>
      %add3A_1616 = arith.addi %mul3A_463, %add3A_1615 : vector<16xi32>
      %gather3A_1617 = tpu.vector_load_idx %arg14[%add3A_1616, %broadcast_in_dim3A_1591] : memref<2560x32xf32, #tpu.memory_space<vmem>>[vector<16xi32>, vector<16xi32>], vector<16xf32>,
      %mul3A_1618 = arith.mulf %gather3A_1592, %gather3A_1617 : vector<16xf32>
      %add3A_1619 = arith.addf %add3A_1583, %mul3A_1618 : vector<16xf32>
      %add3A_1620 = arith.constant 4 : i32
      %add3A_1621 = vector.broadcast %add3A_1620 : i32 to vector<16xi32>
      %add3A_1622 = arith.addi %mul3A_463, %add3A_1621 : vector<16xi32>
      %gather3A_1623 = tpu.vector_load_idx %arg14[%add3A_1622, %broadcast_in_dim3A_1591] : memref<2560x32xf32, #tpu.memory_space<vmem>>[vector<16xi32>, vector<16xi32>], vector<16xf32>,
      %mul3A_1624 = arith.mulf %gather3A_1592, %gather3A_1623 : vector<16xf32>
      %add3A_1625 = arith.addf %add3A_1589, %mul3A_1624 : vector<16xf32>
      %mul3A_1626 = arith.constant 16 : i32
      %mul3A_1627 = arith.muli %scan3A_456, %mul3A_1626 : i32
      %swap3A = arith.index_cast %mul3A_1627 : i32 to index
      %swap3A_1628 = tpu.vector_load %arg15[%swap3A] {strides = array<i32>} : memref<512xf32, #tpu.memory_space<vmem>>, vector<16xf32>,
      tpu.vector_store %arg15[%swap3A], %add3A_1595 {strides = array<i32>} : memref<512xf32, #tpu.memory_space<vmem>>, vector<16xf32>,
      %mul3A_1629 = arith.constant 16 : i32
      %mul3A_1630 = arith.muli %scan3A_456, %mul3A_1629 : i32
      %add3A_1631 = arith.constant 0 : i32
      %add3A_1632 = arith.addi %add3A_1631, %mul3A_1630 : i32
      %swap3A_1633 = arith.index_cast %add3A_1632 : i32 to index
      %swap3A_1634 = tpu.vector_load %arg16[%swap3A_1633] {strides = array<i32>} : memref<2560xf32, #tpu.memory_space<vmem>>, vector<16xf32>,
      tpu.vector_store %arg16[%swap3A_1633], %add3A_1601 {strides = array<i32>} : memref<2560xf32, #tpu.memory_space<vmem>>, vector<16xf32>,
      %mul3A_1635 = arith.constant 16 : i32
      %mul3A_1636 = arith.muli %scan3A_456, %mul3A_1635 : i32
      %add3A_1637 = arith.constant 512 : i32
      %add3A_1638 = arith.addi %add3A_1637, %mul3A_1636 : i32
      %swap3A_1639 = arith.index_cast %add3A_1638 : i32 to index
      %swap3A_1640 = tpu.vector_load %arg16[%swap3A_1639] {strides = array<i32>} : memref<2560xf32, #tpu.memory_space<vmem>>, vector<16xf32>,
      tpu.vector_store %arg16[%swap3A_1639], %add3A_1607 {strides = array<i32>} : memref<2560xf32, #tpu.memory_space<vmem>>, vector<16xf32>,
      %mul3A_1641 = arith.constant 16 : i32
      %mul3A_1642 = arith.muli %scan3A_456, %mul3A_1641 : i32
      %add3A_1643 = arith.constant 1024 : i32
      %add3A_1644 = arith.addi %add3A_1643, %mul3A_1642 : i32
      %swap3A_1645 = arith.index_cast %add3A_1644 : i32 to index
      %swap3A_1646 = tpu.vector_load %arg16[%swap3A_1645] {strides = array<i32>} : memref<2560xf32, #tpu.memory_space<vmem>>, vector<16xf32>,
      tpu.vector_store %arg16[%swap3A_1645], %add3A_1613 {strides = array<i32>} : memref<2560xf32, #tpu.memory_space<vmem>>, vector<16xf32>,
      %mul3A_1647 = arith.constant 16 : i32
      %mul3A_1648 = arith.muli %scan3A_456, %mul3A_1647 : i32
      %add3A_1649 = arith.constant 1536 : i32
      %add3A_1650 = arith.addi %add3A_1649, %mul3A_1648 : i32
      %swap3A_1651 = arith.index_cast %add3A_1650 : i32 to index
      %swap3A_1652 = tpu.vector_load %arg16[%swap3A_1651] {strides = array<i32>} : memref<2560xf32, #tpu.memory_space<vmem>>, vector<16xf32>,
      tpu.vector_store %arg16[%swap3A_1651], %add3A_1619 {strides = array<i32>} : memref<2560xf32, #tpu.memory_space<vmem>>, vector<16xf32>,
      %mul3A_1653 = arith.constant 16 : i32
      %mul3A_1654 = arith.muli %scan3A_456, %mul3A_1653 : i32
      %add3A_1655 = arith.constant 2048 : i32
      %add3A_1656 = arith.addi %add3A_1655, %mul3A_1654 : i32
      %swap3A_1657 = arith.index_cast %add3A_1656 : i32 to index
      %swap3A_1658 = tpu.vector_load %arg16[%swap3A_1657] {strides = array<i32>} : memref<2560xf32, #tpu.memory_space<vmem>>, vector<16xf32>,
      tpu.vector_store %arg16[%swap3A_1657], %add3A_1625 {strides = array<i32>} : memref<2560xf32, #tpu.memory_space<vmem>>, vector<16xf32>,
    }
    %scan3A_455 = arith.constant 32 : i32
    "tpu.region"() ({
      %run_scoped3A = tpu.sem_alloc : memref<!tpu.dma_semaphore, #tpu.memory_space<semaphore_mem>>
      %dma_start3A_456 = tpu.memref_slice %arg7[%mul3A_2] : memref<16384xf32, #tpu.memory_space<hbm>> -> memref<512xf32, #tpu.memory_space<hbm>>
      %dma_start3A_457 = tpu.memref_slice %arg7[%mul3A_2] : memref<16384xf32, #tpu.memory_space<hbm>> -> memref<512xf32, #tpu.memory_space<hbm>>
      tpu.enqueue_dma source(%arg15 : memref<512xf32, #tpu.memory_space<vmem>>) target(%dma_start3A_457 : memref<512xf32, #tpu.memory_space<hbm>>) target_semaphore(%run_scoped3A : memref<!tpu.dma_semaphore, #tpu.memory_space<semaphore_mem>>)
      %dma_wait3A_458 = tpu.memref_slice %arg7[%mul3A_2] : memref<16384xf32, #tpu.memory_space<hbm>> -> memref<512xf32, #tpu.memory_space<hbm>>
      %dma_wait3A_459 = tpu.memref_slice %arg7[%mul3A_2] : memref<16384xf32, #tpu.memory_space<hbm>> -> memref<512xf32, #tpu.memory_space<hbm>>
      tpu.wait_dma2 semaphore(%run_scoped3A : memref<!tpu.dma_semaphore, #tpu.memory_space<semaphore_mem>>) src(%arg15 : memref<512xf32, #tpu.memory_space<vmem>>) dst(%dma_wait3A_459 : memref<512xf32, #tpu.memory_space<hbm>>)
      tpu.yield
    }) : () -> ()
    "tpu.region"() ({
      %run_scoped3A = tpu.sem_alloc : memref<!tpu.dma_semaphore, #tpu.memory_space<semaphore_mem>>
      %dma_start3A_456 = tpu.memref_slice %arg8[%mul3A_4] : memref<81920xf32, #tpu.memory_space<hbm>> -> memref<2560xf32, #tpu.memory_space<hbm>>
      %dma_start3A_457 = tpu.memref_slice %arg8[%mul3A_4] : memref<81920xf32, #tpu.memory_space<hbm>> -> memref<2560xf32, #tpu.memory_space<hbm>>
      tpu.enqueue_dma source(%arg16 : memref<2560xf32, #tpu.memory_space<vmem>>) target(%dma_start3A_457 : memref<2560xf32, #tpu.memory_space<hbm>>) target_semaphore(%run_scoped3A : memref<!tpu.dma_semaphore, #tpu.memory_space<semaphore_mem>>)
      %dma_wait3A_458 = tpu.memref_slice %arg8[%mul3A_4] : memref<81920xf32, #tpu.memory_space<hbm>> -> memref<2560xf32, #tpu.memory_space<hbm>>
      %dma_wait3A_459 = tpu.memref_slice %arg8[%mul3A_4] : memref<81920xf32, #tpu.memory_space<hbm>> -> memref<2560xf32, #tpu.memory_space<hbm>>
      tpu.wait_dma2 semaphore(%run_scoped3A : memref<!tpu.dma_semaphore, #tpu.memory_space<semaphore_mem>>) src(%arg16 : memref<2560xf32, #tpu.memory_space<vmem>>) dst(%dma_wait3A_459 : memref<2560xf32, #tpu.memory_space<hbm>>)
      tpu.yield
    }) : () -> ()
    return
  }
}

module attributes {stable_mosaic.version = 14 : i64} {
  func.func @_finish_body(%arg0: memref<128x128xf32, #tpu.memory_space<vmem>>, %arg1: memref<640x128xf32, #tpu.memory_space<vmem>>, %arg2: memref<1x1xf32, #tpu.memory_space<vmem>>) attributes {dimension_semantics = [], scalar_prefetch = 0 : i64, scratch_operands = 0 : i64, tpu.core_type = #tpu.core_type<tc>} {
    %get3A = arith.constant 0 : index
    %get3A_0 = arith.constant 0 : index
    %get3A_1 = vector.load %arg0[%get3A, %get3A_0] : memref<128x128xf32, #tpu.memory_space<vmem>>, vector<128x128xf32>
    %jit3A = arith.constant -1.000000e+01 : f32
    %jit3A_2 = arith.constant 1.000000e+01 : f32
    %max3A = vector.broadcast %jit3A : f32 to vector<128x128xf32>
    %max3A_3 = arith.maximumf %max3A, %get3A_1 : vector<128x128xf32>
    %min3A = vector.broadcast %jit3A_2 : f32 to vector<128x128xf32>
    %min3A_4 = arith.minimumf %min3A, %max3A_3 : vector<128x128xf32>
    %get3A_5 = arith.constant 0 : index
    %get3A_6 = arith.constant 0 : index
    %get3A_7 = vector.load %arg1[%get3A_5, %get3A_6] : memref<640x128xf32, #tpu.memory_space<vmem>>, vector<640x128xf32>
    %jit3A_8 = arith.constant -1.000000e+01 : f32
    %jit3A_9 = arith.constant 1.000000e+01 : f32
    %max3A_10 = vector.broadcast %jit3A_8 : f32 to vector<640x128xf32>
    %max3A_11 = arith.maximumf %max3A_10, %get3A_7 : vector<640x128xf32>
    %min3A_12 = vector.broadcast %jit3A_9 : f32 to vector<640x128xf32>
    %min3A_13 = arith.minimumf %min3A_12, %max3A_11 : vector<640x128xf32>
    %neg3A = arith.constant 0.000000e+00 : f32
    %neg3A_14 = vector.broadcast %neg3A : f32 to vector<128x128xf32>
    %neg3A_15 = arith.subf %neg3A_14, %min3A_4 : vector<128x128xf32>
    %max3A_16 = arith.constant 0.000000e+00 : f32
    %max3A_17 = vector.broadcast %max3A_16 : f32 to vector<128x128xf32>
    %max3A_18 = arith.maximumf %neg3A_15, %max3A_17 : vector<128x128xf32>
    %abs3A = math.absf %min3A_4 : vector<128x128xf32>
    %neg3A_19 = arith.constant 0.000000e+00 : f32
    %neg3A_20 = vector.broadcast %neg3A_19 : f32 to vector<128x128xf32>
    %neg3A_21 = arith.subf %neg3A_20, %abs3A : vector<128x128xf32>
    %exp3A = math.exp %neg3A_21 : vector<128x128xf32>
    %log1p3A = math.log1p %exp3A : vector<128x128xf32>
    %add3A = arith.addf %max3A_18, %log1p3A : vector<128x128xf32>
    %max3A_22 = arith.constant 0.000000e+00 : f32
    %max3A_23 = vector.broadcast %max3A_22 : f32 to vector<640x128xf32>
    %max3A_24 = arith.maximumf %min3A_13, %max3A_23 : vector<640x128xf32>
    %abs3A_25 = math.absf %min3A_13 : vector<640x128xf32>
    %neg3A_26 = arith.constant 0.000000e+00 : f32
    %neg3A_27 = vector.broadcast %neg3A_26 : f32 to vector<640x128xf32>
    %neg3A_28 = arith.subf %neg3A_27, %abs3A_25 : vector<640x128xf32>
    %exp3A_29 = math.exp %neg3A_28 : vector<640x128xf32>
    %log1p3A_30 = math.log1p %exp3A_29 : vector<640x128xf32>
    %add3A_31 = arith.addf %max3A_24, %log1p3A_30 : vector<640x128xf32>
    %reduce_sum3A = vector.shape_cast %add3A : vector<128x128xf32> to vector<1x128x128xf32>
    %reduce_sum3A_32 = arith.constant dense<0.000000e+00> : vector<1xf32>
    %reduce_sum3A_33 = vector.multi_reduction <add>, %reduce_sum3A, %reduce_sum3A_32 [1, 2] : vector<1x128x128xf32> to vector<1xf32>
    %reduce_sum3A_34 = vector.shape_cast %reduce_sum3A_33 : vector<1xf32> to vector<1x1x1xf32>
    %reduce_sum3A_35 = vector.extract %reduce_sum3A_34[0, 0, 0] : f32 from vector<1x1x1xf32>
    %reduce_sum3A_36 = vector.shape_cast %add3A_31 : vector<640x128xf32> to vector<1x640x128xf32>
    %reduce_sum3A_37 = arith.constant dense<0.000000e+00> : vector<1xf32>
    %reduce_sum3A_38 = vector.multi_reduction <add>, %reduce_sum3A_36, %reduce_sum3A_37 [1, 2] : vector<1x640x128xf32> to vector<1xf32>
    %reduce_sum3A_39 = vector.shape_cast %reduce_sum3A_38 : vector<1xf32> to vector<1x1x1xf32>
    %reduce_sum3A_40 = vector.extract %reduce_sum3A_39[0, 0, 0] : f32 from vector<1x1x1xf32>
    %add3A_41 = arith.addf %reduce_sum3A_35, %reduce_sum3A_40 : f32
    %mul3A = arith.constant 6.10351563E-5 : f32
    %mul3A_42 = arith.mulf %add3A_41, %mul3A : f32
    %reshape3A = vector.broadcast %mul3A_42 : f32 to vector<1x1xf32>
    %swap3A = arith.constant 0 : index
    %swap3A_43 = arith.constant 0 : index
    %swap3A_44 = vector.load %arg2[%swap3A, %swap3A_43] : memref<1x1xf32, #tpu.memory_space<vmem>>, vector<1x1xf32>
    tpu.vector_store %arg2[%swap3A, %swap3A_43], %reshape3A {strides = array<i32>} : memref<1x1xf32, #tpu.memory_space<vmem>>, vector<1x1xf32>,
    return
  }
}

</mosaic_0001>

<sc_bundles>
// kernel: kernel.4.cloned.1.call-start
scs
__scs_entry_jumppad:
0x0: {  	(pc) =	sbr.rel $0x88, $3  }
0x1: {  	(tag) =	ssettag $0x0;
	lr =	simm.s32 $0x1  }
0x2: {  	[smem:$0x3F9C] =	sst lr;
	_ =	strace $0xD0000000  }
0x3: {  	_ = 	snop  }
0x4: {  	_ = 	snop  }
0x5: {  	_ = 	snop  }
0x6: {  	_ = 	snop  }
0x7: {  	_ = 	snop  }
__scs_overlays_trampoline_lowered:
0x8: {  	[smem:$0x3FAB] =	sst s0  }
0x9: {  	[smem:$0x3FAC] =	sst s1  }
0xa: {  	[smem:$0x3FAD] =	sst s2  }
0xb: {  	[smem:$0x3FAE] =	sst s3  }
0xc: {  	[smem:$0x3FAF] =	sst s4  }
0xd: {  	[smem:$0x3FB0] =	sst s5  }
0xe: {  	[smem:$0x3FB1] =	sst s6  }
0xf: {  	[smem:$0x3FB2] =	sst s7  }
0x10: {  	[smem:$0x3FB3] =	sst s8  }
0x11: {  	[smem:$0x3FB4] =	sst s9;
	s0 =	simm.s32 @!p0 $0x0  }
0x12: {  	s1 =	sld [smem:$0x3F9A];
	s0 =	simm.s32 @p0 $0x1  }
0x13: {  	[smem:$0x3FB5] =	sst s0;
	s0 =	simm.s32 @!p1 $0x0  }
0x14: {  	s2 =	sld [smem:$0x3F99];
	s0 =	simm.s32 @p1 $0x1  }
0x15: {  	[smem:$0x3FB6] =	sst s0;
	s0 =	simm.s32 @!p2 $0x0  }
0x16: {  	s3 =	sld [smem:$0x3FDB];
	s0 =	simm.s32 @p2 $0x1  }
0x17: {  	s4 =	simm.s32 $0x1BF5;
	[smem:$0x3FB8] =	sst s0  }
0x18: {  	s0 =	sld [smem:$0x3F9B];
	_ =	swait.ge [sflag:s4], $0x0  }
0x19: {  	s7 =	sld [smem:$0x3F9C]  }
0x1a: {  	s8 =	sadd.s32 $0xFFFFE003, lr  }
0x1b: {  	s9 =	sadd.s32 $0xFFFFFEF7, lr;
	s5 =	simm.s32 $0xFFFFFFFF;
	p2 =	slt.u32 s8, $0xFFFFF086  }
0x1c: {  	p1 =	slt.u32 s9, $0xF7A;
	s5 =	simm.s32 @!p2 $0x0  }
0x1d: {  	s5 =	simm.s32 @p1 $0x1;
	p0 =	seq.s32 s7, s2  }
0x1e: {  	s7 =	smul.u32 @!p0 $0xF7A, s2;
	p2 =	seq.s32 @!p0 s5, $0x0  }
0x1f: {  	s9 =	smul.u32 $0xF7A, s1;
	s8 =	simm.s32 @!p0 $0x1BF5;
	p2 =	por !p2, p0  }
0x20: {  	[sflag:s8] =	ssyncset.s32 @!p0 $0xFFFFF086;
	s6 =	sadd.s32 @!p0 s3, s7;
	s7 =	simm.s32 @!p0 $0x108  }
0x21: {  	s3 =	sadd.s32 s3, s9;
	s6 =	sadd.s32 @!p0 $0x88, s6;
	s7 =	simm.s32 @p2 $0x1082  }
0x22: {  	[simem:s7], [sflag:s8] =	dma.local @!p0 [hbm:s6], $0xF7A  }
0x23: {  	s9 =	sor.u32 $0xD0000000, s2;
	s6 =	simm.s32 $0x108;
	_ =	swait.ge @!p0 [sflag:s8], $0x0  }
0x24: {  	s3 =	sadd.s32 $0x88, s3;
	s6 =	simm.s32 @!p1 $0x1082;
	[sflag:s4] =	ssyncset.s32 $0xFFFFF086  }
0x25: {  	[simem:s6], [sflag:s4] =	dma.local [hbm:s3], $0xF7A  }
0x26: {  	[smem:$0x3F9C] =	sst s1;
	(tag) =	ssettag s2;
	_ =	strace s9  }
0x27: {  	s1 =	sld [smem:$0x3FAC]  }
0x28: {  	s2 =	sld [smem:$0x3FAD]  }
0x29: {  	s4 =	sld [smem:$0x3FAF]  }
0x2a: {  	p0 =	seq.s32 s5, $0x0;
	s5 =	sld [smem:$0x3FB0]  }
0x2b: {  	s6 =	sld [smem:$0x3FB1]  }
0x2c: {  	s7 =	sld [smem:$0x3FB2]  }
0x2d: {  	s3 =	simm.s32 $0x108;
	s8 =	sld [smem:$0x3FB3]  }
0x2e: {  	s3 =	simm.s32 @!p0 $0x1082;
	s9 =	sld [smem:$0x3FB4]  }
0x2f: {  	lr =	sadd.s32 s0, s3;
	s0 =	sld [smem:$0x3FAB]  }
0x30: {  	s3 =	sld [smem:$0x3FAE]  }
0x31: {  	[smem:$0x3FB7] =	sst s10  }
0x32: {  	s10 =	sld [smem:$0x3FB5];
	_ =	sdelay $0x3  }
0x33: {  	p0 =	seq.s32 s10, $0x1;
	s10 =	sld [smem:$0x3FB7];
	_ =	sdelay $0x3  }
0x34: {  	[smem:$0x3FB7] =	sst s10  }
0x35: {  	s10 =	sld [smem:$0x3FB6];
	_ =	sdelay $0x3  }
0x36: {  	p1 =	seq.s32 s10, $0x1;
	s10 =	sld [smem:$0x3FB7];
	_ =	sdelay $0x3  }
0x37: {  	[smem:$0x3FB7] =	sst s10  }
0x38: {  	s10 =	sld [smem:$0x3FB8]  }
0x39: {  	_ = 	snop;
	(pc) =	sbr.ind lr, $3  }
0x3a: {  	_ = 	snop  }
0x3b: {  	_ = 	snop  }
0x3c: {  	p2 =	seq.s32 s10, $0x1;
	s10 =	sld [smem:$0x3FB7]  }
0x3d: {  	_ =	shalt  }
0x3e: {  	_ =	shalt  }
0x3f: {  	_ =	shalt  }
0x40: {  	_ =	shalt  }
0x41: {  	_ =	shalt  }
0x42: {  	_ =	shalt  }
0x43: {  	_ =	shalt  }
0x44: {  	_ =	shalt  }
0x45: {  	_ =	shalt  }
0x46: {  	_ =	shalt  }
0x47: {  	_ =	shalt  }
0x48: {  	_ =	shalt  }
0x49: {  	_ =	shalt  }
0x4a: {  	_ =	shalt  }
0x4b: {  	_ =	shalt  }
0x4c: {  	_ =	shalt  }
0x4d: {  	_ =	shalt  }
0x4e: {  	_ =	shalt  }
0x4f: {  	_ =	shalt  }
0x50: {  	_ =	shalt  }
0x51: {  	_ =	shalt  }
0x52: {  	_ =	shalt  }
0x53: {  	_ =	shalt  }
0x54: {  	_ =	shalt  }
0x55: {  	_ =	shalt  }
0x56: {  	_ =	shalt  }
0x57: {  	_ =	shalt  }
0x58: {  	_ =	shalt  }
0x59: {  	_ =	shalt  }
0x5a: {  	_ =	shalt  }
0x5b: {  	_ =	shalt  }
0x5c: {  	_ =	shalt  }
0x5d: {  	_ =	shalt  }
0x5e: {  	_ =	shalt  }
0x5f: {  	_ =	shalt  }
0x60: {  	_ =	shalt  }
0x61: {  	_ =	shalt  }
0x62: {  	_ =	shalt  }
0x63: {  	_ =	shalt  }
0x64: {  	_ =	shalt  }
0x65: {  	_ =	shalt  }
0x66: {  	_ =	shalt  }
0x67: {  	_ =	shalt  }
0x68: {  	_ =	shalt  }
0x69: {  	_ =	shalt  }
0x6a: {  	_ =	shalt  }
0x6b: {  	_ =	shalt  }
0x6c: {  	_ =	shalt  }
0x6d: {  	_ =	shalt  }
0x6e: {  	_ =	shalt  }
0x6f: {  	_ =	shalt  }
0x70: {  	_ =	shalt  }
0x71: {  	_ =	shalt  }
0x72: {  	_ =	shalt  }
0x73: {  	_ =	shalt  }
0x74: {  	_ =	shalt  }
0x75: {  	_ =	shalt  }
0x76: {  	_ =	shalt  }
0x77: {  	_ =	shalt  }
0x78: {  	_ =	shalt  }
0x79: {  	_ =	shalt  }
0x7a: {  	_ =	shalt  }
0x7b: {  	_ =	shalt  }
0x7c: {  	_ =	shalt  }
0x7d: {  	_ =	shalt  }
0x7e: {  	_ =	shalt  }
0x7f: {  	_ =	shalt  }
0x80: {  	_ =	shalt  }
0x81: {  	_ =	shalt  }
0x82: {  	_ =	shalt  }
0x83: {  	_ =	shalt  }
0x84: {  	_ =	shalt  }
0x85: {  	_ =	shalt  }
0x86: {  	_ =	shalt  }
0x87: {  	_ =	shalt  }
.Lfunc_end0:
.L_simem_size_0:
called_computation_lowered:
.L_overlay_start_0:
0x88: {  	s2 =	sld [smem:$0x3FD9]  }
0x89: {  	s3 =	sld [smem:$0x3FFE];
	_ =	sdelay $0x1  }
0x8a: {  	s1 =	srdreg.scid  }
0x8b: {  	s0 =	sand.u32 $0x1, s1  }
0x8c: {  	s17 =	sshll.u32 s0, $0xA;
	s2 =	sadd.s32 s3, s2  }
0x8d: {  	s2 =	sadd.s32 s2, s17  }
0x8e: {  	[smem:$0x3FC3] =	sst s2  }
0x8f: {  	_ = 	snop  }
0x90: {  	s2 =	sld [smem:$0x3FC9]  }
0x91: {  	s18 =	sld [smem:$0x3FC8];
	(tm) =	ssettm $0x1  }
0x92: {  	s4 =	sld [smem:$0x3FFB];
	_ =	sdelay $0x3  }
0x93: {  	_ =	strace s4  }
0x94: {  	s4 =	sld [smem:$0x3FFC];
	_ =	sdelay $0x3  }
0x95: {  	_ =	strace s4  }
0x96: {  	s4 =	sld [smem:$0x3FFD];
	_ =	sdelay $0x3  }
0x97: {  	_ =	strace s4  }
0x98: {  	_ =	strace $0x8FFFFFFF  }
0x99: {  	s19 =	sld [smem:$0x3FDB];
	_ =	sdelay $0x1  }
0x9a: {  	s5 =	simm.s32 $_scs_section_size  }
0x9b: {  	s6 =	simm.s32 $_size__tile_overlayer_lowered;
	s7 =	simm.s32 $_tile_overlayer_lowered  }
0x9c: {  	s22 =	simm.s32 $0x1BFF;
	s21 =	sshll.u32 s7, $0x1;
	s4 =	sadd.s32 s5, s19  }
0x9d: {  	s8 =	simm.s32 $0x0;
	s20 =	sshll.u32 s6, $0x1;
	s6 =	sadd.s32 s21, s4  }
0x9e: {  	[timem:s8], [sflag:s22] =	dma.local [hbm:s6], s20  }
0x9f: {  	_ =	swait.ge [sflag:s22], s20  }
0xa0: {  	s5 =	ssub.s32 $0x0, s20;
	[sflag:s22] =	ssyncset.done $0x0  }
0xa1: {  	[sflag:s22] =	ssyncadd.s32 s5;
	_ =	sdelay $0x1  }
0xa2: {  	s23 =	simm.s32 $0x1B8B  }
0xa3: {  	_ =	swait.ge [sflag:s23], $0x1  }
0xa4: {  	[sflag:s23] =	ssyncset.done $0x0  }
0xa5: {  	s25 =	simm.s32 $0x1B8E;
	s24 =	sld [smem:$0x3FFE];
	[sflag:s23] =	ssyncadd.s32 $0xFFFFFFFF  }
0xa6: {  	s26 =	simm.s32 $execute0_lowered;
	[smem:$0x3FD2] =	sst s25  }
0xa7: {  	s6 =	sshll.u32 s26, $0x1;
	_ =	strace $0x80000046;
	[dreg:$0x1] =	wrdreg $0xFFFFFFFF  }
0xa8: {  	s28 =	simm.s32 $_size_execute0_lowered;
	s4 =	sadd.s32 s4, s6;
	[dreg:$0x0] =	wrdreg $0x0  }
0xa9: {  	s6 =	sshll.u32 s28, $0x1;
	[dreg:$0x2] =	wrdreg s4  }
0xaa: {  	[dreg:$0x3] =	wrdreg s6  }
0xab: {  	[dreg:$0x4] =	wrdreg $0xC0  }
0xac: {  	_ =	task [dreg:s8], $0x5FFFF  }
0xad: {  	[dreg:$0x1] =	wrdreg $0xFFFFFFFF  }
0xae: {  	[dreg:$0x0] =	wrdreg $0x60  }
0xaf: {  	[dreg:$0x2] =	wrdreg s2  }
0xb0: {  	[dreg:$0x3] =	wrdreg s18  }
0xb1: {  	[dreg:$0x4] =	wrdreg s24  }
0xb2: {  	[dreg:$0x5] =	wrdreg $0x9  }
0xb3: {  	_ =	task.clear_ibuf [dreg:s8], $0x6FFFF;
	_ =	strace $0x90000046  }
0xb4: {  	s29 =	simm.s32 $0x9;
	_ =	strace $0x80000048  }
0xb5: {  	_ =	swait.ge [sflag:s29], $0x1  }
0xb6: {  	[sflag:s29] =	ssyncadd.s32 $0xFFFFFFFF  }
0xb7: {  	_ =	strace $0x90000048  }
0xb8: {  	_ =	sfence  }
0xb9: {  	s30 =	sld [smem:$0x0];
	_ =	sdelay $0x2  }
0xba: {  	s31 =	sshll.u32 s1, $0xD;
	s1 =	sshrl.u32 s1, $0x2  }
0xbb: {  	s3 =	sand.u32 $0x4000, s31;
	s1 =	sadd.s32 s1, s30  }
0xbc: {  	s0 =	sor.u32 s3, s0;
	s1 =	sshll.u32 s1, $0x11  }
0xbd: {  	s0 =	sor.u32 s1, s0  }
0xbe: {  	s0 =	sadd.s32 $0x8F2B, s0  }
0xbf: {  	[sflag:s0] =	ssyncadd.remote.s32 $0x1  }
0xc0: {  	_ =	sfence.sel $0xFFFF  }
0xc1: {  	[dreg:$0x0] =	wrdreg $0xFFFFFFFF;
	(pc) =	sbr.abs _section_cstart, $3  }
0xc2: {  	[dreg:$0x1] =	wrdreg $0xFFFFFFFF  }
0xc3: {  	_ =	task.clear_ibuf [dreg:s8], $0x2FFFF;
	_ =	strace $0x9FFFFFFF  }
0xc4: {  	(tm) =	ssettm $0x7FFFFFFF  }
0xc5: {  	_ =	shalt  }
tec
execute0_lowered:
.L_overlay_start_1:
0x0: {  	(tag) =	ssettag $0x1  }
0x1: {  	s0 =	rddreg [dreg:$0x0]  }
0x2: {  	s1 =	rddreg [dreg:$0x1]  }
0x3: {  	s5 =	rddreg [dreg:$0x2]  }
0x4: {  	s2 =	simm.s32 $0x0;
	s3 =	srdreg.scid;
	s6 =	stileid.u32  }
0x5: {  	s13 =	simm.s32 $0x400;
	s14 =	simm.s32 $0x80;
	s15 =	simm.s32 $0xE00  }
0x6: {  	s16 =	simm.s32 $0x4E00;
	s29 =	simm.s32 $0x8E00;
	s30 =	simm.s32 $0xC00  }
0x7: {  	s31 =	simm.s32 $0x18E00;
	s17 =	simm.s32 $0xD00;
	s18 =	simm.s32 $0x1AE00  }
0x8: {  	s19 =	simm.s32 $0xD80;
	s20 =	simm.s32 $0x1BE00;
	s21 =	simm.s32 $0x1  }
0x9: {  	s22 =	simm.s32 $0x1CE00;
	s23 =	simm.s32 $0x1D000;
	s24 =	simm.s32 $0x0  }
0xa: {  	[smem:$0x7FF] =	sst s2;
	s4 =	sand.u32 $0x1, s3;
	s28 =	sshll.u32 s6, $0x1  }
0xb: {  	s3 =	sadd.s32 $0x1313C00, s5;
	_ =	strace $0x80000047;
	s6 =	sor.u32 s4, s28  }
0xc: {  	s8 =	ssub.s32 $0x2, s4;
	s7 =	smul.u32 $0x140, s6;
	s6 =	sshll.u32 s6, $0x6  }
0xd: {  	s4 =	sadd.s32 $0xF43200, s5;
	s9 =	sshrl.u32 s8, $0x1;
	s10 =	sadd.s32 s6, s5  }
0xe: {  	s12 =	ssub.s32 s8, s9;
	s11 =	sadd.s32 s7, s5;
	s5 =	sadd.s32 s0, s6  }
0xf: {  	s6 =	sadd.s32 s1, s6;
	s8 =	sadd.s32 $0x5E00, s10;
	s10 =	smax.u32 s12, $0x1  }
0x10: {  	s12 =	simm.s32 $0x200;
	s0 =	simm.s32 $0xC80;
	s1 =	simm.s32 $0x19E00  }
0x11: {  	v0 =	vlaneseq.u32;
	s7 =	sadd.s32 $0xE00, s11;
	s9 =	sadd.s32 $0x3600, s11;
	s11 =	simm.s32 $0x2  }
.LBB2_1:
0x12: {  	[tilespmem:s2], [sflag:$0x2] =	stream.linear.gather [hbm4b:s5+s2], $0x200, $0x38;
	[tilespmem:$0x1DA00] =	vst v63  }
0x13: {  	_ =	swait.ge [sflag:s11], $0x200  }
0x14: {  	[sflag:s11] =	ssyncset.done $0x0  }
0x15: {  	[sflag:s11] =	ssyncadd.s32 $0xFFFFFE00  }
0x16: {  	[tilespmem:s12], [sflag:$0x2] =	stream.linear.gather [hbm4b:s6+s2], $0x200, $0x38;
	[tilespmem:$0x1DA00] =	vst v63  }
0x17: {  	_ =	swait.ge [sflag:s11], $0x200  }
0x18: {  	[sflag:s11] =	ssyncset.done $0x0  }
0x19: {  	[sflag:s11] =	ssyncadd.s32 $0xFFFFFE00  }
0x1a: {  	[tilespmem:s13], [sflag:$0x2] =	stream.linear.gather [hbm4b:s7+s2], $0xA00, $0x38;
	[tilespmem:$0x1DA00] =	vst v63  }
0x1b: {  	_ =	swait.ge [sflag:s11], $0xA00  }
0x1c: {  	[sflag:s11] =	ssyncset.done $0x0  }
0x1d: {  	[sflag:s11] =	ssyncadd.s32 $0xFFFFF600  }
0x1e: {  	[tilespmem:s15], [sflag:$0x1] =	stream.indirect.gather [hbm4b:s3+s14], $0x20, s2, s14, $0xb8;
	[tilespmem:$0x1DA00] =	vst v63  }
0x1f: {  	_ = 	snop  }
0x20: {  	[tilespmem:s16], [sflag:$0x1] =	stream.indirect.gather [hbm4b:s4+s14], $0x20, s12, s14, $0xb8;
	[tilespmem:$0x1DA00] =	vst v63  }
0x21: {  	s25 =	simm.s32 $0x1E00  }
0x22: {  	[tilespmem:s25], [sflag:$0x1] =	stream.indirect.gather [hbm4b:s3+s14], $0x20, s14, s14, $0xb8;
	[tilespmem:$0x1DA00] =	vst v63  }
0x23: {  	s26 =	simm.s32 $0x5E00;
	s25 =	simm.s32 $0x280  }
0x24: {  	[tilespmem:s26], [sflag:$0x1] =	stream.indirect.gather [hbm4b:s4+s14], $0x20, s25, s14, $0xb8;
	[tilespmem:$0x1DA00] =	vst v63  }
0x25: {  	s25 =	simm.s32 $0x100;
	s26 =	simm.s32 $0x2E00  }
0x26: {  	[tilespmem:s26], [sflag:$0x1] =	stream.indirect.gather [hbm4b:s3+s14], $0x20, s25, s14, $0xb8;
	[tilespmem:$0x1DA00] =	vst v63  }
0x27: {  	s25 =	simm.s32 $0x300;
	s26 =	simm.s32 $0x6E00  }
0x28: {  	[tilespmem:s26], [sflag:$0x1] =	stream.indirect.gather [hbm4b:s4+s14], $0x20, s25, s14, $0xb8;
	[tilespmem:$0x1DA00] =	vst v63  }
0x29: {  	s25 =	simm.s32 $0x180;
	s26 =	simm.s32 $0x3E00  }
0x2a: {  	[tilespmem:s26], [sflag:$0x1] =	stream.indirect.gather [hbm4b:s3+s14], $0x20, s25, s14, $0xb8;
	[tilespmem:$0x1DA00] =	vst v63  }
0x2b: {  	s25 =	simm.s32 $0x380;
	s26 =	simm.s32 $0x7E00  }
0x2c: {  	[tilespmem:s26], [sflag:$0x1] =	stream.indirect.gather [hbm4b:s4+s14], $0x20, s25, s14, $0xb8;
	[tilespmem:$0x1DA00] =	vst v63  }
0x2d: {  	_ = 	snop  }
0x2e: {  	[tilespmem:s29], [sflag:$0x1] =	stream.indirect.gather [hbm4b:s4+s14], $0x20, s13, s14, $0xb8;
	[tilespmem:$0x1DA00] =	vst v63  }
0x2f: {  	s25 =	simm.s32 $0x480;
	s26 =	simm.s32 $0x9E00  }
0x30: {  	[tilespmem:s26], [sflag:$0x1] =	stream.indirect.gather [hbm4b:s4+s14], $0x20, s25, s14, $0xb8;
	[tilespmem:$0x1DA00] =	vst v63  }
0x31: {  	s25 =	simm.s32 $0x500;
	s26 =	simm.s32 $0xAE00  }
0x32: {  	[tilespmem:s26], [sflag:$0x1] =	stream.indirect.gather [hbm4b:s4+s14], $0x20, s25, s14, $0xb8;
	[tilespmem:$0x1DA00] =	vst v63  }
0x33: {  	s25 =	simm.s32 $0x580;
	s26 =	simm.s32 $0xBE00  }
0x34: {  	[tilespmem:s26], [sflag:$0x1] =	stream.indirect.gather [hbm4b:s4+s14], $0x20, s25, s14, $0xb8;
	[tilespmem:$0x1DA00] =	vst v63  }
0x35: {  	s25 =	simm.s32 $0x600;
	s26 =	simm.s32 $0xCE00  }
0x36: {  	[tilespmem:s26], [sflag:$0x1] =	stream.indirect.gather [hbm4b:s4+s14], $0x20, s25, s14, $0xb8;
	[tilespmem:$0x1DA00] =	vst v63  }
0x37: {  	s25 =	simm.s32 $0x680;
	s26 =	simm.s32 $0xDE00  }
0x38: {  	[tilespmem:s26], [sflag:$0x1] =	stream.indirect.gather [hbm4b:s4+s14], $0x20, s25, s14, $0xb8;
	[tilespmem:$0x1DA00] =	vst v63  }
0x39: {  	s25 =	simm.s32 $0x700;
	s26 =	simm.s32 $0xEE00  }
0x3a: {  	[tilespmem:s26], [sflag:$0x1] =	stream.indirect.gather [hbm4b:s4+s14], $0x20, s25, s14, $0xb8;
	[tilespmem:$0x1DA00] =	vst v63  }
0x3b: {  	s25 =	simm.s32 $0x780;
	s26 =	simm.s32 $0xFE00  }
0x3c: {  	[tilespmem:s26], [sflag:$0x1] =	stream.indirect.gather [hbm4b:s4+s14], $0x20, s25, s14, $0xb8;
	[tilespmem:$0x1DA00] =	vst v63  }
0x3d: {  	s25 =	simm.s32 $0x800;
	s26 =	simm.s32 $0x10E00  }
0x3e: {  	[tilespmem:s26], [sflag:$0x1] =	stream.indirect.gather [hbm4b:s4+s14], $0x20, s25, s14, $0xb8;
	[tilespmem:$0x1DA00] =	vst v63  }
0x3f: {  	s25 =	simm.s32 $0x880;
	s26 =	simm.s32 $0x11E00  }
0x40: {  	[tilespmem:s26], [sflag:$0x1] =	stream.indirect.gather [hbm4b:s4+s14], $0x20, s25, s14, $0xb8;
	[tilespmem:$0x1DA00] =	vst v63  }
0x41: {  	s25 =	simm.s32 $0x900;
	s26 =	simm.s32 $0x12E00  }
0x42: {  	[tilespmem:s26], [sflag:$0x1] =	stream.indirect.gather [hbm4b:s4+s14], $0x20, s25, s14, $0xb8;
	[tilespmem:$0x1DA00] =	vst v63  }
0x43: {  	s25 =	simm.s32 $0x980;
	s26 =	simm.s32 $0x13E00  }
0x44: {  	[tilespmem:s26], [sflag:$0x1] =	stream.indirect.gather [hbm4b:s4+s14], $0x20, s25, s14, $0xb8;
	[tilespmem:$0x1DA00] =	vst v63  }
0x45: {  	s25 =	simm.s32 $0xA00;
	s26 =	simm.s32 $0x14E00  }
0x46: {  	[tilespmem:s26], [sflag:$0x1] =	stream.indirect.gather [hbm4b:s4+s14], $0x20, s25, s14, $0xb8;
	[tilespmem:$0x1DA00] =	vst v63  }
0x47: {  	s25 =	simm.s32 $0xA80;
	s26 =	simm.s32 $0x15E00  }
0x48: {  	[tilespmem:s26], [sflag:$0x1] =	stream.indirect.gather [hbm4b:s4+s14], $0x20, s25, s14, $0xb8;
	[tilespmem:$0x1DA00] =	vst v63  }
0x49: {  	s25 =	simm.s32 $0xB00;
	s26 =	simm.s32 $0x16E00  }
0x4a: {  	[tilespmem:s26], [sflag:$0x1] =	stream.indirect.gather [hbm4b:s4+s14], $0x20, s25, s14, $0xb8;
	[tilespmem:$0x1DA00] =	vst v63  }
0x4b: {  	s25 =	simm.s32 $0xB80;
	s26 =	simm.s32 $0x17E00  }
0x4c: {  	[tilespmem:s26], [sflag:$0x1] =	stream.indirect.gather [hbm4b:s4+s14], $0x20, s25, s14, $0xb8;
	[tilespmem:$0x1DA00] =	vst v63  }
0x4d: {  	_ = 	snop  }
0x4e: {  	[tilespmem:s31], [sflag:$0x1] =	stream.indirect.gather [hbm4b:s4+s14], $0x20, s30, s14, $0xb8;
	[tilespmem:$0x1DA00] =	vst v63  }
0x4f: {  	_ = 	snop  }
0x50: {  	[tilespmem:s1], [sflag:$0x1] =	stream.indirect.gather [hbm4b:s4+s14], $0x20, s0, s14, $0xb8;
	[tilespmem:$0x1DA00] =	vst v63  }
0x51: {  	_ = 	snop  }
0x52: {  	[tilespmem:s18], [sflag:$0x1] =	stream.indirect.gather [hbm4b:s4+s14], $0x20, s17, s14, $0xb8;
	[tilespmem:$0x1DA00] =	vst v63  }
0x53: {  	_ = 	snop  }
0x54: {  	[tilespmem:s20], [sflag:$0x1] =	stream.indirect.gather [hbm4b:s4+s14], $0x20, s19, s14, $0xb8;
	[tilespmem:$0x1DA00] =	vst v63  }
0x55: {  	_ =	swait.ge [sflag:s21], $0x1000  }
0x56: {  	[sflag:s21] =	ssyncset.done $0x0  }
0x57: {  	[sflag:s21] =	ssyncadd.s32 $0xFFFFF000  }
0x58: {  	_ =	swait.ge [sflag:s21], $0x1000  }
0x59: {  	[sflag:s21] =	ssyncset.done $0x0  }
0x5a: {  	[sflag:s21] =	ssyncadd.s32 $0xFFFFF000  }
0x5b: {  	_ =	swait.ge [sflag:s21], $0x1000  }
0x5c: {  	[sflag:s21] =	ssyncset.done $0x0  }
0x5d: {  	[sflag:s21] =	ssyncadd.s32 $0xFFFFF000  }
0x5e: {  	_ =	swait.ge [sflag:s21], $0x1000  }
0x5f: {  	[sflag:s21] =	ssyncset.done $0x0  }
0x60: {  	[sflag:s21] =	ssyncadd.s32 $0xFFFFF000  }
0x61: {  	_ =	swait.ge [sflag:s21], $0x1000  }
0x62: {  	[sflag:s21] =	ssyncset.done $0x0  }
0x63: {  	[sflag:s21] =	ssyncadd.s32 $0xFFFFF000  }
0x64: {  	_ =	swait.ge [sflag:s21], $0x1000  }
0x65: {  	[sflag:s21] =	ssyncset.done $0x0  }
0x66: {  	[sflag:s21] =	ssyncadd.s32 $0xFFFFF000  }
0x67: {  	_ =	swait.ge [sflag:s21], $0x1000  }
0x68: {  	[sflag:s21] =	ssyncset.done $0x0  }
0x69: {  	[sflag:s21] =	ssyncadd.s32 $0xFFFFF000  }
0x6a: {  	_ =	swait.ge [sflag:s21], $0x1000  }
0x6b: {  	[sflag:s21] =	ssyncset.done $0x0  }
0x6c: {  	[sflag:s21] =	ssyncadd.s32 $0xFFFFF000  }
0x6d: {  	_ =	swait.ge [sflag:s21], $0x1000  }
0x6e: {  	[sflag:s21] =	ssyncset.done $0x0  }
0x6f: {  	[sflag:s21] =	ssyncadd.s32 $0xFFFFF000  }
0x70: {  	_ =	swait.ge [sflag:s21], $0x1000  }
0x71: {  	[sflag:s21] =	ssyncset.done $0x0  }
0x72: {  	[sflag:s21] =	ssyncadd.s32 $0xFFFFF000  }
0x73: {  	_ =	swait.ge [sflag:s21], $0x1000  }
0x74: {  	[sflag:s21] =	ssyncset.done $0x0  }
0x75: {  	[sflag:s21] =	ssyncadd.s32 $0xFFFFF000  }
0x76: {  	_ =	swait.ge [sflag:s21], $0x1000  }
0x77: {  	[sflag:s21] =	ssyncset.done $0x0  }
0x78: {  	[sflag:s21] =	ssyncadd.s32 $0xFFFFF000  }
0x79: {  	_ =	swait.ge [sflag:s21], $0x1000  }
0x7a: {  	[sflag:s21] =	ssyncset.done $0x0  }
0x7b: {  	[sflag:s21] =	ssyncadd.s32 $0xFFFFF000  }
0x7c: {  	_ =	swait.ge [sflag:s21], $0x1000  }
0x7d: {  	[sflag:s21] =	ssyncset.done $0x0  }
0x7e: {  	[sflag:s21] =	ssyncadd.s32 $0xFFFFF000  }
0x7f: {  	_ =	swait.ge [sflag:s21], $0x1000  }
0x80: {  	[sflag:s21] =	ssyncset.done $0x0  }
0x81: {  	[sflag:s21] =	ssyncadd.s32 $0xFFFFF000  }
0x82: {  	_ =	swait.ge [sflag:s21], $0x1000  }
0x83: {  	[sflag:s21] =	ssyncset.done $0x0  }
0x84: {  	[sflag:s21] =	ssyncadd.s32 $0xFFFFF000  }
0x85: {  	_ =	swait.ge [sflag:s21], $0x1000  }
0x86: {  	[sflag:s21] =	ssyncset.done $0x0  }
0x87: {  	[sflag:s21] =	ssyncadd.s32 $0xFFFFF000  }
0x88: {  	_ =	swait.ge [sflag:s21], $0x1000  }
0x89: {  	[sflag:s21] =	ssyncset.done $0x0  }
0x8a: {  	[sflag:s21] =	ssyncadd.s32 $0xFFFFF000  }
0x8b: {  	_ =	swait.ge [sflag:s21], $0x1000  }
0x8c: {  	[sflag:s21] =	ssyncset.done $0x0  }
0x8d: {  	[sflag:s21] =	ssyncadd.s32 $0xFFFFF000  }
0x8e: {  	_ =	swait.ge [sflag:s21], $0x1000  }
0x8f: {  	[sflag:s21] =	ssyncset.done $0x0  }
0x90: {  	[sflag:s21] =	ssyncadd.s32 $0xFFFFF000  }
0x91: {  	_ =	swait.ge [sflag:s21], $0x1000  }
0x92: {  	[sflag:s21] =	ssyncset.done $0x0  }
0x93: {  	[sflag:s21] =	ssyncadd.s32 $0xFFFFF000  }
0x94: {  	_ =	swait.ge [sflag:s21], $0x1000  }
0x95: {  	[sflag:s21] =	ssyncset.done $0x0  }
0x96: {  	[sflag:s21] =	ssyncadd.s32 $0xFFFFF000  }
0x97: {  	_ =	swait.ge [sflag:s21], $0x1000  }
0x98: {  	[sflag:s21] =	ssyncset.done $0x0  }
0x99: {  	[sflag:s21] =	ssyncadd.s32 $0xFFFFF000  }
0x9a: {  	_ =	swait.ge [sflag:s21], $0x1000  }
0x9b: {  	[sflag:s21] =	ssyncset.done $0x0  }
0x9c: {  	[sflag:s21] =	ssyncadd.s32 $0xFFFFF000  }
0x9d: {  	_ =	swait.ge [sflag:s21], $0x1000  }
0x9e: {  	[sflag:s21] =	ssyncset.done $0x0  }
0x9f: {  	[sflag:s21] =	ssyncadd.s32 $0xFFFFF000  }
0xa0: {  	_ =	swait.ge [sflag:s21], $0x1000  }
0xa1: {  	[sflag:s21] =	ssyncset.done $0x0  }
0xa2: {  	[sflag:s21] =	ssyncadd.s32 $0xFFFFF000  }
0xa3: {  	_ =	swait.ge [sflag:s21], $0x1000  }
0xa4: {  	[sflag:s21] =	ssyncset.done $0x0  }
0xa5: {  	[sflag:s21] =	ssyncadd.s32 $0xFFFFF000  }
0xa6: {  	_ =	swait.ge [sflag:s21], $0x1000  }
0xa7: {  	s28 =	simm.s32 $0x0;
	[sflag:s21] =	ssyncset.done $0x0  }
0xa8: {  	s25 =	simm.s32 $0x1D400;
	s26 =	simm.s32 $0x1CE00;
	[sflag:s21] =	ssyncadd.s32 $0xFFFFF000  }
.LBB2_2:
0xa9: {  	v1 =	vor.u32 s28, v0  }
0xaa: {  	v8 =	vshll.u32 v1, $0x5  }
0xab: {  	v1 =	vmul.u32 $0xA0, v1;
	_ =	sdelay $0x1  }
0xac: {  	v9 =	vor.u32 $0x1, v8;
	_ =	sdelay $0x1  }
0xad: {  	v49 =	vor.u32 $0x3, v8;
	v5 =	vld.idx.msk [tilespmem:v8+s15+$0x0], $0xffff  }
0xae: {  	v0 =	vld.idx.msk [tilespmem:v8+s16+$0x0], $0xffff  }
0xaf: {  	v18 =	vor.u32 $0x6, v8;
	v2 =	vld.idx.msk [tilespmem:v1+s29+$0x0], $0xffff  }
0xb0: {  	v3 =	vadd.s32 $0x20, v1;
	v23 =	vld.idx.msk [tilespmem:v9+s15+$0x0], $0xffff  }
0xb1: {  	v4 =	vadd.s32 $0x40, v1;
	v22 =	vld.idx.msk [tilespmem:v9+s16+$0x0], $0xffff  }
0xb2: {  	v6 =	vadd.s32 $0x60, v1;
	v9 =	vld.idx.msk [tilespmem:v49+s15+$0x0], $0xffff  }
0xb3: {  	v7 =	vadd.s32 $0x80, v1;
	v56 =	vld.idx.msk [tilespmem:v49+s16+$0x0], $0xffff  }
0xb4: {  	v43 =	vadd.s32 $0x21, v1;
	v36 =	vld.idx.msk [tilespmem:v18+s16+$0x0], $0xffff  }
0xb5: {  	v44 =	vadd.s32 $0x41, v1;
	v11 =	vld.idx.msk [tilespmem:v3+s29+$0x0], $0xffff  }
0xb6: {  	v12 =	vadd.s32 $0x61, v1;
	v4 =	vld.idx.msk [tilespmem:v4+s29+$0x0], $0xffff  }
0xb7: {  	v45 =	vadd.s32 $0x81, v1;
	v16 =	vld.idx.msk [tilespmem:v6+s29+$0x0], $0xffff  }
0xb8: {  	v46 =	vor.u32 $0x2, v1;
	v20 =	vld.idx.msk [tilespmem:v7+s29+$0x0], $0xffff  }
0xb9: {  	v47 =	vadd.s32 $0x22, v1;
	v27 =	vld.idx.msk [tilespmem:v43+s29+$0x0], $0xffff  }
0xba: {  	v48 =	vadd.s32 $0x42, v1;
	v28 =	vld.idx.msk [tilespmem:v44+s29+$0x0], $0xffff  }
0xbb: {  	v13 =	vadd.s32 $0x62, v1;
	v29 =	vld.idx.msk [tilespmem:v12+s29+$0x0], $0xffff  }
0xbc: {  	v3 =	vor.u32 $0x1, v1;
	v30 =	vld.idx.msk [tilespmem:v45+s29+$0x0], $0xffff  }
0xbd: {  	v50 =	vor.u32 $0x3, v1;
	v39 =	vld.idx.msk [tilespmem:v46+s29+$0x0], $0xffff  }
0xbe: {  	v51 =	vadd.s32 $0x23, v1;
	v40 =	vld.idx.msk [tilespmem:v47+s29+$0x0], $0xffff  }
0xbf: {  	v14 =	vadd.s32 $0x63, v1;
	v53 =	vld.idx.msk [tilespmem:v48+s29+$0x0], $0xffff  }
0xc0: {  	v52 =	vadd.s32 $0x83, v1;
	v54 =	vld.idx.msk [tilespmem:v13+s29+$0x0], $0xffff  }
0xc1: {  	v25 =	vld.idx.msk [tilespmem:v3+s29+$0x0], $0xffff;
	v3 =	vor.u32 $0x2, v8  }
0xc2: {  	v57 =	vld.idx.msk [tilespmem:v50+s29+$0x0], $0xffff  }
0xc3: {  	v15 =	vor.u32 $0x4, v8;
	v34 =	vld.idx.msk [tilespmem:v51+s29+$0x0], $0xffff  }
0xc4: {  	v41 =	vld.idx.msk [tilespmem:v14+s29+$0x0], $0xffff  }
0xc5: {  	v59 =	vadd.s32 $0x24, v1;
	v42 =	vld.idx.msk [tilespmem:v52+s29+$0x0], $0xffff  }
0xc6: {  	v60 =	vadd.s32 $0x44, v1;
	v6 =	vld.idx.msk [tilespmem:v3+s15+$0x0], $0xffff  }
0xc7: {  	v32 =	vld.idx.msk [tilespmem:v3+s16+$0x0], $0xffff;
	v3 =	vadd.s32 $0x82, v1  }
0xc8: {  	v61 =	vadd.s32 $0x64, v1;
	v12 =	vld.idx.msk [tilespmem:v15+s15+$0x0], $0xffff  }
0xc9: {  	v62 =	vadd.s32 $0x84, v1;
	v45 =	vld.idx.msk [tilespmem:v15+s16+$0x0], $0xffff  }
0xca: {  	v63 =	vor.u32 $0x5, v1;
	v46 =	vld.idx.msk [tilespmem:v59+s29+$0x0], $0xffff  }
0xcb: {  	v10 =	vadd.s32 $0x25, v1;
	v50 =	vld.idx.msk [tilespmem:v60+s29+$0x0], $0xffff  }
0xcc: {  	v55 =	vld.idx.msk [tilespmem:v3+s29+$0x0], $0xffff;
	v3 =	vadd.s32 $0x43, v1  }
0xcd: {  	v21 =	vadd.s32 $0x45, v1;
	v47 =	vld.idx.msk [tilespmem:v61+s29+$0x0], $0xffff  }
0xce: {  	v24 =	vadd.s32 $0x65, v1;
	v48 =	vld.idx.msk [tilespmem:v62+s29+$0x0], $0xffff  }
0xcf: {  	v49 =	vld.idx.msk [tilespmem:v63+s29+$0x0], $0xffff  }
0xd0: {  	v58 =	vadd.s32 $0x66, v1;
	v44 =	vld.idx.msk [tilespmem:v10+s29+$0x0], $0xffff  }
0xd1: {  	v35 =	vld.idx.msk [tilespmem:v3+s29+$0x0], $0xffff;
	v3 =	vor.u32 $0x4, v1  }
0xd2: {  	v26 =	vor.u32 $0x6, v1;
	v38 =	vld.idx.msk [tilespmem:v21+s29+$0x0], $0xffff  }
0xd3: {  	v43 =	vld.idx.msk [tilespmem:v24+s29+$0x0], $0xffff;
	v59 =	vadd.s32 $0x86, v1  }
0xd4: {  	v7 =	vld.idx.msk [tilespmem:v18+s15+$0x0], $0xffff;
	v61 =	vor.u32 $0x7, v1  }
0xd5: {  	v24 =	vld.idx.msk [tilespmem:v58+s29+$0x0], $0xffff;
	v58 =	vadd.s32 $0x67, v1  }
0xd6: {  	v52 =	vld.idx.msk [tilespmem:v3+s29+$0x0], $0xffff;
	v3 =	vor.u32 $0x5, v8  }
0xd7: {  	v33 =	vld.idx.msk [tilespmem:v26+s29+$0x0], $0xffff  }
0xd8: {  	v60 =	vor.u32 $0x7, v8;
	v18 =	vld.idx.msk [tilespmem:v59+s29+$0x0], $0xffff  }
0xd9: {  	v13 =	vld.idx.msk [tilespmem:v61+s29+$0x0], $0xffff  }
0xda: {  	v59 =	vadd.s32 $0x87, v1;
	v61 =	vmul.f32 v0, v5;
	v0 =	vld.idx.msk [tilespmem:v58+s29+$0x0], $0xffff  }
0xdb: {  	v31 =	vadd.s32 $0x26, v1;
	v17 =	vld.idx.msk [tilespmem:v3+s15+$0x0], $0xffff  }
0xdc: {  	v51 =	vld.idx.msk [tilespmem:v3+s16+$0x0], $0xffff;
	v3 =	vadd.s32 $0x85, v1  }
0xdd: {  	v15 =	vadd.s32 $0x27, v1;
	v10 =	vld.idx.msk [tilespmem:v60+s15+$0x0], $0xffff  }
0xde: {  	v21 =	vadd.s32 $0x47, v1;
	v19 =	vld.idx.msk [tilespmem:v60+s16+$0x0], $0xffff  }
0xdf: {  	v60 =	vor.u32 $0x8, v8;
	[tilespmem:$0x1FFE0] =	vst v0;
	v0 =	vld.idx.msk [tilespmem:v59+s29+$0x0], $0xffff  }
0xe0: {  	v31 =	vld.idx.msk [tilespmem:v31+s29+$0x0], $0xffff;
	v62 =	vmul.f32 v2, v5;
	v58 =	vadd.s32 $0x28, v1  }
0xe1: {  	v11 =	vmul.f32 v11, v5;
	v63 =	vmul.f32 v4, v5;
	v37 =	vld.idx.msk [tilespmem:v3+s29+$0x0], $0xffff;
	v3 =	vadd.s32 $0x46, v1  }
0xe2: {  	v15 =	vld.idx.msk [tilespmem:v15+s29+$0x0], $0xffff;
	v16 =	vmul.f32 v16, v5;
	v20 =	vmul.f32 v20, v5;
	v5 =	vadd.s32 $0x88, v1  }
0xe3: {  	v14 =	vld.idx.msk [tilespmem:v21+s29+$0x0], $0xffff;
	v59 =	vadd.s32 $0x48, v1  }
0xe4: {  	v22 =	vmul.f32 v22, v23;
	v4 =	vld.idx.msk [tilespmem:v60+s15+$0x0], $0xffff;
	[tilespmem:$0x1FFF0] =	vst v0;
	v0 =	vor.u32 $0x9, v8  }
0xe5: {  	v27 =	vmul.f32 v27, v23;
	v11 =	vadd.f32 $0.0e+00, v11;
	v2 =	vadd.f32 $0.0e+00, v63;
	v63 =	vld.idx.msk [tilespmem:v58+s29+$0x0], $0xffff  }
0xe6: {  	v21 =	vor.u32 $0x8, v1;
	v28 =	vmul.f32 v28, v23;
	v26 =	vld.idx.msk [tilespmem:v3+s29+$0x0], $0xffff;
	v3 =	vadd.s32 $0x68, v1  }
0xe7: {  	v30 =	vmul.f32 v30, v23;
	v50 =	vmul.f32 v50, v12;
	v11 =	vadd.f32 v27, v11;
	v27 =	vld.idx.msk [tilespmem:v5+s29+$0x0], $0xffff  }
0xe8: {  	v24 =	vmul.f32 v24, v7;
	v62 =	vadd.f32 $0.0e+00, v62;
	v61 =	vadd.f32 $0.0e+00, v61;
	v58 =	vld.idx.msk [tilespmem:v59+s29+$0x0], $0xffff  }
0xe9: {  	v16 =	vadd.f32 $0.0e+00, v16;
	v2 =	vadd.f32 v28, v2;
	v59 =	vor.u32 $0x9, v1;
	v5 =	vld.idx.msk [tilespmem:v0+s15+$0x0], $0xffff  }
0xea: {  	v28 =	vmul.f32 v29, v23;
	v25 =	vmul.f32 v25, v23;
	v23 =	vld.idx.msk [tilespmem:v0+s16+$0x0], $0xffff;
	v0 =	vadd.s32 $0x89, v1  }
0xeb: {  	v20 =	vadd.f32 $0.0e+00, v20;
	v61 =	vadd.f32 v22, v61;
	v22 =	vld.idx.msk [tilespmem:v3+s29+$0x0], $0xffff;
	v3 =	vadd.s32 $0x29, v1  }
0xec: {  	v29 =	vadd.s32 $0x69, v1;
	v60 =	vld.idx.msk [tilespmem:v60+s16+$0x0], $0xffff;
	v25 =	vadd.f32 v25, v62;
	v62 =	vadd.s32 $0x49, v1  }
0xed: {  	v20 =	vadd.f32 v30, v20;
	v21 =	vld.idx.msk [tilespmem:v21+s29+$0x0], $0xffff;
	v15 =	vmul.f32 v15, v10;
	v53 =	vmul.f32 v53, v6  }
0xee: {  	v16 =	vadd.f32 v28, v16;
	v40 =	vmul.f32 v40, v6;
	v28 =	vld.idx.msk [tilespmem:v59+s29+$0x0], $0xffff;
	v59 =	vor.u32 $0xA, v8  }
0xef: {  	v32 =	vmul.f32 v32, v6;
	v39 =	vmul.f32 v39, v6;
	v53 =	vadd.f32 v53, v2;
	v2 =	vld.idx.msk [tilespmem:v0+s29+$0x0], $0xffff  }
0xf0: {  	v11 =	vadd.f32 v40, v11;
	v40 =	vmul.f32 v55, v6;
	v55 =	vadd.s32 $0x6A, v1;
	v30 =	vld.idx.msk [tilespmem:v3+s29+$0x0], $0xffff  }
0xf1: {  	v3 =	vadd.f32 v32, v61;
	v32 =	vld.idx.msk [tilespmem:v62+s29+$0x0], $0xffff;
	v61 =	vor.u32 $0xA, v1;
	v62 =	vadd.f32 v39, v25  }
0xf2: {  	v25 =	vld.idx.msk [tilespmem:v29+s29+$0x0], $0xffff;
	v29 =	vadd.s32 $0x2A, v1;
	v39 =	vmul.f32 v54, v6;
	v54 =	vmul.f32 v56, v9  }
0xf3: {  	v0 =	vadd.s32 $0x4A, v1;
	v6 =	vld.idx.msk [tilespmem:v59+s15+$0x0], $0xffff;
	v56 =	vmul.f32 v57, v9;
	v57 =	vadd.s32 $0x8A, v1  }
0xf4: {  	v16 =	vadd.f32 v39, v16;
	v39 =	vld.idx.msk [tilespmem:v59+s16+$0x0], $0xffff;
	v3 =	vadd.f32 v54, v3;
	v54 =	vor.u32 $0xB, v8  }
0xf5: {  	v56 =	vadd.f32 v56, v62;
	v59 =	vmul.f32 v34, v9;
	v62 =	vmul.f32 v41, v9;
	v41 =	vld.idx.msk [tilespmem:v55+s29+$0x0], $0xffff  }
0xf6: {  	v20 =	vadd.f32 v40, v20;
	v52 =	vmul.f32 v52, v12;
	v51 =	vmul.f32 v51, v17;
	v40 =	vld.idx.msk [tilespmem:v61+s29+$0x0], $0xffff  }
0xf7: {  	v44 =	vmul.f32 v44, v17;
	v55 =	vadd.s32 $0x2B, v1;
	v11 =	vadd.f32 v59, v11;
	v34 =	vld.idx.msk [tilespmem:v29+s29+$0x0], $0xffff  }
0xf8: {  	v59 =	vadd.s32 $0x6B, v1;
	v61 =	vmul.f32 v35, v9;
	v9 =	vmul.f32 v42, v9;
	v35 =	vld.idx.msk [tilespmem:v0+s29+$0x0], $0xffff  }
0xf9: {  	v52 =	vadd.f32 v52, v56;
	v56 =	vadd.s32 $0x2C, v1;
	v0 =	vor.u32 $0xB, v1;
	v42 =	vld.idx.msk [tilespmem:v57+s29+$0x0], $0xffff  }
0xfa: {  	v57 =	vmul.f32 v45, v12;
	v53 =	vadd.f32 v61, v53;
	v20 =	vadd.f32 v9, v20;
	v9 =	vld.idx.msk [tilespmem:v54+s15+$0x0], $0xffff  }
0xfb: {  	v29 =	vadd.s32 $0x4B, v1;
	v61 =	vmul.f32 v46, v12;
	v45 =	vld.idx.msk [tilespmem:v54+s16+$0x0], $0xffff;
	v54 =	vadd.s32 $0x8B, v1  }
0xfc: {  	v3 =	vadd.f32 v57, v3;
	v57 =	vadd.s32 $0x4C, v1;
	v53 =	vadd.f32 v50, v53;
	v50 =	vld.idx.msk [tilespmem:v55+s29+$0x0], $0xffff  }
0xfd: {  	v11 =	vadd.f32 v61, v11;
	v61 =	vmul.f32 v47, v12;
	v12 =	vmul.f32 v48, v12;
	v48 =	vld.idx.msk [tilespmem:v59+s29+$0x0], $0xffff  }
0xfe: {  	v16 =	vadd.f32 v62, v16;
	v62 =	vmul.f32 v49, v17;
	v46 =	vld.idx.msk [tilespmem:v0+s29+$0x0], $0xffff;
	v0 =	vor.u32 $0xC, v8  }
0xff: {  	v43 =	vmul.f32 v43, v17;
	v55 =	vmul.f32 v36, v7;
	v36 =	vld.idx.msk [tilespmem:v56+s29+$0x0], $0xffff  }
0x100: {  	v52 =	vadd.f32 v62, v52;
	v3 =	vadd.f32 v51, v3;
	v59 =	vadd.s32 $0x6C, v1;
	v47 =	vld.idx.msk [tilespmem:v29+s29+$0x0], $0xffff  }
0x101: {  	v29 =	vor.u32 $0xC, v1;
	v16 =	vadd.f32 v61, v16;
	v61 =	vmul.f32 v38, v17;
	v49 =	vld.idx.msk [tilespmem:v54+s29+$0x0], $0xffff  }
0x102: {  	v56 =	vmul.f32 v33, v7;
	v51 =	vor.u32 $0xD, v1;
	v20 =	vadd.f32 v12, v20;
	v33 =	vld.idx.msk [tilespmem:v57+s29+$0x0], $0xffff  }
0x103: {  	v11 =	vadd.f32 v44, v11;
	v62 =	vadd.f32 v61, v53;
	v61 =	vadd.s32 $0x6D, v1;
	v12 =	vld.idx.msk [tilespmem:v0+s15+$0x0], $0xffff  }
0x104: {  	v17 =	vmul.f32 v37, v17;
	v57 =	vmul.f32 v31, v7;
	v38 =	vld.idx.msk [tilespmem:v0+s16+$0x0], $0xffff;
	v0 =	vadd.s32 $0x8C, v1  }
0x105: {  	v3 =	vadd.f32 v55, v3;
	v16 =	vadd.f32 v43, v16;
	v31 =	vld.idx.msk [tilespmem:v59+s29+$0x0], $0xffff;
	v59 =	vmul.f32 v26, v7  }
0x106: {  	v11 =	vadd.f32 v57, v11;
	v57 =	vmul.f32 v19, v10;
	v37 =	vld.idx.msk [tilespmem:v29+s29+$0x0], $0xffff;
	v29 =	vor.u32 $0xD, v8  }
0x107: {  	v52 =	vadd.f32 v56, v52;
	v19 =	vld.idx.msk [tilespmem:v51+s29+$0x0], $0xffff;
	v44 =	vadd.f32 v59, v62;
	v62 =	vadd.s32 $0x8D, v1  }
0x108: {  	v16 =	vadd.f32 v24, v16;
	v24 =	vadd.f32 v57, v3;
	v3 =	vmul.f32 v14, v10;
	v14 =	vld.idx.msk [tilespmem:v61+s29+$0x0], $0xffff  }
0x109: {  	v20 =	vadd.f32 v17, v20;
	v61 =	vmul.f32 v60, v4;
	v26 =	vld.idx.msk [tilespmem:v0+s29+$0x0], $0xffff;
	v0 =	vadd.s32 $0x4D, v1  }
0x10a: {  	v53 =	vadd.s32 $0x2D, v1;
	v59 =	vmul.f32 v13, v10;
	v44 =	vadd.f32 v3, v44;
	v3 =	vld [tilespmem:$0x1FFF0]  }
0x10b: {  	v17 =	vld.idx.msk [tilespmem:v29+s15+$0x0], $0xffff;
	v24 =	vadd.f32 v61, v24;
	v61 =	vmul.f32 v63, v4;
	v63 =	vor.u32 $0xF, v1  }
0x10c: {  	v11 =	vadd.f32 v15, v11;
	v52 =	vadd.f32 v59, v52;
	v15 =	vld.idx.msk [tilespmem:v62+s29+$0x0], $0xffff;
	v62 =	vmul.f32 v21, v4  }
0x10d: {  	v28 =	vmul.f32 v28, v5;
	v7 =	vmul.f32 v18, v7;
	v18 =	vld.idx.msk [tilespmem:v29+s16+$0x0], $0xffff;
	v29 =	vadd.s32 $0x4E, v1  }
0x10e: {  	v21 =	vadd.s32 $0x4F, v1;
	v52 =	vadd.f32 v62, v52;
	v62 =	vmul.f32 v58, v4;
	v13 =	vld.idx.msk [tilespmem:v0+s29+$0x0], $0xffff  }
0x10f: {  	v51 =	vor.u32 $0xE, v8;
	v0 =	vld [tilespmem:$0x1FFE0]  }
0x110: {  	v44 =	vadd.f32 v62, v44;
	v62 =	vadd.f32 v28, v52;
	v28 =	vld.idx.msk [tilespmem:v63+s29+$0x0], $0xffff;
	v63 =	vor.u32 $0x10, v8  }
0x111: {  	v23 =	vmul.f32 v23, v5;
	v20 =	vadd.f32 v7, v20;
	v7 =	vld.idx.msk [tilespmem:v53+s29+$0x0], $0xffff  }
0x112: {  	v22 =	vmul.f32 v22, v4;
	v4 =	vmul.f32 v27, v4;
	v27 =	vld.idx.msk [tilespmem:v29+s29+$0x0], $0xffff  }
0x113: {  	v2 =	vmul.f32 v2, v5;
	v30 =	vmul.f32 v30, v5;
	v53 =	vor.u32 $0xE, v1;
	v21 =	vld.idx.msk [tilespmem:v21+s29+$0x0], $0xffff  }
0x114: {  	v43 =	vadd.s32 $0x2E, v1;
	v0 =	vmul.f32 v0, v10;
	v10 =	vmul.f32 v3, v10;
	v3 =	vld.idx.msk [tilespmem:v51+s15+$0x0], $0xffff  }
0x115: {  	v32 =	vmul.f32 v32, v5;
	v25 =	vmul.f32 v25, v5;
	v60 =	vadd.s32 $0x8E, v1;
	v5 =	vld.idx.msk [tilespmem:v63+s15+$0x0], $0xffff  }
0x116: {  	v55 =	vadd.s32 $0x6E, v1;
	v29 =	vld.idx.msk [tilespmem:v63+s16+$0x0], $0xffff  }
0x117: {  	v59 =	vor.u32 $0xF, v8;
	v56 =	vadd.f32 v0, v16;
	v0 =	vld.idx.msk [tilespmem:v51+s16+$0x0], $0xffff  }
0x118: {  	v41 =	vmul.f32 v41, v6;
	v57 =	vadd.f32 v10, v20;
	v20 =	vld.idx.msk [tilespmem:v53+s29+$0x0], $0xffff  }
0x119: {  	v35 =	vmul.f32 v35, v6;
	v54 =	vadd.s32 $0x2F, v1;
	v36 =	vmul.f32 v36, v12;
	v16 =	vld.idx.msk [tilespmem:v43+s29+$0x0], $0xffff  }
0x11a: {  	v58 =	vmul.f32 v40, v6;
	v43 =	vadd.f32 v61, v11;
	v11 =	vld.idx.msk [tilespmem:v60+s29+$0x0], $0xffff;
	v60 =	vadd.s32 $0x6F, v1  }
0x11b: {  	v33 =	vmul.f32 v33, v12;
	v31 =	vmul.f32 v31, v12;
	v10 =	vld.idx.msk [tilespmem:v55+s29+$0x0], $0xffff;
	v61 =	vadd.s32 $0x8F, v1  }
0x11c: {  	v23 =	vadd.f32 v23, v24;
	v24 =	vadd.f32 v58, v62;
	v62 =	vadd.s32 $0x70, v1;
	v53 =	vld.idx.msk [tilespmem:v59+s16+$0x0], $0xffff  }
0x11d: {  	v52 =	vmul.f32 v38, v12;
	v51 =	vadd.f32 v4, v57;
	v4 =	vld.idx.msk [tilespmem:v59+s15+$0x0], $0xffff;
	v57 =	vor.u32 $0x10, v1  }
0x11e: {  	v18 =	vmul.f32 v18, v17;
	v30 =	vadd.f32 v30, v43;
	v43 =	vld.idx.msk [tilespmem:v54+s29+$0x0], $0xffff;
	v59 =	vadd.s32 $0x30, v1  }
0x11f: {  	v22 =	vadd.f32 v22, v56;
	v54 =	vmul.f32 v39, v6;
	v39 =	vor.u32 $0x11, v8;
	v40 =	vld.idx.msk [tilespmem:v60+s29+$0x0], $0xffff  }
0x120: {  	v56 =	vmul.f32 v46, v9;
	v2 =	vadd.f32 v2, v51;
	v51 =	vld.idx.msk [tilespmem:v61+s29+$0x0], $0xffff;
	v61 =	vmul.f32 v34, v6  }
0x121: {  	v22 =	vadd.f32 v25, v22;
	v23 =	vadd.f32 v54, v23;
	v54 =	vor.u32 $0x12, v8;
	v34 =	vld.idx.msk [tilespmem:v62+s29+$0x0], $0xffff  }
0x122: {  	v60 =	vadd.s32 $0x50, v1;
	v6 =	vmul.f32 v42, v6;
	v25 =	vadd.f32 v61, v30;
	v30 =	vld.idx.msk [tilespmem:v57+s29+$0x0], $0xffff  }
0x123: {  	v63 =	vadd.s32 $0x90, v1;
	v55 =	vmul.f32 v45, v9;
	v22 =	vadd.f32 v41, v22;
	v41 =	vld.idx.msk [tilespmem:v59+s29+$0x0], $0xffff  }
0x124: {  	v19 =	vmul.f32 v19, v17;
	v24 =	vadd.f32 v56, v24;
	v2 =	vadd.f32 v6, v2;
	v6 =	vld.idx.msk [tilespmem:v39+s15+$0x0], $0xffff  }
0x125: {  	v56 =	vor.u32 $0x12, v1;
	v62 =	vmul.f32 v48, v9;
	v23 =	vadd.f32 v55, v23;
	v39 =	vld.idx.msk [tilespmem:v39+s16+$0x0], $0xffff  }
0x126: {  	v55 =	vmul.f32 v37, v12;
	v12 =	vmul.f32 v26, v12;
	v57 =	vor.u32 $0x11, v1;
	v26 =	vld.idx.msk [tilespmem:v54+s15+$0x0], $0xffff  }
0x127: {  	v58 =	vmul.f32 v50, v9;
	v59 =	vadd.s32 $0x31, v1;
	v22 =	vadd.f32 v62, v22;
	v42 =	vld.idx.msk [tilespmem:v60+s29+$0x0], $0xffff  }
0x128: {  	v61 =	vadd.s32 $0x51, v1;
	v23 =	vadd.f32 v52, v23;
	v60 =	vmul.f32 v47, v9;
	v47 =	vld.idx.msk [tilespmem:v63+s29+$0x0], $0xffff  }
0x129: {  	v32 =	vadd.f32 v32, v44;
	v52 =	vadd.s32 $0x53, v1;
	v22 =	vadd.f32 v31, v22;
	v31 =	vld.idx.msk [tilespmem:v54+s16+$0x0], $0xffff  }
0x12a: {  	v25 =	vadd.f32 v58, v25;
	v58 =	vadd.s32 $0x32, v1;
	v62 =	vadd.f32 v18, v23;
	v18 =	vld.idx.msk [tilespmem:v56+s29+$0x0], $0xffff  }
0x12b: {  	v7 =	vmul.f32 v7, v17;
	v48 =	vadd.s32 $0x94, v1;
	v9 =	vmul.f32 v49, v9;
	v38 =	vld.idx.msk [tilespmem:v57+s29+$0x0], $0xffff  }
0x12c: {  	v14 =	vmul.f32 v14, v17;
	v32 =	vadd.f32 v35, v32;
	v63 =	vadd.s32 $0x71, v1;
	v37 =	vld.idx.msk [tilespmem:v59+s29+$0x0], $0xffff  }
0x12d: {  	v49 =	vadd.s32 $0x91, v1;
	v2 =	vadd.f32 v9, v2;
	v35 =	vld.idx.msk [tilespmem:v61+s29+$0x0], $0xffff;
	v9 =	vadd.f32 v55, v24  }
0x12e: {  	v56 =	vor.u32 $0x14, v8;
	v57 =	vadd.f32 v36, v25;
	v14 =	vadd.f32 v14, v22;
	v22 =	vld.idx.msk [tilespmem:v52+s29+$0x0], $0xffff  }
0x12f: {  	v50 =	vadd.s32 $0x33, v1;
	v32 =	vadd.f32 v60, v32;
	v9 =	vadd.f32 v19, v9;
	v19 =	vld.idx.msk [tilespmem:v58+s29+$0x0], $0xffff  }
0x130: {  	v7 =	vadd.f32 v7, v57;
	v57 =	vmul.f32 v53, v4;
	v53 =	vmul.f32 v41, v5;
	v41 =	vld.idx.msk [tilespmem:v48+s29+$0x0], $0xffff  }
0x131: {  	v59 =	vadd.s32 $0x52, v1;
	v25 =	vld.idx.msk [tilespmem:v63+s29+$0x0], $0xffff  }
0x132: {  	v16 =	vmul.f32 v16, v3;
	v60 =	vadd.s32 $0x72, v1;
	v32 =	vadd.f32 v33, v32;
	v33 =	vld.idx.msk [tilespmem:v49+s29+$0x0], $0xffff  }
0x133: {  	v15 =	vmul.f32 v15, v17;
	v20 =	vmul.f32 v20, v3;
	v61 =	vadd.s32 $0x92, v1;
	v36 =	vld.idx.msk [tilespmem:v56+s15+$0x0], $0xffff  }
0x134: {  	v13 =	vmul.f32 v13, v17;
	v54 =	vadd.s32 $0x73, v1;
	v7 =	vadd.f32 v16, v7;
	v16 =	vld.idx.msk [tilespmem:v50+s29+$0x0], $0xffff  }
0x135: {  	v27 =	vmul.f32 v27, v3;
	v55 =	vadd.s32 $0x93, v1;
	v9 =	vadd.f32 v20, v9;
	v20 =	vld.idx.msk [tilespmem:v56+s16+$0x0], $0xffff  }
0x136: {  	v0 =	vmul.f32 v0, v3;
	v52 =	vor.u32 $0x15, v1;
	v2 =	vadd.f32 v12, v2;
	v17 =	vld.idx.msk [tilespmem:v59+s29+$0x0], $0xffff  }
0x137: {  	v10 =	vmul.f32 v10, v3;
	v3 =	vmul.f32 v11, v3;
	v58 =	vor.u32 $0x14, v1;
	v24 =	vld.idx.msk [tilespmem:v60+s29+$0x0], $0xffff  }
0x138: {  	v21 =	vmul.f32 v21, v4;
	v63 =	vor.u32 $0x13, v8;
	v2 =	vadd.f32 v15, v2;
	v15 =	vld.idx.msk [tilespmem:v61+s29+$0x0], $0xffff  }
0x139: {  	v40 =	vmul.f32 v40, v4;
	v0 =	vadd.f32 v0, v62;
	v59 =	vmul.f32 v28, v4;
	v28 =	vld.idx.msk [tilespmem:v54+s29+$0x0], $0xffff  }
0x13a: {  	v62 =	vmul.f32 v43, v4;
	v49 =	vor.u32 $0x13, v1;
	v2 =	vadd.f32 v3, v2;
	v3 =	vld.idx.msk [tilespmem:v55+s29+$0x0], $0xffff  }
0x13b: {  	v60 =	vadd.s32 $0x34, v1;
	v4 =	vmul.f32 v51, v4;
	v51 =	vmul.f32 v30, v5;
	v30 =	vld.idx.msk [tilespmem:v52+s29+$0x0], $0xffff  }
0x13c: {  	v10 =	vadd.f32 v10, v14;
	v0 =	vadd.f32 v57, v0;
	v61 =	vadd.s32 $0x54, v1;
	v14 =	vld.idx.msk [tilespmem:v58+s29+$0x0], $0xffff  }
0x13d: {  	v50 =	vmul.f32 v29, v5;
	v57 =	vmul.f32 v34, v5;
	v54 =	vadd.s32 $0x35, v1;
	v44 =	vld.idx.msk [tilespmem:v63+s15+$0x0], $0xffff  }
0x13e: {  	v55 =	vmul.f32 v42, v5;
	v5 =	vmul.f32 v47, v5;
	v47 =	vadd.s32 $0x36, v1;
	v23 =	vld.idx.msk [tilespmem:v63+s16+$0x0], $0xffff  }
0x13f: {  	v45 =	vor.u32 $0x16, v1;
	v43 =	vadd.s32 $0x78, v1;
	v52 =	vor.u32 $0x17, v8;
	v12 =	vld.idx.msk [tilespmem:v49+s29+$0x0], $0xffff  }
0x140: {  	v31 =	vmul.f32 v31, v26;
	v7 =	vadd.f32 v62, v7;
	v58 =	vadd.s32 $0x75, v1;
	v29 =	vld.idx.msk [tilespmem:v60+s29+$0x0], $0xffff  }
0x141: {  	v37 =	vmul.f32 v37, v6;
	v9 =	vadd.f32 v59, v9;
	v59 =	vadd.s32 $0x95, v1;
	v11 =	vld.idx.msk [tilespmem:v61+s29+$0x0], $0xffff  }
0x142: {  	v62 =	vmul.f32 v38, v6;
	v63 =	vadd.s32 $0x74, v1;
	v7 =	vadd.f32 v53, v7;
	v38 =	vld.idx.msk [tilespmem:v54+s29+$0x0], $0xffff  }
0x143: {  	v13 =	vadd.f32 v13, v32;
	v49 =	vor.u32 $0x15, v8;
	v53 =	vmul.f32 v19, v26;
	v19 =	vld.idx.msk [tilespmem:v47+s29+$0x0], $0xffff  }
0x144: {  	v18 =	vmul.f32 v18, v26;
	v10 =	vadd.f32 v40, v10;
	v46 =	vadd.f32 v37, v7;
	v37 =	vld.idx.msk [tilespmem:v52+s15+$0x0], $0xffff  }
0x145: {  	v56 =	vadd.s32 $0x55, v1;
	v13 =	vadd.f32 v27, v13;
	v0 =	vadd.f32 v50, v0;
	v7 =	vld.idx.msk [tilespmem:v58+s29+$0x0], $0xffff  }
0x146: {  	v10 =	vadd.f32 v57, v10;
	v50 =	vadd.s32 $0x76, v1;
	v48 =	vmul.f32 v25, v6;
	v25 =	vld.idx.msk [tilespmem:v59+s29+$0x0], $0xffff  }
0x147: {  	v13 =	vadd.f32 v21, v13;
	v60 =	vmul.f32 v39, v6;
	v61 =	vor.u32 $0x16, v8;
	v32 =	vld.idx.msk [tilespmem:v63+s29+$0x0], $0xffff  }
0x148: {  	v57 =	vadd.s32 $0x77, v1;
	v2 =	vadd.f32 v4, v2;
	v4 =	vadd.f32 v51, v9;
	v34 =	vld.idx.msk [tilespmem:v49+s15+$0x0], $0xffff  }
0x149: {  	v51 =	vadd.s32 $0x96, v1;
	v9 =	vadd.f32 v55, v13;
	v0 =	vadd.f32 v60, v0;
	v13 =	vld.idx.msk [tilespmem:v49+s16+$0x0], $0xffff  }
0x14a: {  	v20 =	vmul.f32 v20, v36;
	v54 =	vor.u32 $0x17, v1;
	v63 =	vmul.f32 v35, v6;
	v35 =	vld.idx.msk [tilespmem:v56+s29+$0x0], $0xffff  }
0x14b: {  	v55 =	vadd.s32 $0x37, v1;
	v4 =	vadd.f32 v62, v4;
	v0 =	vadd.f32 v31, v0;
	v31 =	vld.idx.msk [tilespmem:v52+s16+$0x0], $0xffff  }
0x14c: {  	v2 =	vadd.f32 v5, v2;
	v10 =	vadd.f32 v48, v10;
	v6 =	vmul.f32 v33, v6;
	v33 =	vld.idx.msk [tilespmem:v61+s15+$0x0], $0xffff  }
0x14d: {  	v17 =	vmul.f32 v17, v26;
	v4 =	vadd.f32 v18, v4;
	v12 =	vmul.f32 v12, v44;
	v21 =	vld.idx.msk [tilespmem:v61+s16+$0x0], $0xffff  }
0x14e: {  	v24 =	vmul.f32 v24, v26;
	v15 =	vmul.f32 v15, v26;
	v2 =	vadd.f32 v6, v2;
	v6 =	vld.idx.msk [tilespmem:v45+s29+$0x0], $0xffff  }
0x14f: {  	v5 =	vadd.f32 v53, v46;
	v16 =	vmul.f32 v16, v44;
	v4 =	vadd.f32 v12, v4;
	v12 =	vld.idx.msk [tilespmem:v54+s29+$0x0], $0xffff  }
0x150: {  	v39 =	vadd.s32 $0x7A, v1;
	v10 =	vadd.f32 v24, v10;
	v59 =	vor.u32 $0x18, v8;
	v18 =	vld.idx.msk [tilespmem:v55+s29+$0x0], $0xffff  }
0x151: {  	v62 =	vadd.s32 $0x38, v1;
	v9 =	vadd.f32 v63, v9;
	v5 =	vadd.f32 v16, v5;
	v16 =	vld.idx.msk [tilespmem:v57+s29+$0x0], $0xffff  }
0x152: {  	v58 =	vadd.s32 $0x97, v1;
	v49 =	vadd.s32 $0x56, v1;
	v42 =	vmul.f32 v29, v36;
	v29 =	vld.idx.msk [tilespmem:v43+s29+$0x0], $0xffff  }
0x153: {  	v14 =	vmul.f32 v14, v36;
	v46 =	vor.u32 $0x19, v8;
	v9 =	vadd.f32 v17, v9;
	v17 =	vld.idx.msk [tilespmem:v50+s29+$0x0], $0xffff  }
0x154: {  	v53 =	vadd.s32 $0x59, v1;
	v23 =	vmul.f32 v23, v44;
	v2 =	vadd.f32 v15, v2;
	v15 =	vld.idx.msk [tilespmem:v51+s29+$0x0], $0xffff  }
0x155: {  	v56 =	vadd.s32 $0x57, v1;
	v22 =	vmul.f32 v22, v44;
	v60 =	vmul.f32 v28, v44;
	v28 =	vld.idx.msk [tilespmem:v59+s15+$0x0], $0xffff  }
0x156: {  	v3 =	vmul.f32 v3, v44;
	v44 =	vadd.s32 $0x98, v1;
	v0 =	vadd.f32 v23, v0;
	v23 =	vld.idx.msk [tilespmem:v59+s16+$0x0], $0xffff  }
0x157: {  	v61 =	vor.u32 $0x18, v1;
	v10 =	vadd.f32 v60, v10;
	v11 =	vmul.f32 v11, v36;
	v26 =	vld.idx.msk [tilespmem:v49+s29+$0x0], $0xffff  }
0x158: {  	v63 =	vadd.s32 $0x58, v1;
	v45 =	vmul.f32 v41, v36;
	v47 =	vmul.f32 v13, v34;
	v13 =	vld.idx.msk [tilespmem:v62+s29+$0x0], $0xffff  }
0x159: {  	v54 =	vadd.s32 $0x79, v1;
	v4 =	vadd.f32 v14, v4;
	v55 =	vmul.f32 v25, v34;
	v25 =	vld.idx.msk [tilespmem:v46+s16+$0x0], $0xffff  }
0x15a: {  	v5 =	vadd.f32 v42, v5;
	v51 =	vadd.s32 $0x39, v1;
	v9 =	vadd.f32 v22, v9;
	v22 =	vld.idx.msk [tilespmem:v56+s29+$0x0], $0xffff  }
0x15b: {  	v42 =	vadd.s32 $0x9A, v1;
	v32 =	vmul.f32 v32, v36;
	v2 =	vadd.f32 v3, v2;
	v3 =	vld.idx.msk [tilespmem:v58+s29+$0x0], $0xffff  }
0x15c: {  	v0 =	vadd.f32 v20, v0;
	v48 =	vmul.f32 v30, v34;
	v50 =	vmul.f32 v38, v34;
	v24 =	vld.idx.msk [tilespmem:v61+s29+$0x0], $0xffff  }
0x15d: {  	v49 =	vor.u32 $0x19, v1;
	v52 =	vmul.f32 v35, v34;
	v7 =	vmul.f32 v7, v34;
	v20 =	vld.idx.msk [tilespmem:v63+s29+$0x0], $0xffff  }
0x15e: {  	v62 =	vadd.s32 $0x3A, v1;
	v38 =	vadd.s32 $0x5A, v1;
	v10 =	vadd.f32 v32, v10;
	v32 =	vld.idx.msk [tilespmem:v44+s29+$0x0], $0xffff  }
0x15f: {  	v4 =	vadd.f32 v48, v4;
	v6 =	vmul.f32 v6, v33;
	v9 =	vadd.f32 v11, v9;
	v11 =	vld.idx.msk [tilespmem:v46+s15+$0x0], $0xffff  }
0x160: {  	v56 =	vadd.s32 $0x99, v1;
	v58 =	vor.u32 $0x1A, v8;
	v59 =	vmul.f32 v19, v33;
	v19 =	vld.idx.msk [tilespmem:v51+s29+$0x0], $0xffff  }
0x161: {  	v31 =	vmul.f32 v31, v37;
	v0 =	vadd.f32 v47, v0;
	v4 =	vadd.f32 v6, v4;
	v6 =	vld.idx.msk [tilespmem:v54+s29+$0x0], $0xffff  }
0x162: {  	v5 =	vadd.f32 v50, v5;
	v57 =	vmul.f32 v21, v33;
	v61 =	vor.u32 $0x1A, v1;
	v21 =	vld.idx.msk [tilespmem:v49+s29+$0x0], $0xffff  }
0x163: {  	v40 =	vmul.f32 v12, v37;
	v44 =	vor.u32 $0x1B, v8;
	v60 =	vmul.f32 v26, v33;
	v26 =	vld.idx.msk [tilespmem:v53+s29+$0x0], $0xffff  }
0x164: {  	v16 =	vmul.f32 v16, v37;
	v48 =	vor.u32 $0x1B, v1;
	v50 =	vadd.s32 $0x3B, v1;
	v14 =	vld.idx.msk [tilespmem:v62+s29+$0x0], $0xffff  }
0x165: {  	v2 =	vadd.f32 v45, v2;
	v45 =	vmul.f32 v18, v37;
	v7 =	vadd.f32 v7, v10;
	v47 =	vld.idx.msk [tilespmem:v38+s29+$0x0], $0xffff  }
0x166: {  	v0 =	vadd.f32 v57, v0;
	v5 =	vadd.f32 v59, v5;
	v63 =	vmul.f32 v17, v33;
	v49 =	vld.idx.msk [tilespmem:v39+s29+$0x0], $0xffff  }
0x167: {  	v15 =	vmul.f32 v15, v33;
	v51 =	vadd.s32 $0x5B, v1;
	v23 =	vmul.f32 v23, v28;
	v36 =	vld.idx.msk [tilespmem:v56+s29+$0x0], $0xffff  }
0x168: {  	v54 =	vor.u32 $0x1C, v8;
	v57 =	vor.u32 $0x1C, v1;
	v59 =	vadd.s32 $0x3C, v1;
	v33 =	vld.idx.msk [tilespmem:v58+s15+$0x0], $0xffff  }
0x169: {  	v9 =	vadd.f32 v52, v9;
	v2 =	vadd.f32 v55, v2;
	v52 =	vadd.s32 $0x7B, v1;
	v41 =	vld.idx.msk [tilespmem:v58+s16+$0x0], $0xffff  }
0x16a: {  	v13 =	vmul.f32 v13, v28;
	v53 =	vadd.s32 $0x9B, v1;
	v55 =	vmul.f32 v29, v28;
	v43 =	vld.idx.msk [tilespmem:v61+s29+$0x0], $0xffff  }
0x16b: {  	v62 =	vadd.s32 $0x7C, v1;
	v7 =	vadd.f32 v63, v7;
	v0 =	vadd.f32 v31, v0;
	v27 =	vld.idx.msk [tilespmem:v44+s15+$0x0], $0xffff  }
0x16c: {  	v4 =	vadd.f32 v40, v4;
	v46 =	vmul.f32 v22, v37;
	v3 =	vmul.f32 v3, v37;
	v30 =	vld.idx.msk [tilespmem:v44+s16+$0x0], $0xffff  }
0x16d: {  	v5 =	vadd.f32 v45, v5;
	v63 =	vadd.s32 $0x9C, v1;
	v2 =	vadd.f32 v15, v2;
	v18 =	vld.idx.msk [tilespmem:v50+s29+$0x0], $0xffff  }
0x16e: {  	v9 =	vadd.f32 v60, v9;
	v24 =	vmul.f32 v24, v28;
	v0 =	vadd.f32 v23, v0;
	v23 =	vld.idx.msk [tilespmem:v48+s29+$0x0], $0xffff  }
0x16f: {  	v20 =	vmul.f32 v20, v28;
	v56 =	vmul.f32 v32, v28;
	v2 =	vadd.f32 v3, v2;
	v3 =	vld.idx.msk [tilespmem:v42+s29+$0x0], $0xffff  }
0x170: {  	v60 =	vadd.s32 $0x5C, v1;
	v44 =	vadd.s32 $0x3D, v1;
	v7 =	vadd.f32 v16, v7;
	v16 =	vld.idx.msk [tilespmem:v51+s29+$0x0], $0xffff  }
0x171: {  	v32 =	vadd.s32 $0x7E, v1;
	v5 =	vadd.f32 v13, v5;
	v61 =	vmul.f32 v19, v11;
	v19 =	vld.idx.msk [tilespmem:v54+s15+$0x0], $0xffff  }
0x172: {  	v25 =	vmul.f32 v25, v11;
	v9 =	vadd.f32 v46, v9;
	v4 =	vadd.f32 v24, v4;
	v24 =	vld.idx.msk [tilespmem:v54+s16+$0x0], $0xffff  }
0x173: {  	v6 =	vmul.f32 v6, v11;
	v35 =	vld.idx.msk [tilespmem:v57+s29+$0x0], $0xffff;
	v51 =	vadd.s32 $0x9D, v1;
	v57 =	vor.u32 $0x1E, v1  }
0x174: {  	v38 =	vld.idx.msk [tilespmem:v59+s29+$0x0], $0xffff;
	v7 =	vadd.f32 v55, v7;
	v58 =	vmul.f32 v21, v11;
	v0 =	vadd.f32 v25, v0  }
0x175: {  	v21 =	vld.idx.msk [tilespmem:v52+s29+$0x0], $0xffff;
	v26 =	vmul.f32 v26, v11;
	v9 =	vadd.f32 v20, v9;
	v2 =	vadd.f32 v56, v2  }
0x176: {  	v20 =	vld.idx.msk [tilespmem:v53+s29+$0x0], $0xffff;
	v5 =	vadd.f32 v61, v5;
	v11 =	vmul.f32 v36, v11;
	v36 =	vor.u32 $0x1D, v8  }
0x177: {  	v37 =	vmul.f32 v41, v33;
	v41 =	vor.u32 $0x1D, v1;
	v42 =	vmul.f32 v14, v33;
	v46 =	vld.idx.msk [tilespmem:v63+s29+$0x0], $0xffff  }
0x178: {  	v45 =	vmul.f32 v47, v33;
	v47 =	vadd.s32 $0x5D, v1;
	v48 =	vmul.f32 v49, v33;
	v40 =	vld.idx.msk [tilespmem:v60+s29+$0x0], $0xffff  }
0x179: {  	v49 =	vadd.s32 $0x7D, v1;
	v53 =	vor.u32 $0x1E, v8;
	v39 =	vmul.f32 v43, v33;
	v43 =	vld.idx.msk [tilespmem:v62+s29+$0x0], $0xffff  }
0x17a: {  	v8 =	vor.u32 $0x1F, v8;
	v4 =	vadd.f32 v58, v4;
	v6 =	vadd.f32 v6, v7;
	v54 =	vld.idx.msk [tilespmem:v44+s29+$0x0], $0xffff  }
0x17b: {  	v52 =	vmul.f32 v30, v27;
	v18 =	vmul.f32 v18, v27;
	v60 =	vadd.s32 $0x3E, v1;
	v17 =	vld.idx.msk [tilespmem:v51+s29+$0x0], $0xffff  }
0x17c: {  	v62 =	vadd.s32 $0x5E, v1;
	v9 =	vadd.f32 v26, v9;
	v2 =	vadd.f32 v11, v2;
	v10 =	vld.idx.msk [tilespmem:v36+s15+$0x0], $0xffff  }
0x17d: {  	v44 =	vadd.s32 $0x3F, v1;
	v0 =	vadd.f32 v37, v0;
	v5 =	vadd.f32 v42, v5;
	v50 =	vld.idx.msk [tilespmem:v36+s16+$0x0], $0xffff  }
0x17e: {  	v42 =	vor.u32 $0x1F, v1;
	v4 =	vadd.f32 v39, v4;
	v3 =	vmul.f32 v3, v33;
	v25 =	vld.idx.msk [tilespmem:v41+s29+$0x0], $0xffff  }
0x17f: {  	v6 =	vadd.f32 v48, v6;
	v55 =	vmul.f32 v16, v27;
	v24 =	vmul.f32 v24, v19;
	v56 =	vld.idx.msk [tilespmem:v47+s29+$0x0], $0xffff  }
0x180: {  	v33 =	vmul.f32 v35, v19;
	v35 =	vadd.s32 $0x9E, v1;
	v9 =	vadd.f32 v45, v9;
	v59 =	vld.idx.msk [tilespmem:v49+s29+$0x0], $0xffff  }
0x181: {  	v37 =	vmul.f32 v38, v19;
	v0 =	vadd.f32 v52, v0;
	v58 =	vadd.f32 v18, v5;
	v63 =	vld.idx.msk [tilespmem:v53+s15+$0x0], $0xffff  }
0x182: {  	v61 =	vmul.f32 v21, v27;
	v2 =	vadd.f32 v3, v2;
	v3 =	vmul.f32 v23, v27;
	v34 =	vld.idx.msk [tilespmem:v53+s16+$0x0], $0xffff  }
0x183: {  	v20 =	vmul.f32 v20, v27;
	v36 =	vld.idx.msk [tilespmem:v57+s29+$0x0], $0xffff;
	v49 =	vadd.s32 $0x7F, v1;
	v7 =	vadd.f32 v55, v9  }
0x184: {  	v48 =	vld.idx.msk [tilespmem:v8+s15+$0x0], $0xffff;
	v6 =	vadd.f32 v61, v6;
	v0 =	vadd.f32 v24, v0;
	v38 =	vmul.f32 v40, v19  }
0x185: {  	v8 =	vld.idx.msk [tilespmem:v8+s16+$0x0], $0xffff;
	v14 =	vmul.f32 v43, v19;
	v40 =	vmul.f32 v46, v19;
	v46 =	vadd.s32 $0x5F, v1  }
0x186: {  	v39 =	vld.idx.msk [tilespmem:v60+s29+$0x0], $0xffff;
	v1 =	vadd.s32 $0x9F, v1;
	v3 =	vadd.f32 v3, v4;
	v2 =	vadd.f32 v20, v2  }
0x187: {  	v41 =	vld.idx.msk [tilespmem:v62+s29+$0x0], $0xffff;
	v4 =	vadd.f32 v37, v58;
	v11 =	vmul.f32 v50, v10;
	v47 =	vmul.f32 v25, v10  }
0x188: {  	v43 =	vld.idx.msk [tilespmem:v32+s29+$0x0], $0xffff;
	v7 =	vadd.f32 v38, v7;
	v23 =	vmul.f32 v54, v10;
	v16 =	vmul.f32 v56, v10  }
0x189: {  	v12 =	vld.idx.msk [tilespmem:v44+s29+$0x0], $0xffff;
	v6 =	vadd.f32 v14, v6;
	v5 =	vmul.f32 v59, v10;
	v10 =	vmul.f32 v17, v10  }
0x18a: {  	v3 =	vadd.f32 v33, v3;
	v50 =	vld.idx.msk [tilespmem:v42+s29+$0x0], $0xffff;
	v51 =	vmul.f32 v34, v63;
	v52 =	vmul.f32 v36, v63  }
0x18b: {  	v45 =	vld.idx.msk [tilespmem:v35+s29+$0x0], $0xffff;
	v2 =	vadd.f32 v40, v2;
	v57 =	vmul.f32 v8, v48;
	v54 =	vmul.f32 v39, v63  }
0x18c: {  	v53 =	vld.idx.msk [tilespmem:v46+s29+$0x0], $0xffff;
	v55 =	vmul.f32 v41, v63;
	v0 =	vadd.f32 v11, v0;
	v3 =	vadd.f32 v47, v3  }
0x18d: {  	v1 =	vld.idx.msk [tilespmem:v1+s29+$0x0], $0xffff;
	v59 =	vmul.f32 v43, v63;
	v4 =	vadd.f32 v23, v4;
	v7 =	vadd.f32 v16, v7  }
0x18e: {  	v56 =	vld.idx.msk [tilespmem:v49+s29+$0x0], $0xffff;
	v60 =	vmul.f32 v12, v48;
	v5 =	vadd.f32 v5, v6;
	v0 =	vadd.f32 v51, v0  }
0x18f: {  	v2 =	vadd.f32 v10, v2;
	v3 =	vadd.f32 v52, v3;
	v58 =	vmul.f32 v50, v48  }
0x190: {  	v61 =	vmul.f32 v45, v63;
	v4 =	vadd.f32 v54, v4;
	v0 =	vadd.f32 v57, v0  }
0x191: {  	v7 =	vadd.f32 v55, v7;
	v62 =	vmul.f32 v53, v48;
	v3 =	vadd.f32 v58, v3  }
0x192: {  	p0 =	sne.s32 s28, $0x1F0;
	v2 =	vadd.f32 v61, v2;
	v4 =	vadd.f32 v60, v4;
	v1 =	vmul.f32 v1, v48;
	[tilespmem:s26+$0x0] =	vst v0  }
.Ltmp0:
0x193: {  	v5 =	vadd.f32 v59, v5;
	v0 =	vmul.f32 v56, v48;
	v63 =	vadd.f32 v62, v7;
	[tilespmem:s25+$0xFFFFFC00] =	vst v3;
	(pc) =	sbr.rel @p0 .LBB2_2-.Ltmp0, $4  }
0x194: {  	v1 =	vadd.f32 v1, v2;
	[tilespmem:s25+$0xFFFFFE00] =	vst v4  }
0x195: {  	v0 =	vadd.f32 v0, v5;
	[tilespmem:s25+$0x0] =	vst v63  }
0x196: {  	[tilespmem:s25+$0x400] =	vst v1  }
0x197: {  	s28 =	sadd.s32 $0x10, s28;
	s26 =	sadd.s32 $0x10, s26;
	[tilespmem:s25+$0x200] =	vst v0;
	v0 =	vlaneseq.u32;
	s25 =	sadd.s32 $0x10, s25  }
0x198: {  	[hbm4b:s8+s2] =	stream.linear.scatter [tilespmem:s22], [sflag:$0x2], $0x200, $0x38;
	[tilespmem:$0x1DA00] =	vst v63  }
0x199: {  	s24 =	sadd.s32 $0x1, s24;
	_ =	swait.ge [sflag:s11], $0x200  }
0x19a: {  	p0 =	sne.s32 s24, s10;
	[sflag:s11] =	ssyncset.done $0x0  }
.Ltmp1:
0x19b: {  	[sflag:s11] =	ssyncadd.s32 $0xFFFFFE00;
	(pc) =	sbr.rel @p0 .LBB2_1-.Ltmp1, $4  }
0x19c: {  	[hbm4b:s9+s2] =	stream.linear.scatter [tilespmem:s23], [sflag:$0x2], $0xA00, $0x38;
	[tilespmem:$0x1DA00] =	vst v63  }
0x19d: {  	_ =	swait.ge [sflag:s11], $0xA00  }
0x19e: {  	[sflag:s11] =	ssyncset.done $0x0  }
0x19f: {  	[sflag:s11] =	ssyncadd.s32 $0xFFFFF600  }
0x1a0: {  	_ =	sfence.sel $0x180000  }
0x1a1: {  	[bflag:$0x0] =	sbarrier.arrive $0xFFFF  }
0x1a2: {  	_ =	strace $0x90000047  }
0x1a3: {  	s0 =	stileid.u32;
	[bflag:$0x2] =	sbarrier.arrive $0xFFFF  }
0x1a4: {  	p0 =	sne.s32 s0, $0x0;
	s0 =	rddreg [dreg:$0x3]  }
0x1a5: {  	s0 =	sadd.s32 @!p0 $0x100000, s0  }
0x1a6: {  	[sflag:s0] =	ssyncadd.tile.s32 @!p0 $0x1;
	_ =	shalt  }
.Lfunc_end2:
_tile_overlayer_lowered:
.L_overlay_start_2:
0x1a7: {  	(tag) =	ssettag $0x2  }
0x1a8: {  	s0 =	rddreg [dreg:$0x0];
	s2 =	stileid.u32  }
0x1a9: {  	s1 =	rddreg [dreg:$0x1];
	p0 =	sne.s32 s2, $0x0  }
0x1aa: {  	s3 =	rddreg [dreg:$0x2];
	[bflag:$0x3] =	sbarrier.arrive $0xFFFF;
	s2 =	simm.s32 @!p0 $0x1C02  }
0x1ab: {  	[timem:s3], [sflag:s2] =	dma.local @!p0 [hbm:s0], s1  }
0x1ac: {  	s0 =	simm.s32 @!p0 $0x2  }
0x1ad: {  	_ =	swait.ge @!p0 [sflag:s0], s1  }
0x1ae: {  	s1 =	ssub.s32 @!p0 $0x0, s1;
	[sflag:s0] =	ssyncset.done @!p0 $0x0  }
0x1af: {  	[sflag:s0] =	ssyncadd.s32 @!p0 s1  }
0x1b0: {  	[bflag:$0x3] =	sbarrier.arrive $0xFFFF  }
0x1b1: {  	_ =	shalt  }

</sc_bundles>
